<compile_context>
chip_gen: v7x
topology: tpu7x:2x2x1
jax: 0.10.2.dev20260603
libtpu: 0.0.44.dev20260713+nightly
codegen_flags: <defaults>
</compile_context>

<pallas_src>
import functools

import jax
import jax.numpy as jnp
import numpy as np
from jax import lax
from jax.experimental import pallas as pl
from jax.experimental.pallas import tpu as pltpu
from jax.experimental.pallas import tpu_sc as plsc

B = 128
F = 17
H = 128
W = 128
B_SC = 96
B_TC = B - B_SC
RCH = 16
NCH = H // RCH
NW = 32
NCHG = B_SC * NCH // NW
NVEC = RCH * W // 16
SLOTS = 3
HIST = SLOTS * F * 16

THRESH_KEY = 0x3F000000

_SLOT_SAMPLE = (
    (np.arange(NW) * NCHG // NCH)[:, None] + np.arange(SLOTS)[None, :]
).reshape(-1)
assert (_SLOT_SAMPLE == np.arange(NW * SLOTS)).all()


def _sc_call(x):
    mesh = plsc.VectorSubcoreMesh(core_axis_name="c", subcore_axis_name="s")

    @functools.partial(
        pl.kernel,
        mesh=mesh,
        compiler_params=pltpu.CompilerParams(needs_layout_passes=False),
        out_type=jax.ShapeDtypeStruct((NW * HIST,), jnp.float32),
        scratch_types=[
            pltpu.VMEM((F, RCH, W), jnp.float32),
            pltpu.VMEM((F, RCH, W), jnp.float32),
            pltpu.VMEM((F, RCH, W), jnp.float32),
            pltpu.VMEM((HIST,), jnp.float32),
            pltpu.SemaphoreType.DMA,
            pltpu.SemaphoreType.DMA,
            pltpu.SemaphoreType.DMA,
        ],
    )
    def run(x_hbm, out_hbm, buf0, buf1, buf2, hist, sem0, sem1, sem2):
        wid = lax.axis_index("c") * 16 + lax.axis_index("s")
        cg0 = wid * NCHG
        slot0 = cg0 >> 3
        lane = lax.broadcasted_iota(jnp.int32, (16,), 0)
        zeros = jnp.zeros((16,), jnp.float32)
        ones = jnp.ones((16,), jnp.float32)
        bufs = (buf0, buf1, buf2)
        sems = (sem0, sem1, sem2)

        def dma(g, p):
            cg = cg0 + g
            b = B_TC + (cg >> 3)
            h0 = (cg & 7) * RCH
            return pltpu.make_async_copy(
                x_hbm.at[b, :, pl.ds(h0, RCH), :], bufs[p], sems[p]
            )

        dma(0, 0).start()
        dma(1, 1).start()

        def zero_body(i, c):
            hist[pl.ds(i * 16, 16)] = zeros
            return c

        lax.fori_loop(0, HIST // 16, zero_body, 0)

        def consume(g, p):
            dma(g, p).wait()

            if not (isinstance(g, int) and g >= NCHG - 2):

                @pl.when(g < NCHG - 2)
                def _(g=g, p=(p + 2) % 3):
                    dma(g + 2, p).start()

            buf = bufs[p]
            slot = ((cg0 + g) >> 3) - slot0
            cvec = lane + (slot * (F * 16) + 256)

            @plsc.parallel_loop(0, NVEC, unroll=4)
            def vec(i, buf=buf, cvec=cvec):
                r = i >> 3
                w0 = (i & 7) * 16
                k = (
                    lax.bitcast_convert_type(
                        buf[0, r, pl.ds(w0, 16)], jnp.uint32
                    )
                    & ~jnp.uint32(31)
                ) | jnp.uint32(16)
                for cc in range(1, F):
                    kc = (
                        lax.bitcast_convert_type(
                            buf[cc, r, pl.ds(w0, 16)], jnp.uint32
                        )
                        & ~jnp.uint32(31)
                    ) | jnp.uint32(F - 1 - cc)
                    k = jnp.maximum(k, kc)
                ki = lax.bitcast_convert_type(k, jnp.int32)
                idx = cvec - ((ki & 31) << 4)
                valid = ki >= THRESH_KEY
                plsc.addupdate_scatter(hist, [idx], ones, mask=valid)

        def outer(t, c):
            for p in range(3):
                consume(t * 3 + p, p)
            return c

        lax.fori_loop(0, NCHG // 3, outer, 0)
        for g in range(NCHG - NCHG % 3, NCHG):
            consume(g, g % 3)

        pltpu.sync_copy(hist, out_hbm.at[pl.ds(wid * HIST, HIST)])

    return run(x)


def _tc_body(x_ref, o_ref):
    bits = lax.bitcast_convert_type(x_ref[0], jnp.int32)
    m = jnp.max(bits, axis=0)
    m = jnp.where(m >= jnp.int32(THRESH_KEY), m, jnp.int32(-1))
    eq = (bits == m[None]).astype(jnp.float32)
    o_ref[pl.program_id(0)] = jnp.sum(eq, axis=(1, 2))


def _tc_call(x):
    return pl.pallas_call(
        _tc_body,
        grid=(B_TC,),
        in_specs=[pl.BlockSpec((1, F, H, W), lambda i: (i, 0, 0, 0))],
        out_specs=pl.BlockSpec((B_TC, F), lambda i: (0, 0)),
        out_shape=jax.ShapeDtypeStruct((B_TC, F), jnp.float32),
    )(x)


def kernel(x):
    sc = _sc_call(x).reshape(NW * SLOTS, F, 16).sum(axis=-1)
    tc = _tc_call(x)
    return jnp.concatenate([tc, sc], axis=0)

# --- scband reference (transcript-rebuilt; emitter-appended) ---
"""Pipeline reference for scband-dtjoint-structure-classifier-87041807221429 (READ-ONLY COPY).

The authoritative reference and input builder live on the scoring server;
editing this copy changes nothing except your own understanding.
"""

import jax, jax.numpy as jnp
import numpy as np

PROBABILITY_THRESHOLD = 0.5

def setup_inputs(seed: int = 0) -> dict:
    key = jax.random.key(seed)
    x = jax.random.uniform(key, (128, 17, 128, 128), dtype=jnp.float32)
    return {"x": x}

def reference(x):
    # part_detectors_model is Identity: x is already the probability-maps batch
    B, F, H, W = x.shape
    # segmentation map: max probability over parts (channels)
    seg = jnp.max(x, axis=1)                       # [B, H, W]
    # part hits map: argmax over parts
    hits = jnp.argmax(x, axis=1)                   # [B, H, W] int
    # original sets hits to NaN where seg < threshold; np.histogram then drops NaNs,
    # so equivalently only count positions where seg >= threshold
    valid = (seg >= PROBABILITY_THRESHOLD)         # [B, H, W] bool
    hits_flat = hits.reshape(B, -1)                # [B, H*W]
    valid_flat = valid.reshape(B, -1).astype(jnp.float32)
    # per-row histogram with bins = arange(0, F+1): integer values 0..F-1 -> bin index == value
    onehot = jax.nn.one_hot(hits_flat, F, dtype=jnp.float32)  # [B, H*W, F]
    hist = jnp.sum(onehot * valid_flat[:, :, None], axis=1)   # [B, F]
    return hist

if __name__ == "__main__":
    import jax
    _d = setup_inputs()
    print(jax.jit(kernel)(*tuple(_d.values())))

</pallas_src>

<mosaic_0001>
#map = affine_map<(d0, d1) -> (0, 0, 0, 0)>
#map1 = affine_map<(d0, d1) -> (0)>
module attributes {stable_mosaic.version = 14 : i64} {
  func.func @run(%arg0: i32, %arg1: i32, %arg2: memref<128x17x128x128xf32, #tpu.memory_space<hbm>>, %arg3: memref<26112xf32, #tpu.memory_space<hbm>>, %arg4: memref<17x16x128xf32, #tpu.memory_space<vmem>>, %arg5: memref<17x16x128xf32, #tpu.memory_space<vmem>>, %arg6: memref<17x16x128xf32, #tpu.memory_space<vmem>>, %arg7: memref<816xf32, #tpu.memory_space<vmem>>, %arg8: memref<!tpu.dma_semaphore, #tpu.memory_space<semaphore_mem>>, %arg9: memref<!tpu.dma_semaphore, #tpu.memory_space<semaphore_mem>>, %arg10: memref<!tpu.dma_semaphore, #tpu.memory_space<semaphore_mem>>) attributes {dimension_semantics = [#tpu.dimension_semantics<core_parallel>, #tpu.dimension_semantics<subcore_parallel>], iteration_bounds = array<i64: 2, 16>, scalar_prefetch = 0 : i64, scratch_operands = 7 : i64, tpu.core_type = #tpu.core_type<sc_vector_subcore>, window_params = [{transform_indices = #map}, {transform_indices = #map1}]} {
    %mul3A = arith.constant 16 : i32
    %mul3A_0 = arith.muli %arg0, %mul3A : i32
    %add3A = arith.addi %mul3A_0, %arg1 : i32
    %mul3A_1 = arith.constant 24 : i32
    %mul3A_2 = arith.muli %add3A, %mul3A_1 : i32
    %shift_right_arithmetic3A = arith.constant 3 : i32
    %shift_right_arithmetic3A_3 = arith.shrsi %mul3A_2, %shift_right_arithmetic3A : i32
    %iota3A = tpu.iota {dimensions = array<i32: 0>} : vector<16xi32>
    %broadcast_in_dim3A = arith.constant 0.000000e+00 : f32
    %broadcast_in_dim3A_4 = vector.broadcast %broadcast_in_dim3A : f32 to vector<16xf32>
    %broadcast_in_dim3A_5 = arith.constant 1.000000e+00 : f32
    %broadcast_in_dim3A_6 = vector.broadcast %broadcast_in_dim3A_5 : f32 to vector<16xf32>
    %add3A_7 = arith.constant 0 : i32
    %add3A_8 = arith.addi %mul3A_2, %add3A_7 : i32
    %shift_right_arithmetic3A_9 = arith.constant 3 : i32
    %shift_right_arithmetic3A_10 = arith.shrsi %add3A_8, %shift_right_arithmetic3A_9 : i32
    %add3A_11 = arith.constant 32 : i32
    %add3A_12 = arith.addi %add3A_11, %shift_right_arithmetic3A_10 : i32
    %and3A = arith.constant 7 : i32
    %and3A_13 = arith.andi %add3A_8, %and3A : i32
    %mul3A_14 = arith.constant 16 : i32
    %mul3A_15 = arith.muli %and3A_13, %mul3A_14 : i32
    %dma_start3A = arith.constant 0 : i32
    %dma_start3A_16 = arith.constant 0 : i32
    %dma_start3A_17 = tpu.memref_slice %arg2[%add3A_12, %dma_start3A, %mul3A_15, %dma_start3A_16] : memref<128x17x128x128xf32, #tpu.memory_space<hbm>> -> memref<1x17x16x128xf32, #tpu.memory_space<hbm>>
    %dma_start3A_18 = tpu.memref_squeeze %dma_start3A_17 : memref<1x17x16x128xf32, #tpu.memory_space<hbm>> -> memref<17x16x128xf32, #tpu.memory_space<hbm>>
    %dma_start3A_19 = arith.constant 0 : i32
    %dma_start3A_20 = arith.constant 0 : i32
    %dma_start3A_21 = tpu.memref_slice %arg2[%add3A_12, %dma_start3A_19, %mul3A_15, %dma_start3A_20] : memref<128x17x128x128xf32, #tpu.memory_space<hbm>> -> memref<1x17x16x128xf32, #tpu.memory_space<hbm>>
    %dma_start3A_22 = tpu.memref_squeeze %dma_start3A_21 : memref<1x17x16x128xf32, #tpu.memory_space<hbm>> -> memref<17x16x128xf32, #tpu.memory_space<hbm>>
    tpu.enqueue_dma source(%dma_start3A_22 : memref<17x16x128xf32, #tpu.memory_space<hbm>>) target(%arg4 : memref<17x16x128xf32, #tpu.memory_space<vmem>>) target_semaphore(%arg8 : memref<!tpu.dma_semaphore, #tpu.memory_space<semaphore_mem>>)
    %add3A_23 = arith.constant 1 : i32
    %add3A_24 = arith.addi %mul3A_2, %add3A_23 : i32
    %shift_right_arithmetic3A_25 = arith.constant 3 : i32
    %shift_right_arithmetic3A_26 = arith.shrsi %add3A_24, %shift_right_arithmetic3A_25 : i32
    %add3A_27 = arith.constant 32 : i32
    %add3A_28 = arith.addi %add3A_27, %shift_right_arithmetic3A_26 : i32
    %and3A_29 = arith.constant 7 : i32
    %and3A_30 = arith.andi %add3A_24, %and3A_29 : i32
    %mul3A_31 = arith.constant 16 : i32
    %mul3A_32 = arith.muli %and3A_30, %mul3A_31 : i32
    %dma_start3A_33 = arith.constant 0 : i32
    %dma_start3A_34 = arith.constant 0 : i32
    %dma_start3A_35 = tpu.memref_slice %arg2[%add3A_28, %dma_start3A_33, %mul3A_32, %dma_start3A_34] : memref<128x17x128x128xf32, #tpu.memory_space<hbm>> -> memref<1x17x16x128xf32, #tpu.memory_space<hbm>>
    %dma_start3A_36 = tpu.memref_squeeze %dma_start3A_35 : memref<1x17x16x128xf32, #tpu.memory_space<hbm>> -> memref<17x16x128xf32, #tpu.memory_space<hbm>>
    %dma_start3A_37 = arith.constant 0 : i32
    %dma_start3A_38 = arith.constant 0 : i32
    %dma_start3A_39 = tpu.memref_slice %arg2[%add3A_28, %dma_start3A_37, %mul3A_32, %dma_start3A_38] : memref<128x17x128x128xf32, #tpu.memory_space<hbm>> -> memref<1x17x16x128xf32, #tpu.memory_space<hbm>>
    %dma_start3A_40 = tpu.memref_squeeze %dma_start3A_39 : memref<1x17x16x128xf32, #tpu.memory_space<hbm>> -> memref<17x16x128xf32, #tpu.memory_space<hbm>>
    tpu.enqueue_dma source(%dma_start3A_40 : memref<17x16x128xf32, #tpu.memory_space<hbm>>) target(%arg5 : memref<17x16x128xf32, #tpu.memory_space<vmem>>) target_semaphore(%arg9 : memref<!tpu.dma_semaphore, #tpu.memory_space<semaphore_mem>>)
    %scan3A = arith.constant 0 : i32
    %scan3A_41 = arith.constant 0 : i32
    %scan3A_42 = arith.constant 51 : i32
    %scan3A_43 = arith.addi %scan3A_41, %scan3A_42 : i32
    %scan3A_44 = arith.constant 1 : i32
    scf.for %scan3A_54 = %scan3A_41 to %scan3A_43 step %scan3A_44  : i32 {
      %mul3A_55 = arith.constant 16 : i32
      %mul3A_56 = arith.muli %scan3A_54, %mul3A_55 : i32
      %swap3A = arith.index_cast %mul3A_56 : i32 to index
      %swap3A_57 = tpu.vector_load %arg7[%swap3A] {strides = array<i32>} : memref<816xf32, #tpu.memory_space<vmem>>, vector<16xf32>,
      tpu.vector_store %arg7[%swap3A], %broadcast_in_dim3A_4 {strides = array<i32>} : memref<816xf32, #tpu.memory_space<vmem>>, vector<16xf32>,
    }
    %scan3A_45 = arith.constant 51 : i32
    %scan3A_46 = arith.constant 0 : i32
    %scan3A_47 = arith.constant 0 : i32
    %scan3A_48 = arith.constant 8 : i32
    %scan3A_49 = arith.addi %scan3A_47, %scan3A_48 : i32
    %scan3A_50 = arith.constant 1 : i32
    scf.for %scan3A_54 = %scan3A_47 to %scan3A_49 step %scan3A_50  : i32 {
      %mul3A_55 = arith.constant 3 : i32
      %mul3A_56 = arith.muli %scan3A_54, %mul3A_55 : i32
      %add3A_57 = arith.constant 0 : i32
      %add3A_58 = arith.addi %mul3A_56, %add3A_57 : i32
      %add3A_59 = arith.addi %mul3A_2, %add3A_58 : i32
      %shift_right_arithmetic3A_60 = arith.constant 3 : i32
      %shift_right_arithmetic3A_61 = arith.shrsi %add3A_59, %shift_right_arithmetic3A_60 : i32
      %add3A_62 = arith.constant 32 : i32
      %add3A_63 = arith.addi %add3A_62, %shift_right_arithmetic3A_61 : i32
      %and3A_64 = arith.constant 7 : i32
      %and3A_65 = arith.andi %add3A_59, %and3A_64 : i32
      %mul3A_66 = arith.constant 16 : i32
      %mul3A_67 = arith.muli %and3A_65, %mul3A_66 : i32
      %dma_wait3A = arith.constant 0 : i32
      %dma_wait3A_68 = arith.constant 0 : i32
      %dma_wait3A_69 = tpu.memref_slice %arg2[%add3A_63, %dma_wait3A, %mul3A_67, %dma_wait3A_68] : memref<128x17x128x128xf32, #tpu.memory_space<hbm>> -> memref<1x17x16x128xf32, #tpu.memory_space<hbm>>
      %dma_wait3A_70 = tpu.memref_squeeze %dma_wait3A_69 : memref<1x17x16x128xf32, #tpu.memory_space<hbm>> -> memref<17x16x128xf32, #tpu.memory_space<hbm>>
      %dma_wait3A_71 = arith.constant 0 : i32
      %dma_wait3A_72 = arith.constant 0 : i32
      %dma_wait3A_73 = tpu.memref_slice %arg2[%add3A_63, %dma_wait3A_71, %mul3A_67, %dma_wait3A_72] : memref<128x17x128x128xf32, #tpu.memory_space<hbm>> -> memref<1x17x16x128xf32, #tpu.memory_space<hbm>>
      %dma_wait3A_74 = tpu.memref_squeeze %dma_wait3A_73 : memref<1x17x16x128xf32, #tpu.memory_space<hbm>> -> memref<17x16x128xf32, #tpu.memory_space<hbm>>
      tpu.wait_dma2 semaphore(%arg8 : memref<!tpu.dma_semaphore, #tpu.memory_space<semaphore_mem>>) src(%dma_wait3A_74 : memref<17x16x128xf32, #tpu.memory_space<hbm>>) dst(%arg4 : memref<17x16x128xf32, #tpu.memory_space<vmem>>)
      %lt3A = arith.constant 22 : i32
      %lt3A_75 = arith.cmpi slt, %add3A_58, %lt3A : i32
      %convert_element_type3A = arith.extui %lt3A_75 : i1 to i32
      %cond3A = arith.constant 0 : i32
      %cond3A_76 = arith.cmpi ne, %convert_element_type3A, %cond3A : i32
      scf.if %cond3A_76 {
        %add3A_166 = arith.constant 2 : i32
        %add3A_167 = arith.addi %add3A_58, %add3A_166 : i32
        %add3A_168 = arith.addi %mul3A_2, %add3A_167 : i32
        %shift_right_arithmetic3A_169 = arith.constant 3 : i32
        %shift_right_arithmetic3A_170 = arith.shrsi %add3A_168, %shift_right_arithmetic3A_169 : i32
        %add3A_171 = arith.constant 32 : i32
        %add3A_172 = arith.addi %add3A_171, %shift_right_arithmetic3A_170 : i32
        %and3A_173 = arith.constant 7 : i32
        %and3A_174 = arith.andi %add3A_168, %and3A_173 : i32
        %mul3A_175 = arith.constant 16 : i32
        %mul3A_176 = arith.muli %and3A_174, %mul3A_175 : i32
        %dma_start3A_177 = arith.constant 0 : i32
        %dma_start3A_178 = arith.constant 0 : i32
        %dma_start3A_179 = tpu.memref_slice %arg2[%add3A_172, %dma_start3A_177, %mul3A_176, %dma_start3A_178] : memref<128x17x128x128xf32, #tpu.memory_space<hbm>> -> memref<1x17x16x128xf32, #tpu.memory_space<hbm>>
        %dma_start3A_180 = tpu.memref_squeeze %dma_start3A_179 : memref<1x17x16x128xf32, #tpu.memory_space<hbm>> -> memref<17x16x128xf32, #tpu.memory_space<hbm>>
        %dma_start3A_181 = arith.constant 0 : i32
        %dma_start3A_182 = arith.constant 0 : i32
        %dma_start3A_183 = tpu.memref_slice %arg2[%add3A_172, %dma_start3A_181, %mul3A_176, %dma_start3A_182] : memref<128x17x128x128xf32, #tpu.memory_space<hbm>> -> memref<1x17x16x128xf32, #tpu.memory_space<hbm>>
        %dma_start3A_184 = tpu.memref_squeeze %dma_start3A_183 : memref<1x17x16x128xf32, #tpu.memory_space<hbm>> -> memref<17x16x128xf32, #tpu.memory_space<hbm>>
        tpu.enqueue_dma source(%dma_start3A_184 : memref<17x16x128xf32, #tpu.memory_space<hbm>>) target(%arg6 : memref<17x16x128xf32, #tpu.memory_space<vmem>>) target_semaphore(%arg10 : memref<!tpu.dma_semaphore, #tpu.memory_space<semaphore_mem>>)
      } else {
      }
      %add3A_77 = arith.addi %mul3A_2, %add3A_58 : i32
      %shift_right_arithmetic3A_78 = arith.constant 3 : i32
      %shift_right_arithmetic3A_79 = arith.shrsi %add3A_77, %shift_right_arithmetic3A_78 : i32
      %sub3A = arith.subi %shift_right_arithmetic3A_79, %shift_right_arithmetic3A_3 : i32
      %mul3A_80 = arith.constant 272 : i32
      %mul3A_81 = arith.muli %sub3A, %mul3A_80 : i32
      %add3A_82 = arith.constant 256 : i32
      %add3A_83 = arith.addi %mul3A_81, %add3A_82 : i32
      %add3A_84 = vector.broadcast %add3A_83 : i32 to vector<16xi32>
      %add3A_85 = arith.addi %iota3A, %add3A_84 : vector<16xi32>
      %parallel_loop3A = arith.constant 0 : i32
      %parallel_loop3A_86 = arith.constant 128 : i32
      %parallel_loop3A_87 = arith.constant 1 : i32
      scf.for %parallel_loop3A_166 = %parallel_loop3A to %parallel_loop3A_86 step %parallel_loop3A_87  : i32 {
        %parallel_loop3A_167 = arith.constant 3 : i32
        %parallel_loop3A_168 = arith.shrsi %parallel_loop3A_166, %parallel_loop3A_167 : i32
        %parallel_loop3A_169 = arith.constant 7 : i32
        %parallel_loop3A_170 = arith.andi %parallel_loop3A_166, %parallel_loop3A_169 : i32
        %parallel_loop3A_171 = arith.constant 16 : i32
        %parallel_loop3A_172 = arith.muli %parallel_loop3A_170, %parallel_loop3A_171 : i32
        %parallel_loop3A_173 = arith.constant 0 : i32
        %parallel_loop3A_174 = arith.index_cast %parallel_loop3A_173 : i32 to index
        %parallel_loop3A_175 = arith.index_cast %parallel_loop3A_168 : i32 to index
        %parallel_loop3A_176 = arith.index_cast %parallel_loop3A_172 : i32 to index
        %parallel_loop3A_177 = tpu.vector_load %arg4[%parallel_loop3A_174, %parallel_loop3A_175, %parallel_loop3A_176] {strides = array<i32>} : memref<17x16x128xf32, #tpu.memory_space<vmem>>, vector<16xf32>,
        %parallel_loop3A_178 = tpu.bitcast %parallel_loop3A_177 : vector<16xf32> -> vector<16xi32>
        %parallel_loop3A_179 = arith.constant 31 : i32
        %parallel_loop3A_180 = arith.constant -1 : i32
        %parallel_loop3A_181 = arith.xori %parallel_loop3A_179, %parallel_loop3A_180 : i32
        %parallel_loop3A_182 = vector.broadcast %parallel_loop3A_181 : i32 to vector<16xi32>
        %parallel_loop3A_183 = arith.andi %parallel_loop3A_178, %parallel_loop3A_182 : vector<16xi32>
        %parallel_loop3A_184 = arith.constant 16 : i32
        %parallel_loop3A_185 = vector.broadcast %parallel_loop3A_184 : i32 to vector<16xi32>
        %parallel_loop3A_186 = arith.ori %parallel_loop3A_183, %parallel_loop3A_185 : vector<16xi32>
        %parallel_loop3A_187 = arith.constant 1 : i32
        %parallel_loop3A_188 = arith.index_cast %parallel_loop3A_187 : i32 to index
        %parallel_loop3A_189 = arith.index_cast %parallel_loop3A_168 : i32 to index
        %parallel_loop3A_190 = arith.index_cast %parallel_loop3A_172 : i32 to index
        %parallel_loop3A_191 = tpu.vector_load %arg4[%parallel_loop3A_188, %parallel_loop3A_189, %parallel_loop3A_190] {strides = array<i32>} : memref<17x16x128xf32, #tpu.memory_space<vmem>>, vector<16xf32>,
        %parallel_loop3A_192 = tpu.bitcast %parallel_loop3A_191 : vector<16xf32> -> vector<16xi32>
        %parallel_loop3A_193 = arith.constant 31 : i32
        %parallel_loop3A_194 = arith.constant -1 : i32
        %parallel_loop3A_195 = arith.xori %parallel_loop3A_193, %parallel_loop3A_194 : i32
        %parallel_loop3A_196 = vector.broadcast %parallel_loop3A_195 : i32 to vector<16xi32>
        %parallel_loop3A_197 = arith.andi %parallel_loop3A_192, %parallel_loop3A_196 : vector<16xi32>
        %parallel_loop3A_198 = arith.constant 15 : i32
        %parallel_loop3A_199 = vector.broadcast %parallel_loop3A_198 : i32 to vector<16xi32>
        %parallel_loop3A_200 = arith.ori %parallel_loop3A_197, %parallel_loop3A_199 : vector<16xi32>
        %parallel_loop3A_201 = arith.maxui %parallel_loop3A_186, %parallel_loop3A_200 : vector<16xi32>
        %parallel_loop3A_202 = arith.constant 2 : i32
        %parallel_loop3A_203 = arith.index_cast %parallel_loop3A_202 : i32 to index
        %parallel_loop3A_204 = arith.index_cast %parallel_loop3A_168 : i32 to index
        %parallel_loop3A_205 = arith.index_cast %parallel_loop3A_172 : i32 to index
        %parallel_loop3A_206 = tpu.vector_load %arg4[%parallel_loop3A_203, %parallel_loop3A_204, %parallel_loop3A_205] {strides = array<i32>} : memref<17x16x128xf32, #tpu.memory_space<vmem>>, vector<16xf32>,
        %parallel_loop3A_207 = tpu.bitcast %parallel_loop3A_206 : vector<16xf32> -> vector<16xi32>
        %parallel_loop3A_208 = arith.constant 31 : i32
        %parallel_loop3A_209 = arith.constant -1 : i32
        %parallel_loop3A_210 = arith.xori %parallel_loop3A_208, %parallel_loop3A_209 : i32
        %parallel_loop3A_211 = vector.broadcast %parallel_loop3A_210 : i32 to vector<16xi32>
        %parallel_loop3A_212 = arith.andi %parallel_loop3A_207, %parallel_loop3A_211 : vector<16xi32>
        %parallel_loop3A_213 = arith.constant 14 : i32
        %parallel_loop3A_214 = vector.broadcast %parallel_loop3A_213 : i32 to vector<16xi32>
        %parallel_loop3A_215 = arith.ori %parallel_loop3A_212, %parallel_loop3A_214 : vector<16xi32>
        %parallel_loop3A_216 = arith.maxui %parallel_loop3A_201, %parallel_loop3A_215 : vector<16xi32>
        %parallel_loop3A_217 = arith.constant 3 : i32
        %parallel_loop3A_218 = arith.index_cast %parallel_loop3A_217 : i32 to index
        %parallel_loop3A_219 = arith.index_cast %parallel_loop3A_168 : i32 to index
        %parallel_loop3A_220 = arith.index_cast %parallel_loop3A_172 : i32 to index
        %parallel_loop3A_221 = tpu.vector_load %arg4[%parallel_loop3A_218, %parallel_loop3A_219, %parallel_loop3A_220] {strides = array<i32>} : memref<17x16x128xf32, #tpu.memory_space<vmem>>, vector<16xf32>,
        %parallel_loop3A_222 = tpu.bitcast %parallel_loop3A_221 : vector<16xf32> -> vector<16xi32>
        %parallel_loop3A_223 = arith.constant 31 : i32
        %parallel_loop3A_224 = arith.constant -1 : i32
        %parallel_loop3A_225 = arith.xori %parallel_loop3A_223, %parallel_loop3A_224 : i32
        %parallel_loop3A_226 = vector.broadcast %parallel_loop3A_225 : i32 to vector<16xi32>
        %parallel_loop3A_227 = arith.andi %parallel_loop3A_222, %parallel_loop3A_226 : vector<16xi32>
        %parallel_loop3A_228 = arith.constant 13 : i32
        %parallel_loop3A_229 = vector.broadcast %parallel_loop3A_228 : i32 to vector<16xi32>
        %parallel_loop3A_230 = arith.ori %parallel_loop3A_227, %parallel_loop3A_229 : vector<16xi32>
        %parallel_loop3A_231 = arith.maxui %parallel_loop3A_216, %parallel_loop3A_230 : vector<16xi32>
        %parallel_loop3A_232 = arith.constant 4 : i32
        %parallel_loop3A_233 = arith.index_cast %parallel_loop3A_232 : i32 to index
        %parallel_loop3A_234 = arith.index_cast %parallel_loop3A_168 : i32 to index
        %parallel_loop3A_235 = arith.index_cast %parallel_loop3A_172 : i32 to index
        %parallel_loop3A_236 = tpu.vector_load %arg4[%parallel_loop3A_233, %parallel_loop3A_234, %parallel_loop3A_235] {strides = array<i32>} : memref<17x16x128xf32, #tpu.memory_space<vmem>>, vector<16xf32>,
        %parallel_loop3A_237 = tpu.bitcast %parallel_loop3A_236 : vector<16xf32> -> vector<16xi32>
        %parallel_loop3A_238 = arith.constant 31 : i32
        %parallel_loop3A_239 = arith.constant -1 : i32
        %parallel_loop3A_240 = arith.xori %parallel_loop3A_238, %parallel_loop3A_239 : i32
        %parallel_loop3A_241 = vector.broadcast %parallel_loop3A_240 : i32 to vector<16xi32>
        %parallel_loop3A_242 = arith.andi %parallel_loop3A_237, %parallel_loop3A_241 : vector<16xi32>
        %parallel_loop3A_243 = arith.constant 12 : i32
        %parallel_loop3A_244 = vector.broadcast %parallel_loop3A_243 : i32 to vector<16xi32>
        %parallel_loop3A_245 = arith.ori %parallel_loop3A_242, %parallel_loop3A_244 : vector<16xi32>
        %parallel_loop3A_246 = arith.maxui %parallel_loop3A_231, %parallel_loop3A_245 : vector<16xi32>
        %parallel_loop3A_247 = arith.constant 5 : i32
        %parallel_loop3A_248 = arith.index_cast %parallel_loop3A_247 : i32 to index
        %parallel_loop3A_249 = arith.index_cast %parallel_loop3A_168 : i32 to index
        %parallel_loop3A_250 = arith.index_cast %parallel_loop3A_172 : i32 to index
        %parallel_loop3A_251 = tpu.vector_load %arg4[%parallel_loop3A_248, %parallel_loop3A_249, %parallel_loop3A_250] {strides = array<i32>} : memref<17x16x128xf32, #tpu.memory_space<vmem>>, vector<16xf32>,
        %parallel_loop3A_252 = tpu.bitcast %parallel_loop3A_251 : vector<16xf32> -> vector<16xi32>
        %parallel_loop3A_253 = arith.constant 31 : i32
        %parallel_loop3A_254 = arith.constant -1 : i32
        %parallel_loop3A_255 = arith.xori %parallel_loop3A_253, %parallel_loop3A_254 : i32
        %parallel_loop3A_256 = vector.broadcast %parallel_loop3A_255 : i32 to vector<16xi32>
        %parallel_loop3A_257 = arith.andi %parallel_loop3A_252, %parallel_loop3A_256 : vector<16xi32>
        %parallel_loop3A_258 = arith.constant 11 : i32
        %parallel_loop3A_259 = vector.broadcast %parallel_loop3A_258 : i32 to vector<16xi32>
        %parallel_loop3A_260 = arith.ori %parallel_loop3A_257, %parallel_loop3A_259 : vector<16xi32>
        %parallel_loop3A_261 = arith.maxui %parallel_loop3A_246, %parallel_loop3A_260 : vector<16xi32>
        %parallel_loop3A_262 = arith.constant 6 : i32
        %parallel_loop3A_263 = arith.index_cast %parallel_loop3A_262 : i32 to index
        %parallel_loop3A_264 = arith.index_cast %parallel_loop3A_168 : i32 to index
        %parallel_loop3A_265 = arith.index_cast %parallel_loop3A_172 : i32 to index
        %parallel_loop3A_266 = tpu.vector_load %arg4[%parallel_loop3A_263, %parallel_loop3A_264, %parallel_loop3A_265] {strides = array<i32>} : memref<17x16x128xf32, #tpu.memory_space<vmem>>, vector<16xf32>,
        %parallel_loop3A_267 = tpu.bitcast %parallel_loop3A_266 : vector<16xf32> -> vector<16xi32>
        %parallel_loop3A_268 = arith.constant 31 : i32
        %parallel_loop3A_269 = arith.constant -1 : i32
        %parallel_loop3A_270 = arith.xori %parallel_loop3A_268, %parallel_loop3A_269 : i32
        %parallel_loop3A_271 = vector.broadcast %parallel_loop3A_270 : i32 to vector<16xi32>
        %parallel_loop3A_272 = arith.andi %parallel_loop3A_267, %parallel_loop3A_271 : vector<16xi32>
        %parallel_loop3A_273 = arith.constant 10 : i32
        %parallel_loop3A_274 = vector.broadcast %parallel_loop3A_273 : i32 to vector<16xi32>
        %parallel_loop3A_275 = arith.ori %parallel_loop3A_272, %parallel_loop3A_274 : vector<16xi32>
        %parallel_loop3A_276 = arith.maxui %parallel_loop3A_261, %parallel_loop3A_275 : vector<16xi32>
        %parallel_loop3A_277 = arith.constant 7 : i32
        %parallel_loop3A_278 = arith.index_cast %parallel_loop3A_277 : i32 to index
        %parallel_loop3A_279 = arith.index_cast %parallel_loop3A_168 : i32 to index
        %parallel_loop3A_280 = arith.index_cast %parallel_loop3A_172 : i32 to index
        %parallel_loop3A_281 = tpu.vector_load %arg4[%parallel_loop3A_278, %parallel_loop3A_279, %parallel_loop3A_280] {strides = array<i32>} : memref<17x16x128xf32, #tpu.memory_space<vmem>>, vector<16xf32>,
        %parallel_loop3A_282 = tpu.bitcast %parallel_loop3A_281 : vector<16xf32> -> vector<16xi32>
        %parallel_loop3A_283 = arith.constant 31 : i32
        %parallel_loop3A_284 = arith.constant -1 : i32
        %parallel_loop3A_285 = arith.xori %parallel_loop3A_283, %parallel_loop3A_284 : i32
        %parallel_loop3A_286 = vector.broadcast %parallel_loop3A_285 : i32 to vector<16xi32>
        %parallel_loop3A_287 = arith.andi %parallel_loop3A_282, %parallel_loop3A_286 : vector<16xi32>
        %parallel_loop3A_288 = arith.constant 9 : i32
        %parallel_loop3A_289 = vector.broadcast %parallel_loop3A_288 : i32 to vector<16xi32>
        %parallel_loop3A_290 = arith.ori %parallel_loop3A_287, %parallel_loop3A_289 : vector<16xi32>
        %parallel_loop3A_291 = arith.maxui %parallel_loop3A_276, %parallel_loop3A_290 : vector<16xi32>
        %parallel_loop3A_292 = arith.constant 8 : i32
        %parallel_loop3A_293 = arith.index_cast %parallel_loop3A_292 : i32 to index
        %parallel_loop3A_294 = arith.index_cast %parallel_loop3A_168 : i32 to index
        %parallel_loop3A_295 = arith.index_cast %parallel_loop3A_172 : i32 to index
        %parallel_loop3A_296 = tpu.vector_load %arg4[%parallel_loop3A_293, %parallel_loop3A_294, %parallel_loop3A_295] {strides = array<i32>} : memref<17x16x128xf32, #tpu.memory_space<vmem>>, vector<16xf32>,
        %parallel_loop3A_297 = tpu.bitcast %parallel_loop3A_296 : vector<16xf32> -> vector<16xi32>
        %parallel_loop3A_298 = arith.constant 31 : i32
        %parallel_loop3A_299 = arith.constant -1 : i32
        %parallel_loop3A_300 = arith.xori %parallel_loop3A_298, %parallel_loop3A_299 : i32
        %parallel_loop3A_301 = vector.broadcast %parallel_loop3A_300 : i32 to vector<16xi32>
        %parallel_loop3A_302 = arith.andi %parallel_loop3A_297, %parallel_loop3A_301 : vector<16xi32>
        %parallel_loop3A_303 = arith.constant 8 : i32
        %parallel_loop3A_304 = vector.broadcast %parallel_loop3A_303 : i32 to vector<16xi32>
        %parallel_loop3A_305 = arith.ori %parallel_loop3A_302, %parallel_loop3A_304 : vector<16xi32>
        %parallel_loop3A_306 = arith.maxui %parallel_loop3A_291, %parallel_loop3A_305 : vector<16xi32>
        %parallel_loop3A_307 = arith.constant 9 : i32
        %parallel_loop3A_308 = arith.index_cast %parallel_loop3A_307 : i32 to index
        %parallel_loop3A_309 = arith.index_cast %parallel_loop3A_168 : i32 to index
        %parallel_loop3A_310 = arith.index_cast %parallel_loop3A_172 : i32 to index
        %parallel_loop3A_311 = tpu.vector_load %arg4[%parallel_loop3A_308, %parallel_loop3A_309, %parallel_loop3A_310] {strides = array<i32>} : memref<17x16x128xf32, #tpu.memory_space<vmem>>, vector<16xf32>,
        %parallel_loop3A_312 = tpu.bitcast %parallel_loop3A_311 : vector<16xf32> -> vector<16xi32>
        %parallel_loop3A_313 = arith.constant 31 : i32
        %parallel_loop3A_314 = arith.constant -1 : i32
        %parallel_loop3A_315 = arith.xori %parallel_loop3A_313, %parallel_loop3A_314 : i32
        %parallel_loop3A_316 = vector.broadcast %parallel_loop3A_315 : i32 to vector<16xi32>
        %parallel_loop3A_317 = arith.andi %parallel_loop3A_312, %parallel_loop3A_316 : vector<16xi32>
        %parallel_loop3A_318 = arith.constant 7 : i32
        %parallel_loop3A_319 = vector.broadcast %parallel_loop3A_318 : i32 to vector<16xi32>
        %parallel_loop3A_320 = arith.ori %parallel_loop3A_317, %parallel_loop3A_319 : vector<16xi32>
        %parallel_loop3A_321 = arith.maxui %parallel_loop3A_306, %parallel_loop3A_320 : vector<16xi32>
        %parallel_loop3A_322 = arith.constant 10 : i32
        %parallel_loop3A_323 = arith.index_cast %parallel_loop3A_322 : i32 to index
        %parallel_loop3A_324 = arith.index_cast %parallel_loop3A_168 : i32 to index
        %parallel_loop3A_325 = arith.index_cast %parallel_loop3A_172 : i32 to index
        %parallel_loop3A_326 = tpu.vector_load %arg4[%parallel_loop3A_323, %parallel_loop3A_324, %parallel_loop3A_325] {strides = array<i32>} : memref<17x16x128xf32, #tpu.memory_space<vmem>>, vector<16xf32>,
        %parallel_loop3A_327 = tpu.bitcast %parallel_loop3A_326 : vector<16xf32> -> vector<16xi32>
        %parallel_loop3A_328 = arith.constant 31 : i32
        %parallel_loop3A_329 = arith.constant -1 : i32
        %parallel_loop3A_330 = arith.xori %parallel_loop3A_328, %parallel_loop3A_329 : i32
        %parallel_loop3A_331 = vector.broadcast %parallel_loop3A_330 : i32 to vector<16xi32>
        %parallel_loop3A_332 = arith.andi %parallel_loop3A_327, %parallel_loop3A_331 : vector<16xi32>
        %parallel_loop3A_333 = arith.constant 6 : i32
        %parallel_loop3A_334 = vector.broadcast %parallel_loop3A_333 : i32 to vector<16xi32>
        %parallel_loop3A_335 = arith.ori %parallel_loop3A_332, %parallel_loop3A_334 : vector<16xi32>
        %parallel_loop3A_336 = arith.maxui %parallel_loop3A_321, %parallel_loop3A_335 : vector<16xi32>
        %parallel_loop3A_337 = arith.constant 11 : i32
        %parallel_loop3A_338 = arith.index_cast %parallel_loop3A_337 : i32 to index
        %parallel_loop3A_339 = arith.index_cast %parallel_loop3A_168 : i32 to index
        %parallel_loop3A_340 = arith.index_cast %parallel_loop3A_172 : i32 to index
        %parallel_loop3A_341 = tpu.vector_load %arg4[%parallel_loop3A_338, %parallel_loop3A_339, %parallel_loop3A_340] {strides = array<i32>} : memref<17x16x128xf32, #tpu.memory_space<vmem>>, vector<16xf32>,
        %parallel_loop3A_342 = tpu.bitcast %parallel_loop3A_341 : vector<16xf32> -> vector<16xi32>
        %parallel_loop3A_343 = arith.constant 31 : i32
        %parallel_loop3A_344 = arith.constant -1 : i32
        %parallel_loop3A_345 = arith.xori %parallel_loop3A_343, %parallel_loop3A_344 : i32
        %parallel_loop3A_346 = vector.broadcast %parallel_loop3A_345 : i32 to vector<16xi32>
        %parallel_loop3A_347 = arith.andi %parallel_loop3A_342, %parallel_loop3A_346 : vector<16xi32>
        %parallel_loop3A_348 = arith.constant 5 : i32
        %parallel_loop3A_349 = vector.broadcast %parallel_loop3A_348 : i32 to vector<16xi32>
        %parallel_loop3A_350 = arith.ori %parallel_loop3A_347, %parallel_loop3A_349 : vector<16xi32>
        %parallel_loop3A_351 = arith.maxui %parallel_loop3A_336, %parallel_loop3A_350 : vector<16xi32>
        %parallel_loop3A_352 = arith.constant 12 : i32
        %parallel_loop3A_353 = arith.index_cast %parallel_loop3A_352 : i32 to index
        %parallel_loop3A_354 = arith.index_cast %parallel_loop3A_168 : i32 to index
        %parallel_loop3A_355 = arith.index_cast %parallel_loop3A_172 : i32 to index
        %parallel_loop3A_356 = tpu.vector_load %arg4[%parallel_loop3A_353, %parallel_loop3A_354, %parallel_loop3A_355] {strides = array<i32>} : memref<17x16x128xf32, #tpu.memory_space<vmem>>, vector<16xf32>,
        %parallel_loop3A_357 = tpu.bitcast %parallel_loop3A_356 : vector<16xf32> -> vector<16xi32>
        %parallel_loop3A_358 = arith.constant 31 : i32
        %parallel_loop3A_359 = arith.constant -1 : i32
        %parallel_loop3A_360 = arith.xori %parallel_loop3A_358, %parallel_loop3A_359 : i32
        %parallel_loop3A_361 = vector.broadcast %parallel_loop3A_360 : i32 to vector<16xi32>
        %parallel_loop3A_362 = arith.andi %parallel_loop3A_357, %parallel_loop3A_361 : vector<16xi32>
        %parallel_loop3A_363 = arith.constant 4 : i32
        %parallel_loop3A_364 = vector.broadcast %parallel_loop3A_363 : i32 to vector<16xi32>
        %parallel_loop3A_365 = arith.ori %parallel_loop3A_362, %parallel_loop3A_364 : vector<16xi32>
        %parallel_loop3A_366 = arith.maxui %parallel_loop3A_351, %parallel_loop3A_365 : vector<16xi32>
        %parallel_loop3A_367 = arith.constant 13 : i32
        %parallel_loop3A_368 = arith.index_cast %parallel_loop3A_367 : i32 to index
        %parallel_loop3A_369 = arith.index_cast %parallel_loop3A_168 : i32 to index
        %parallel_loop3A_370 = arith.index_cast %parallel_loop3A_172 : i32 to index
        %parallel_loop3A_371 = tpu.vector_load %arg4[%parallel_loop3A_368, %parallel_loop3A_369, %parallel_loop3A_370] {strides = array<i32>} : memref<17x16x128xf32, #tpu.memory_space<vmem>>, vector<16xf32>,
        %parallel_loop3A_372 = tpu.bitcast %parallel_loop3A_371 : vector<16xf32> -> vector<16xi32>
        %parallel_loop3A_373 = arith.constant 31 : i32
        %parallel_loop3A_374 = arith.constant -1 : i32
        %parallel_loop3A_375 = arith.xori %parallel_loop3A_373, %parallel_loop3A_374 : i32
        %parallel_loop3A_376 = vector.broadcast %parallel_loop3A_375 : i32 to vector<16xi32>
        %parallel_loop3A_377 = arith.andi %parallel_loop3A_372, %parallel_loop3A_376 : vector<16xi32>
        %parallel_loop3A_378 = arith.constant 3 : i32
        %parallel_loop3A_379 = vector.broadcast %parallel_loop3A_378 : i32 to vector<16xi32>
        %parallel_loop3A_380 = arith.ori %parallel_loop3A_377, %parallel_loop3A_379 : vector<16xi32>
        %parallel_loop3A_381 = arith.maxui %parallel_loop3A_366, %parallel_loop3A_380 : vector<16xi32>
        %parallel_loop3A_382 = arith.constant 14 : i32
        %parallel_loop3A_383 = arith.index_cast %parallel_loop3A_382 : i32 to index
        %parallel_loop3A_384 = arith.index_cast %parallel_loop3A_168 : i32 to index
        %parallel_loop3A_385 = arith.index_cast %parallel_loop3A_172 : i32 to index
        %parallel_loop3A_386 = tpu.vector_load %arg4[%parallel_loop3A_383, %parallel_loop3A_384, %parallel_loop3A_385] {strides = array<i32>} : memref<17x16x128xf32, #tpu.memory_space<vmem>>, vector<16xf32>,
        %parallel_loop3A_387 = tpu.bitcast %parallel_loop3A_386 : vector<16xf32> -> vector<16xi32>
        %parallel_loop3A_388 = arith.constant 31 : i32
        %parallel_loop3A_389 = arith.constant -1 : i32
        %parallel_loop3A_390 = arith.xori %parallel_loop3A_388, %parallel_loop3A_389 : i32
        %parallel_loop3A_391 = vector.broadcast %parallel_loop3A_390 : i32 to vector<16xi32>
        %parallel_loop3A_392 = arith.andi %parallel_loop3A_387, %parallel_loop3A_391 : vector<16xi32>
        %parallel_loop3A_393 = arith.constant 2 : i32
        %parallel_loop3A_394 = vector.broadcast %parallel_loop3A_393 : i32 to vector<16xi32>
        %parallel_loop3A_395 = arith.ori %parallel_loop3A_392, %parallel_loop3A_394 : vector<16xi32>
        %parallel_loop3A_396 = arith.maxui %parallel_loop3A_381, %parallel_loop3A_395 : vector<16xi32>
        %parallel_loop3A_397 = arith.constant 15 : i32
        %parallel_loop3A_398 = arith.index_cast %parallel_loop3A_397 : i32 to index
        %parallel_loop3A_399 = arith.index_cast %parallel_loop3A_168 : i32 to index
        %parallel_loop3A_400 = arith.index_cast %parallel_loop3A_172 : i32 to index
        %parallel_loop3A_401 = tpu.vector_load %arg4[%parallel_loop3A_398, %parallel_loop3A_399, %parallel_loop3A_400] {strides = array<i32>} : memref<17x16x128xf32, #tpu.memory_space<vmem>>, vector<16xf32>,
        %parallel_loop3A_402 = tpu.bitcast %parallel_loop3A_401 : vector<16xf32> -> vector<16xi32>
        %parallel_loop3A_403 = arith.constant 31 : i32
        %parallel_loop3A_404 = arith.constant -1 : i32
        %parallel_loop3A_405 = arith.xori %parallel_loop3A_403, %parallel_loop3A_404 : i32
        %parallel_loop3A_406 = vector.broadcast %parallel_loop3A_405 : i32 to vector<16xi32>
        %parallel_loop3A_407 = arith.andi %parallel_loop3A_402, %parallel_loop3A_406 : vector<16xi32>
        %parallel_loop3A_408 = arith.constant 1 : i32
        %parallel_loop3A_409 = vector.broadcast %parallel_loop3A_408 : i32 to vector<16xi32>
        %parallel_loop3A_410 = arith.ori %parallel_loop3A_407, %parallel_loop3A_409 : vector<16xi32>
        %parallel_loop3A_411 = arith.maxui %parallel_loop3A_396, %parallel_loop3A_410 : vector<16xi32>
        %parallel_loop3A_412 = arith.constant 16 : i32
        %parallel_loop3A_413 = arith.index_cast %parallel_loop3A_412 : i32 to index
        %parallel_loop3A_414 = arith.index_cast %parallel_loop3A_168 : i32 to index
        %parallel_loop3A_415 = arith.index_cast %parallel_loop3A_172 : i32 to index
        %parallel_loop3A_416 = tpu.vector_load %arg4[%parallel_loop3A_413, %parallel_loop3A_414, %parallel_loop3A_415] {strides = array<i32>} : memref<17x16x128xf32, #tpu.memory_space<vmem>>, vector<16xf32>,
        %parallel_loop3A_417 = tpu.bitcast %parallel_loop3A_416 : vector<16xf32> -> vector<16xi32>
        %parallel_loop3A_418 = arith.constant 31 : i32
        %parallel_loop3A_419 = arith.constant -1 : i32
        %parallel_loop3A_420 = arith.xori %parallel_loop3A_418, %parallel_loop3A_419 : i32
        %parallel_loop3A_421 = vector.broadcast %parallel_loop3A_420 : i32 to vector<16xi32>
        %parallel_loop3A_422 = arith.andi %parallel_loop3A_417, %parallel_loop3A_421 : vector<16xi32>
        %parallel_loop3A_423 = arith.constant 0 : i32
        %parallel_loop3A_424 = vector.broadcast %parallel_loop3A_423 : i32 to vector<16xi32>
        %parallel_loop3A_425 = arith.ori %parallel_loop3A_422, %parallel_loop3A_424 : vector<16xi32>
        %parallel_loop3A_426 = arith.maxui %parallel_loop3A_411, %parallel_loop3A_425 : vector<16xi32>
        %parallel_loop3A_427 = tpu.bitcast %parallel_loop3A_426 : vector<16xi32> -> vector<16xi32>
        %parallel_loop3A_428 = arith.constant 31 : i32
        %parallel_loop3A_429 = vector.broadcast %parallel_loop3A_428 : i32 to vector<16xi32>
        %parallel_loop3A_430 = arith.andi %parallel_loop3A_427, %parallel_loop3A_429 : vector<16xi32>
        %parallel_loop3A_431 = arith.constant 4 : i32
        %parallel_loop3A_432 = vector.broadcast %parallel_loop3A_431 : i32 to vector<16xi32>
        %parallel_loop3A_433 = arith.shli %parallel_loop3A_430, %parallel_loop3A_432 : vector<16xi32>
        %parallel_loop3A_434 = arith.subi %add3A_85, %parallel_loop3A_433 : vector<16xi32>
        %parallel_loop3A_435 = arith.constant 1056964608 : i32
        %parallel_loop3A_436 = vector.broadcast %parallel_loop3A_435 : i32 to vector<16xi32>
        %parallel_loop3A_437 = arith.cmpi sge, %parallel_loop3A_427, %parallel_loop3A_436 : vector<16xi32>
        tpu.vector_store_idx %arg7[%parallel_loop3A_434], %broadcast_in_dim3A_6 masked %parallel_loop3A_437 {add = true} : memref<816xf32, #tpu.memory_space<vmem>>[vector<16xi32>], vector<16xf32>, vector<16xi1>
      } {sc.loop_unroll_factor = 4 : i64, sc.parallel_access}
      %mul3A_88 = arith.constant 3 : i32
      %mul3A_89 = arith.muli %scan3A_54, %mul3A_88 : i32
      %add3A_90 = arith.constant 1 : i32
      %add3A_91 = arith.addi %mul3A_89, %add3A_90 : i32
      %add3A_92 = arith.addi %mul3A_2, %add3A_91 : i32
      %shift_right_arithmetic3A_93 = arith.constant 3 : i32
      %shift_right_arithmetic3A_94 = arith.shrsi %add3A_92, %shift_right_arithmetic3A_93 : i32
      %add3A_95 = arith.constant 32 : i32
      %add3A_96 = arith.addi %add3A_95, %shift_right_arithmetic3A_94 : i32
      %and3A_97 = arith.constant 7 : i32
      %and3A_98 = arith.andi %add3A_92, %and3A_97 : i32
      %mul3A_99 = arith.constant 16 : i32
      %mul3A_100 = arith.muli %and3A_98, %mul3A_99 : i32
      %dma_wait3A_101 = arith.constant 0 : i32
      %dma_wait3A_102 = arith.constant 0 : i32
      %dma_wait3A_103 = tpu.memref_slice %arg2[%add3A_96, %dma_wait3A_101, %mul3A_100, %dma_wait3A_102] : memref<128x17x128x128xf32, #tpu.memory_space<hbm>> -> memref<1x17x16x128xf32, #tpu.memory_space<hbm>>
      %dma_wait3A_104 = tpu.memref_squeeze %dma_wait3A_103 : memref<1x17x16x128xf32, #tpu.memory_space<hbm>> -> memref<17x16x128xf32, #tpu.memory_space<hbm>>
      %dma_wait3A_105 = arith.constant 0 : i32
      %dma_wait3A_106 = arith.constant 0 : i32
      %dma_wait3A_107 = tpu.memref_slice %arg2[%add3A_96, %dma_wait3A_105, %mul3A_100, %dma_wait3A_106] : memref<128x17x128x128xf32, #tpu.memory_space<hbm>> -> memref<1x17x16x128xf32, #tpu.memory_space<hbm>>
      %dma_wait3A_108 = tpu.memref_squeeze %dma_wait3A_107 : memref<1x17x16x128xf32, #tpu.memory_space<hbm>> -> memref<17x16x128xf32, #tpu.memory_space<hbm>>
      tpu.wait_dma2 semaphore(%arg9 : memref<!tpu.dma_semaphore, #tpu.memory_space<semaphore_mem>>) src(%dma_wait3A_108 : memref<17x16x128xf32, #tpu.memory_space<hbm>>) dst(%arg5 : memref<17x16x128xf32, #tpu.memory_space<vmem>>)
      %lt3A_109 = arith.constant 22 : i32
      %lt3A_110 = arith.cmpi slt, %add3A_91, %lt3A_109 : i32
      %convert_element_type3A_111 = arith.extui %lt3A_110 : i1 to i32
      %cond3A_112 = arith.constant 0 : i32
      %cond3A_113 = arith.cmpi ne, %convert_element_type3A_111, %cond3A_112 : i32
      scf.if %cond3A_113 {
        %add3A_166 = arith.constant 2 : i32
        %add3A_167 = arith.addi %add3A_91, %add3A_166 : i32
        %add3A_168 = arith.addi %mul3A_2, %add3A_167 : i32
        %shift_right_arithmetic3A_169 = arith.constant 3 : i32
        %shift_right_arithmetic3A_170 = arith.shrsi %add3A_168, %shift_right_arithmetic3A_169 : i32
        %add3A_171 = arith.constant 32 : i32
        %add3A_172 = arith.addi %add3A_171, %shift_right_arithmetic3A_170 : i32
        %and3A_173 = arith.constant 7 : i32
        %and3A_174 = arith.andi %add3A_168, %and3A_173 : i32
        %mul3A_175 = arith.constant 16 : i32
        %mul3A_176 = arith.muli %and3A_174, %mul3A_175 : i32
        %dma_start3A_177 = arith.constant 0 : i32
        %dma_start3A_178 = arith.constant 0 : i32
        %dma_start3A_179 = tpu.memref_slice %arg2[%add3A_172, %dma_start3A_177, %mul3A_176, %dma_start3A_178] : memref<128x17x128x128xf32, #tpu.memory_space<hbm>> -> memref<1x17x16x128xf32, #tpu.memory_space<hbm>>
        %dma_start3A_180 = tpu.memref_squeeze %dma_start3A_179 : memref<1x17x16x128xf32, #tpu.memory_space<hbm>> -> memref<17x16x128xf32, #tpu.memory_space<hbm>>
        %dma_start3A_181 = arith.constant 0 : i32
        %dma_start3A_182 = arith.constant 0 : i32
        %dma_start3A_183 = tpu.memref_slice %arg2[%add3A_172, %dma_start3A_181, %mul3A_176, %dma_start3A_182] : memref<128x17x128x128xf32, #tpu.memory_space<hbm>> -> memref<1x17x16x128xf32, #tpu.memory_space<hbm>>
        %dma_start3A_184 = tpu.memref_squeeze %dma_start3A_183 : memref<1x17x16x128xf32, #tpu.memory_space<hbm>> -> memref<17x16x128xf32, #tpu.memory_space<hbm>>
        tpu.enqueue_dma source(%dma_start3A_184 : memref<17x16x128xf32, #tpu.memory_space<hbm>>) target(%arg4 : memref<17x16x128xf32, #tpu.memory_space<vmem>>) target_semaphore(%arg8 : memref<!tpu.dma_semaphore, #tpu.memory_space<semaphore_mem>>)
      } else {
      }
      %add3A_114 = arith.addi %mul3A_2, %add3A_91 : i32
      %shift_right_arithmetic3A_115 = arith.constant 3 : i32
      %shift_right_arithmetic3A_116 = arith.shrsi %add3A_114, %shift_right_arithmetic3A_115 : i32
      %sub3A_117 = arith.subi %shift_right_arithmetic3A_116, %shift_right_arithmetic3A_3 : i32
      %mul3A_118 = arith.constant 272 : i32
      %mul3A_119 = arith.muli %sub3A_117, %mul3A_118 : i32
      %add3A_120 = arith.constant 256 : i32
      %add3A_121 = arith.addi %mul3A_119, %add3A_120 : i32
      %add3A_122 = vector.broadcast %add3A_121 : i32 to vector<16xi32>
      %add3A_123 = arith.addi %iota3A, %add3A_122 : vector<16xi32>
      %parallel_loop3A_124 = arith.constant 0 : i32
      %parallel_loop3A_125 = arith.constant 128 : i32
      %parallel_loop3A_126 = arith.constant 1 : i32
      scf.for %parallel_loop3A_166 = %parallel_loop3A_124 to %parallel_loop3A_125 step %parallel_loop3A_126  : i32 {
        %parallel_loop3A_167 = arith.constant 3 : i32
        %parallel_loop3A_168 = arith.shrsi %parallel_loop3A_166, %parallel_loop3A_167 : i32
        %parallel_loop3A_169 = arith.constant 7 : i32
        %parallel_loop3A_170 = arith.andi %parallel_loop3A_166, %parallel_loop3A_169 : i32
        %parallel_loop3A_171 = arith.constant 16 : i32
        %parallel_loop3A_172 = arith.muli %parallel_loop3A_170, %parallel_loop3A_171 : i32
        %parallel_loop3A_173 = arith.constant 0 : i32
        %parallel_loop3A_174 = arith.index_cast %parallel_loop3A_173 : i32 to index
        %parallel_loop3A_175 = arith.index_cast %parallel_loop3A_168 : i32 to index
        %parallel_loop3A_176 = arith.index_cast %parallel_loop3A_172 : i32 to index
        %parallel_loop3A_177 = tpu.vector_load %arg5[%parallel_loop3A_174, %parallel_loop3A_175, %parallel_loop3A_176] {strides = array<i32>} : memref<17x16x128xf32, #tpu.memory_space<vmem>>, vector<16xf32>,
        %parallel_loop3A_178 = tpu.bitcast %parallel_loop3A_177 : vector<16xf32> -> vector<16xi32>
        %parallel_loop3A_179 = arith.constant 31 : i32
        %parallel_loop3A_180 = arith.constant -1 : i32
        %parallel_loop3A_181 = arith.xori %parallel_loop3A_179, %parallel_loop3A_180 : i32
        %parallel_loop3A_182 = vector.broadcast %parallel_loop3A_181 : i32 to vector<16xi32>
        %parallel_loop3A_183 = arith.andi %parallel_loop3A_178, %parallel_loop3A_182 : vector<16xi32>
        %parallel_loop3A_184 = arith.constant 16 : i32
        %parallel_loop3A_185 = vector.broadcast %parallel_loop3A_184 : i32 to vector<16xi32>
        %parallel_loop3A_186 = arith.ori %parallel_loop3A_183, %parallel_loop3A_185 : vector<16xi32>
        %parallel_loop3A_187 = arith.constant 1 : i32
        %parallel_loop3A_188 = arith.index_cast %parallel_loop3A_187 : i32 to index
        %parallel_loop3A_189 = arith.index_cast %parallel_loop3A_168 : i32 to index
        %parallel_loop3A_190 = arith.index_cast %parallel_loop3A_172 : i32 to index
        %parallel_loop3A_191 = tpu.vector_load %arg5[%parallel_loop3A_188, %parallel_loop3A_189, %parallel_loop3A_190] {strides = array<i32>} : memref<17x16x128xf32, #tpu.memory_space<vmem>>, vector<16xf32>,
        %parallel_loop3A_192 = tpu.bitcast %parallel_loop3A_191 : vector<16xf32> -> vector<16xi32>
        %parallel_loop3A_193 = arith.constant 31 : i32
        %parallel_loop3A_194 = arith.constant -1 : i32
        %parallel_loop3A_195 = arith.xori %parallel_loop3A_193, %parallel_loop3A_194 : i32
        %parallel_loop3A_196 = vector.broadcast %parallel_loop3A_195 : i32 to vector<16xi32>
        %parallel_loop3A_197 = arith.andi %parallel_loop3A_192, %parallel_loop3A_196 : vector<16xi32>
        %parallel_loop3A_198 = arith.constant 15 : i32
        %parallel_loop3A_199 = vector.broadcast %parallel_loop3A_198 : i32 to vector<16xi32>
        %parallel_loop3A_200 = arith.ori %parallel_loop3A_197, %parallel_loop3A_199 : vector<16xi32>
        %parallel_loop3A_201 = arith.maxui %parallel_loop3A_186, %parallel_loop3A_200 : vector<16xi32>
        %parallel_loop3A_202 = arith.constant 2 : i32
        %parallel_loop3A_203 = arith.index_cast %parallel_loop3A_202 : i32 to index
        %parallel_loop3A_204 = arith.index_cast %parallel_loop3A_168 : i32 to index
        %parallel_loop3A_205 = arith.index_cast %parallel_loop3A_172 : i32 to index
        %parallel_loop3A_206 = tpu.vector_load %arg5[%parallel_loop3A_203, %parallel_loop3A_204, %parallel_loop3A_205] {strides = array<i32>} : memref<17x16x128xf32, #tpu.memory_space<vmem>>, vector<16xf32>,
        %parallel_loop3A_207 = tpu.bitcast %parallel_loop3A_206 : vector<16xf32> -> vector<16xi32>
        %parallel_loop3A_208 = arith.constant 31 : i32
        %parallel_loop3A_209 = arith.constant -1 : i32
        %parallel_loop3A_210 = arith.xori %parallel_loop3A_208, %parallel_loop3A_209 : i32
        %parallel_loop3A_211 = vector.broadcast %parallel_loop3A_210 : i32 to vector<16xi32>
        %parallel_loop3A_212 = arith.andi %parallel_loop3A_207, %parallel_loop3A_211 : vector<16xi32>
        %parallel_loop3A_213 = arith.constant 14 : i32
        %parallel_loop3A_214 = vector.broadcast %parallel_loop3A_213 : i32 to vector<16xi32>
        %parallel_loop3A_215 = arith.ori %parallel_loop3A_212, %parallel_loop3A_214 : vector<16xi32>
        %parallel_loop3A_216 = arith.maxui %parallel_loop3A_201, %parallel_loop3A_215 : vector<16xi32>
        %parallel_loop3A_217 = arith.constant 3 : i32
        %parallel_loop3A_218 = arith.index_cast %parallel_loop3A_217 : i32 to index
        %parallel_loop3A_219 = arith.index_cast %parallel_loop3A_168 : i32 to index
        %parallel_loop3A_220 = arith.index_cast %parallel_loop3A_172 : i32 to index
        %parallel_loop3A_221 = tpu.vector_load %arg5[%parallel_loop3A_218, %parallel_loop3A_219, %parallel_loop3A_220] {strides = array<i32>} : memref<17x16x128xf32, #tpu.memory_space<vmem>>, vector<16xf32>,
        %parallel_loop3A_222 = tpu.bitcast %parallel_loop3A_221 : vector<16xf32> -> vector<16xi32>
        %parallel_loop3A_223 = arith.constant 31 : i32
        %parallel_loop3A_224 = arith.constant -1 : i32
        %parallel_loop3A_225 = arith.xori %parallel_loop3A_223, %parallel_loop3A_224 : i32
        %parallel_loop3A_226 = vector.broadcast %parallel_loop3A_225 : i32 to vector<16xi32>
        %parallel_loop3A_227 = arith.andi %parallel_loop3A_222, %parallel_loop3A_226 : vector<16xi32>
        %parallel_loop3A_228 = arith.constant 13 : i32
        %parallel_loop3A_229 = vector.broadcast %parallel_loop3A_228 : i32 to vector<16xi32>
        %parallel_loop3A_230 = arith.ori %parallel_loop3A_227, %parallel_loop3A_229 : vector<16xi32>
        %parallel_loop3A_231 = arith.maxui %parallel_loop3A_216, %parallel_loop3A_230 : vector<16xi32>
        %parallel_loop3A_232 = arith.constant 4 : i32
        %parallel_loop3A_233 = arith.index_cast %parallel_loop3A_232 : i32 to index
        %parallel_loop3A_234 = arith.index_cast %parallel_loop3A_168 : i32 to index
        %parallel_loop3A_235 = arith.index_cast %parallel_loop3A_172 : i32 to index
        %parallel_loop3A_236 = tpu.vector_load %arg5[%parallel_loop3A_233, %parallel_loop3A_234, %parallel_loop3A_235] {strides = array<i32>} : memref<17x16x128xf32, #tpu.memory_space<vmem>>, vector<16xf32>,
        %parallel_loop3A_237 = tpu.bitcast %parallel_loop3A_236 : vector<16xf32> -> vector<16xi32>
        %parallel_loop3A_238 = arith.constant 31 : i32
        %parallel_loop3A_239 = arith.constant -1 : i32
        %parallel_loop3A_240 = arith.xori %parallel_loop3A_238, %parallel_loop3A_239 : i32
        %parallel_loop3A_241 = vector.broadcast %parallel_loop3A_240 : i32 to vector<16xi32>
        %parallel_loop3A_242 = arith.andi %parallel_loop3A_237, %parallel_loop3A_241 : vector<16xi32>
        %parallel_loop3A_243 = arith.constant 12 : i32
        %parallel_loop3A_244 = vector.broadcast %parallel_loop3A_243 : i32 to vector<16xi32>
        %parallel_loop3A_245 = arith.ori %parallel_loop3A_242, %parallel_loop3A_244 : vector<16xi32>
        %parallel_loop3A_246 = arith.maxui %parallel_loop3A_231, %parallel_loop3A_245 : vector<16xi32>
        %parallel_loop3A_247 = arith.constant 5 : i32
        %parallel_loop3A_248 = arith.index_cast %parallel_loop3A_247 : i32 to index
        %parallel_loop3A_249 = arith.index_cast %parallel_loop3A_168 : i32 to index
        %parallel_loop3A_250 = arith.index_cast %parallel_loop3A_172 : i32 to index
        %parallel_loop3A_251 = tpu.vector_load %arg5[%parallel_loop3A_248, %parallel_loop3A_249, %parallel_loop3A_250] {strides = array<i32>} : memref<17x16x128xf32, #tpu.memory_space<vmem>>, vector<16xf32>,
        %parallel_loop3A_252 = tpu.bitcast %parallel_loop3A_251 : vector<16xf32> -> vector<16xi32>
        %parallel_loop3A_253 = arith.constant 31 : i32
        %parallel_loop3A_254 = arith.constant -1 : i32
        %parallel_loop3A_255 = arith.xori %parallel_loop3A_253, %parallel_loop3A_254 : i32
        %parallel_loop3A_256 = vector.broadcast %parallel_loop3A_255 : i32 to vector<16xi32>
        %parallel_loop3A_257 = arith.andi %parallel_loop3A_252, %parallel_loop3A_256 : vector<16xi32>
        %parallel_loop3A_258 = arith.constant 11 : i32
        %parallel_loop3A_259 = vector.broadcast %parallel_loop3A_258 : i32 to vector<16xi32>
        %parallel_loop3A_260 = arith.ori %parallel_loop3A_257, %parallel_loop3A_259 : vector<16xi32>
        %parallel_loop3A_261 = arith.maxui %parallel_loop3A_246, %parallel_loop3A_260 : vector<16xi32>
        %parallel_loop3A_262 = arith.constant 6 : i32
        %parallel_loop3A_263 = arith.index_cast %parallel_loop3A_262 : i32 to index
        %parallel_loop3A_264 = arith.index_cast %parallel_loop3A_168 : i32 to index
        %parallel_loop3A_265 = arith.index_cast %parallel_loop3A_172 : i32 to index
        %parallel_loop3A_266 = tpu.vector_load %arg5[%parallel_loop3A_263, %parallel_loop3A_264, %parallel_loop3A_265] {strides = array<i32>} : memref<17x16x128xf32, #tpu.memory_space<vmem>>, vector<16xf32>,
        %parallel_loop3A_267 = tpu.bitcast %parallel_loop3A_266 : vector<16xf32> -> vector<16xi32>
        %parallel_loop3A_268 = arith.constant 31 : i32
        %parallel_loop3A_269 = arith.constant -1 : i32
        %parallel_loop3A_270 = arith.xori %parallel_loop3A_268, %parallel_loop3A_269 : i32
        %parallel_loop3A_271 = vector.broadcast %parallel_loop3A_270 : i32 to vector<16xi32>
        %parallel_loop3A_272 = arith.andi %parallel_loop3A_267, %parallel_loop3A_271 : vector<16xi32>
        %parallel_loop3A_273 = arith.constant 10 : i32
        %parallel_loop3A_274 = vector.broadcast %parallel_loop3A_273 : i32 to vector<16xi32>
        %parallel_loop3A_275 = arith.ori %parallel_loop3A_272, %parallel_loop3A_274 : vector<16xi32>
        %parallel_loop3A_276 = arith.maxui %parallel_loop3A_261, %parallel_loop3A_275 : vector<16xi32>
        %parallel_loop3A_277 = arith.constant 7 : i32
        %parallel_loop3A_278 = arith.index_cast %parallel_loop3A_277 : i32 to index
        %parallel_loop3A_279 = arith.index_cast %parallel_loop3A_168 : i32 to index
        %parallel_loop3A_280 = arith.index_cast %parallel_loop3A_172 : i32 to index
        %parallel_loop3A_281 = tpu.vector_load %arg5[%parallel_loop3A_278, %parallel_loop3A_279, %parallel_loop3A_280] {strides = array<i32>} : memref<17x16x128xf32, #tpu.memory_space<vmem>>, vector<16xf32>,
        %parallel_loop3A_282 = tpu.bitcast %parallel_loop3A_281 : vector<16xf32> -> vector<16xi32>
        %parallel_loop3A_283 = arith.constant 31 : i32
        %parallel_loop3A_284 = arith.constant -1 : i32
        %parallel_loop3A_285 = arith.xori %parallel_loop3A_283, %parallel_loop3A_284 : i32
        %parallel_loop3A_286 = vector.broadcast %parallel_loop3A_285 : i32 to vector<16xi32>
        %parallel_loop3A_287 = arith.andi %parallel_loop3A_282, %parallel_loop3A_286 : vector<16xi32>
        %parallel_loop3A_288 = arith.constant 9 : i32
        %parallel_loop3A_289 = vector.broadcast %parallel_loop3A_288 : i32 to vector<16xi32>
        %parallel_loop3A_290 = arith.ori %parallel_loop3A_287, %parallel_loop3A_289 : vector<16xi32>
        %parallel_loop3A_291 = arith.maxui %parallel_loop3A_276, %parallel_loop3A_290 : vector<16xi32>
        %parallel_loop3A_292 = arith.constant 8 : i32
        %parallel_loop3A_293 = arith.index_cast %parallel_loop3A_292 : i32 to index
        %parallel_loop3A_294 = arith.index_cast %parallel_loop3A_168 : i32 to index
        %parallel_loop3A_295 = arith.index_cast %parallel_loop3A_172 : i32 to index
        %parallel_loop3A_296 = tpu.vector_load %arg5[%parallel_loop3A_293, %parallel_loop3A_294, %parallel_loop3A_295] {strides = array<i32>} : memref<17x16x128xf32, #tpu.memory_space<vmem>>, vector<16xf32>,
        %parallel_loop3A_297 = tpu.bitcast %parallel_loop3A_296 : vector<16xf32> -> vector<16xi32>
        %parallel_loop3A_298 = arith.constant 31 : i32
        %parallel_loop3A_299 = arith.constant -1 : i32
        %parallel_loop3A_300 = arith.xori %parallel_loop3A_298, %parallel_loop3A_299 : i32
        %parallel_loop3A_301 = vector.broadcast %parallel_loop3A_300 : i32 to vector<16xi32>
        %parallel_loop3A_302 = arith.andi %parallel_loop3A_297, %parallel_loop3A_301 : vector<16xi32>
        %parallel_loop3A_303 = arith.constant 8 : i32
        %parallel_loop3A_304 = vector.broadcast %parallel_loop3A_303 : i32 to vector<16xi32>
        %parallel_loop3A_305 = arith.ori %parallel_loop3A_302, %parallel_loop3A_304 : vector<16xi32>
        %parallel_loop3A_306 = arith.maxui %parallel_loop3A_291, %parallel_loop3A_305 : vector<16xi32>
        %parallel_loop3A_307 = arith.constant 9 : i32
        %parallel_loop3A_308 = arith.index_cast %parallel_loop3A_307 : i32 to index
        %parallel_loop3A_309 = arith.index_cast %parallel_loop3A_168 : i32 to index
        %parallel_loop3A_310 = arith.index_cast %parallel_loop3A_172 : i32 to index
        %parallel_loop3A_311 = tpu.vector_load %arg5[%parallel_loop3A_308, %parallel_loop3A_309, %parallel_loop3A_310] {strides = array<i32>} : memref<17x16x128xf32, #tpu.memory_space<vmem>>, vector<16xf32>,
        %parallel_loop3A_312 = tpu.bitcast %parallel_loop3A_311 : vector<16xf32> -> vector<16xi32>
        %parallel_loop3A_313 = arith.constant 31 : i32
        %parallel_loop3A_314 = arith.constant -1 : i32
        %parallel_loop3A_315 = arith.xori %parallel_loop3A_313, %parallel_loop3A_314 : i32
        %parallel_loop3A_316 = vector.broadcast %parallel_loop3A_315 : i32 to vector<16xi32>
        %parallel_loop3A_317 = arith.andi %parallel_loop3A_312, %parallel_loop3A_316 : vector<16xi32>
        %parallel_loop3A_318 = arith.constant 7 : i32
        %parallel_loop3A_319 = vector.broadcast %parallel_loop3A_318 : i32 to vector<16xi32>
        %parallel_loop3A_320 = arith.ori %parallel_loop3A_317, %parallel_loop3A_319 : vector<16xi32>
        %parallel_loop3A_321 = arith.maxui %parallel_loop3A_306, %parallel_loop3A_320 : vector<16xi32>
        %parallel_loop3A_322 = arith.constant 10 : i32
        %parallel_loop3A_323 = arith.index_cast %parallel_loop3A_322 : i32 to index
        %parallel_loop3A_324 = arith.index_cast %parallel_loop3A_168 : i32 to index
        %parallel_loop3A_325 = arith.index_cast %parallel_loop3A_172 : i32 to index
        %parallel_loop3A_326 = tpu.vector_load %arg5[%parallel_loop3A_323, %parallel_loop3A_324, %parallel_loop3A_325] {strides = array<i32>} : memref<17x16x128xf32, #tpu.memory_space<vmem>>, vector<16xf32>,
        %parallel_loop3A_327 = tpu.bitcast %parallel_loop3A_326 : vector<16xf32> -> vector<16xi32>
        %parallel_loop3A_328 = arith.constant 31 : i32
        %parallel_loop3A_329 = arith.constant -1 : i32
        %parallel_loop3A_330 = arith.xori %parallel_loop3A_328, %parallel_loop3A_329 : i32
        %parallel_loop3A_331 = vector.broadcast %parallel_loop3A_330 : i32 to vector<16xi32>
        %parallel_loop3A_332 = arith.andi %parallel_loop3A_327, %parallel_loop3A_331 : vector<16xi32>
        %parallel_loop3A_333 = arith.constant 6 : i32
        %parallel_loop3A_334 = vector.broadcast %parallel_loop3A_333 : i32 to vector<16xi32>
        %parallel_loop3A_335 = arith.ori %parallel_loop3A_332, %parallel_loop3A_334 : vector<16xi32>
        %parallel_loop3A_336 = arith.maxui %parallel_loop3A_321, %parallel_loop3A_335 : vector<16xi32>
        %parallel_loop3A_337 = arith.constant 11 : i32
        %parallel_loop3A_338 = arith.index_cast %parallel_loop3A_337 : i32 to index
        %parallel_loop3A_339 = arith.index_cast %parallel_loop3A_168 : i32 to index
        %parallel_loop3A_340 = arith.index_cast %parallel_loop3A_172 : i32 to index
        %parallel_loop3A_341 = tpu.vector_load %arg5[%parallel_loop3A_338, %parallel_loop3A_339, %parallel_loop3A_340] {strides = array<i32>} : memref<17x16x128xf32, #tpu.memory_space<vmem>>, vector<16xf32>,
        %parallel_loop3A_342 = tpu.bitcast %parallel_loop3A_341 : vector<16xf32> -> vector<16xi32>
        %parallel_loop3A_343 = arith.constant 31 : i32
        %parallel_loop3A_344 = arith.constant -1 : i32
        %parallel_loop3A_345 = arith.xori %parallel_loop3A_343, %parallel_loop3A_344 : i32
        %parallel_loop3A_346 = vector.broadcast %parallel_loop3A_345 : i32 to vector<16xi32>
        %parallel_loop3A_347 = arith.andi %parallel_loop3A_342, %parallel_loop3A_346 : vector<16xi32>
        %parallel_loop3A_348 = arith.constant 5 : i32
        %parallel_loop3A_349 = vector.broadcast %parallel_loop3A_348 : i32 to vector<16xi32>
        %parallel_loop3A_350 = arith.ori %parallel_loop3A_347, %parallel_loop3A_349 : vector<16xi32>
        %parallel_loop3A_351 = arith.maxui %parallel_loop3A_336, %parallel_loop3A_350 : vector<16xi32>
        %parallel_loop3A_352 = arith.constant 12 : i32
        %parallel_loop3A_353 = arith.index_cast %parallel_loop3A_352 : i32 to index
        %parallel_loop3A_354 = arith.index_cast %parallel_loop3A_168 : i32 to index
        %parallel_loop3A_355 = arith.index_cast %parallel_loop3A_172 : i32 to index
        %parallel_loop3A_356 = tpu.vector_load %arg5[%parallel_loop3A_353, %parallel_loop3A_354, %parallel_loop3A_355] {strides = array<i32>} : memref<17x16x128xf32, #tpu.memory_space<vmem>>, vector<16xf32>,
        %parallel_loop3A_357 = tpu.bitcast %parallel_loop3A_356 : vector<16xf32> -> vector<16xi32>
        %parallel_loop3A_358 = arith.constant 31 : i32
        %parallel_loop3A_359 = arith.constant -1 : i32
        %parallel_loop3A_360 = arith.xori %parallel_loop3A_358, %parallel_loop3A_359 : i32
        %parallel_loop3A_361 = vector.broadcast %parallel_loop3A_360 : i32 to vector<16xi32>
        %parallel_loop3A_362 = arith.andi %parallel_loop3A_357, %parallel_loop3A_361 : vector<16xi32>
        %parallel_loop3A_363 = arith.constant 4 : i32
        %parallel_loop3A_364 = vector.broadcast %parallel_loop3A_363 : i32 to vector<16xi32>
        %parallel_loop3A_365 = arith.ori %parallel_loop3A_362, %parallel_loop3A_364 : vector<16xi32>
        %parallel_loop3A_366 = arith.maxui %parallel_loop3A_351, %parallel_loop3A_365 : vector<16xi32>
        %parallel_loop3A_367 = arith.constant 13 : i32
        %parallel_loop3A_368 = arith.index_cast %parallel_loop3A_367 : i32 to index
        %parallel_loop3A_369 = arith.index_cast %parallel_loop3A_168 : i32 to index
        %parallel_loop3A_370 = arith.index_cast %parallel_loop3A_172 : i32 to index
        %parallel_loop3A_371 = tpu.vector_load %arg5[%parallel_loop3A_368, %parallel_loop3A_369, %parallel_loop3A_370] {strides = array<i32>} : memref<17x16x128xf32, #tpu.memory_space<vmem>>, vector<16xf32>,
        %parallel_loop3A_372 = tpu.bitcast %parallel_loop3A_371 : vector<16xf32> -> vector<16xi32>
        %parallel_loop3A_373 = arith.constant 31 : i32
        %parallel_loop3A_374 = arith.constant -1 : i32
        %parallel_loop3A_375 = arith.xori %parallel_loop3A_373, %parallel_loop3A_374 : i32
        %parallel_loop3A_376 = vector.broadcast %parallel_loop3A_375 : i32 to vector<16xi32>
        %parallel_loop3A_377 = arith.andi %parallel_loop3A_372, %parallel_loop3A_376 : vector<16xi32>
        %parallel_loop3A_378 = arith.constant 3 : i32
        %parallel_loop3A_379 = vector.broadcast %parallel_loop3A_378 : i32 to vector<16xi32>
        %parallel_loop3A_380 = arith.ori %parallel_loop3A_377, %parallel_loop3A_379 : vector<16xi32>
        %parallel_loop3A_381 = arith.maxui %parallel_loop3A_366, %parallel_loop3A_380 : vector<16xi32>
        %parallel_loop3A_382 = arith.constant 14 : i32
        %parallel_loop3A_383 = arith.index_cast %parallel_loop3A_382 : i32 to index
        %parallel_loop3A_384 = arith.index_cast %parallel_loop3A_168 : i32 to index
        %parallel_loop3A_385 = arith.index_cast %parallel_loop3A_172 : i32 to index
        %parallel_loop3A_386 = tpu.vector_load %arg5[%parallel_loop3A_383, %parallel_loop3A_384, %parallel_loop3A_385] {strides = array<i32>} : memref<17x16x128xf32, #tpu.memory_space<vmem>>, vector<16xf32>,
        %parallel_loop3A_387 = tpu.bitcast %parallel_loop3A_386 : vector<16xf32> -> vector<16xi32>
        %parallel_loop3A_388 = arith.constant 31 : i32
        %parallel_loop3A_389 = arith.constant -1 : i32
        %parallel_loop3A_390 = arith.xori %parallel_loop3A_388, %parallel_loop3A_389 : i32
        %parallel_loop3A_391 = vector.broadcast %parallel_loop3A_390 : i32 to vector<16xi32>
        %parallel_loop3A_392 = arith.andi %parallel_loop3A_387, %parallel_loop3A_391 : vector<16xi32>
        %parallel_loop3A_393 = arith.constant 2 : i32
        %parallel_loop3A_394 = vector.broadcast %parallel_loop3A_393 : i32 to vector<16xi32>
        %parallel_loop3A_395 = arith.ori %parallel_loop3A_392, %parallel_loop3A_394 : vector<16xi32>
        %parallel_loop3A_396 = arith.maxui %parallel_loop3A_381, %parallel_loop3A_395 : vector<16xi32>
        %parallel_loop3A_397 = arith.constant 15 : i32
        %parallel_loop3A_398 = arith.index_cast %parallel_loop3A_397 : i32 to index
        %parallel_loop3A_399 = arith.index_cast %parallel_loop3A_168 : i32 to index
        %parallel_loop3A_400 = arith.index_cast %parallel_loop3A_172 : i32 to index
        %parallel_loop3A_401 = tpu.vector_load %arg5[%parallel_loop3A_398, %parallel_loop3A_399, %parallel_loop3A_400] {strides = array<i32>} : memref<17x16x128xf32, #tpu.memory_space<vmem>>, vector<16xf32>,
        %parallel_loop3A_402 = tpu.bitcast %parallel_loop3A_401 : vector<16xf32> -> vector<16xi32>
        %parallel_loop3A_403 = arith.constant 31 : i32
        %parallel_loop3A_404 = arith.constant -1 : i32
        %parallel_loop3A_405 = arith.xori %parallel_loop3A_403, %parallel_loop3A_404 : i32
        %parallel_loop3A_406 = vector.broadcast %parallel_loop3A_405 : i32 to vector<16xi32>
        %parallel_loop3A_407 = arith.andi %parallel_loop3A_402, %parallel_loop3A_406 : vector<16xi32>
        %parallel_loop3A_408 = arith.constant 1 : i32
        %parallel_loop3A_409 = vector.broadcast %parallel_loop3A_408 : i32 to vector<16xi32>
        %parallel_loop3A_410 = arith.ori %parallel_loop3A_407, %parallel_loop3A_409 : vector<16xi32>
        %parallel_loop3A_411 = arith.maxui %parallel_loop3A_396, %parallel_loop3A_410 : vector<16xi32>
        %parallel_loop3A_412 = arith.constant 16 : i32
        %parallel_loop3A_413 = arith.index_cast %parallel_loop3A_412 : i32 to index
        %parallel_loop3A_414 = arith.index_cast %parallel_loop3A_168 : i32 to index
        %parallel_loop3A_415 = arith.index_cast %parallel_loop3A_172 : i32 to index
        %parallel_loop3A_416 = tpu.vector_load %arg5[%parallel_loop3A_413, %parallel_loop3A_414, %parallel_loop3A_415] {strides = array<i32>} : memref<17x16x128xf32, #tpu.memory_space<vmem>>, vector<16xf32>,
        %parallel_loop3A_417 = tpu.bitcast %parallel_loop3A_416 : vector<16xf32> -> vector<16xi32>
        %parallel_loop3A_418 = arith.constant 31 : i32
        %parallel_loop3A_419 = arith.constant -1 : i32
        %parallel_loop3A_420 = arith.xori %parallel_loop3A_418, %parallel_loop3A_419 : i32
        %parallel_loop3A_421 = vector.broadcast %parallel_loop3A_420 : i32 to vector<16xi32>
        %parallel_loop3A_422 = arith.andi %parallel_loop3A_417, %parallel_loop3A_421 : vector<16xi32>
        %parallel_loop3A_423 = arith.constant 0 : i32
        %parallel_loop3A_424 = vector.broadcast %parallel_loop3A_423 : i32 to vector<16xi32>
        %parallel_loop3A_425 = arith.ori %parallel_loop3A_422, %parallel_loop3A_424 : vector<16xi32>
        %parallel_loop3A_426 = arith.maxui %parallel_loop3A_411, %parallel_loop3A_425 : vector<16xi32>
        %parallel_loop3A_427 = tpu.bitcast %parallel_loop3A_426 : vector<16xi32> -> vector<16xi32>
        %parallel_loop3A_428 = arith.constant 31 : i32
        %parallel_loop3A_429 = vector.broadcast %parallel_loop3A_428 : i32 to vector<16xi32>
        %parallel_loop3A_430 = arith.andi %parallel_loop3A_427, %parallel_loop3A_429 : vector<16xi32>
        %parallel_loop3A_431 = arith.constant 4 : i32
        %parallel_loop3A_432 = vector.broadcast %parallel_loop3A_431 : i32 to vector<16xi32>
        %parallel_loop3A_433 = arith.shli %parallel_loop3A_430, %parallel_loop3A_432 : vector<16xi32>
        %parallel_loop3A_434 = arith.subi %add3A_123, %parallel_loop3A_433 : vector<16xi32>
        %parallel_loop3A_435 = arith.constant 1056964608 : i32
        %parallel_loop3A_436 = vector.broadcast %parallel_loop3A_435 : i32 to vector<16xi32>
        %parallel_loop3A_437 = arith.cmpi sge, %parallel_loop3A_427, %parallel_loop3A_436 : vector<16xi32>
        tpu.vector_store_idx %arg7[%parallel_loop3A_434], %broadcast_in_dim3A_6 masked %parallel_loop3A_437 {add = true} : memref<816xf32, #tpu.memory_space<vmem>>[vector<16xi32>], vector<16xf32>, vector<16xi1>
      } {sc.loop_unroll_factor = 4 : i64, sc.parallel_access}
      %mul3A_127 = arith.constant 3 : i32
      %mul3A_128 = arith.muli %scan3A_54, %mul3A_127 : i32
      %add3A_129 = arith.constant 2 : i32
      %add3A_130 = arith.addi %mul3A_128, %add3A_129 : i32
      %add3A_131 = arith.addi %mul3A_2, %add3A_130 : i32
      %shift_right_arithmetic3A_132 = arith.constant 3 : i32
      %shift_right_arithmetic3A_133 = arith.shrsi %add3A_131, %shift_right_arithmetic3A_132 : i32
      %add3A_134 = arith.constant 32 : i32
      %add3A_135 = arith.addi %add3A_134, %shift_right_arithmetic3A_133 : i32
      %and3A_136 = arith.constant 7 : i32
      %and3A_137 = arith.andi %add3A_131, %and3A_136 : i32
      %mul3A_138 = arith.constant 16 : i32
      %mul3A_139 = arith.muli %and3A_137, %mul3A_138 : i32
      %dma_wait3A_140 = arith.constant 0 : i32
      %dma_wait3A_141 = arith.constant 0 : i32
      %dma_wait3A_142 = tpu.memref_slice %arg2[%add3A_135, %dma_wait3A_140, %mul3A_139, %dma_wait3A_141] : memref<128x17x128x128xf32, #tpu.memory_space<hbm>> -> memref<1x17x16x128xf32, #tpu.memory_space<hbm>>
      %dma_wait3A_143 = tpu.memref_squeeze %dma_wait3A_142 : memref<1x17x16x128xf32, #tpu.memory_space<hbm>> -> memref<17x16x128xf32, #tpu.memory_space<hbm>>
      %dma_wait3A_144 = arith.constant 0 : i32
      %dma_wait3A_145 = arith.constant 0 : i32
      %dma_wait3A_146 = tpu.memref_slice %arg2[%add3A_135, %dma_wait3A_144, %mul3A_139, %dma_wait3A_145] : memref<128x17x128x128xf32, #tpu.memory_space<hbm>> -> memref<1x17x16x128xf32, #tpu.memory_space<hbm>>
      %dma_wait3A_147 = tpu.memref_squeeze %dma_wait3A_146 : memref<1x17x16x128xf32, #tpu.memory_space<hbm>> -> memref<17x16x128xf32, #tpu.memory_space<hbm>>
      tpu.wait_dma2 semaphore(%arg10 : memref<!tpu.dma_semaphore, #tpu.memory_space<semaphore_mem>>) src(%dma_wait3A_147 : memref<17x16x128xf32, #tpu.memory_space<hbm>>) dst(%arg6 : memref<17x16x128xf32, #tpu.memory_space<vmem>>)
      %lt3A_148 = arith.constant 22 : i32
      %lt3A_149 = arith.cmpi slt, %add3A_130, %lt3A_148 : i32
      %convert_element_type3A_150 = arith.extui %lt3A_149 : i1 to i32
      %cond3A_151 = arith.constant 0 : i32
      %cond3A_152 = arith.cmpi ne, %convert_element_type3A_150, %cond3A_151 : i32
      scf.if %cond3A_152 {
        %add3A_166 = arith.constant 2 : i32
        %add3A_167 = arith.addi %add3A_130, %add3A_166 : i32
        %add3A_168 = arith.addi %mul3A_2, %add3A_167 : i32
        %shift_right_arithmetic3A_169 = arith.constant 3 : i32
        %shift_right_arithmetic3A_170 = arith.shrsi %add3A_168, %shift_right_arithmetic3A_169 : i32
        %add3A_171 = arith.constant 32 : i32
        %add3A_172 = arith.addi %add3A_171, %shift_right_arithmetic3A_170 : i32
        %and3A_173 = arith.constant 7 : i32
        %and3A_174 = arith.andi %add3A_168, %and3A_173 : i32
        %mul3A_175 = arith.constant 16 : i32
        %mul3A_176 = arith.muli %and3A_174, %mul3A_175 : i32
        %dma_start3A_177 = arith.constant 0 : i32
        %dma_start3A_178 = arith.constant 0 : i32
        %dma_start3A_179 = tpu.memref_slice %arg2[%add3A_172, %dma_start3A_177, %mul3A_176, %dma_start3A_178] : memref<128x17x128x128xf32, #tpu.memory_space<hbm>> -> memref<1x17x16x128xf32, #tpu.memory_space<hbm>>
        %dma_start3A_180 = tpu.memref_squeeze %dma_start3A_179 : memref<1x17x16x128xf32, #tpu.memory_space<hbm>> -> memref<17x16x128xf32, #tpu.memory_space<hbm>>
        %dma_start3A_181 = arith.constant 0 : i32
        %dma_start3A_182 = arith.constant 0 : i32
        %dma_start3A_183 = tpu.memref_slice %arg2[%add3A_172, %dma_start3A_181, %mul3A_176, %dma_start3A_182] : memref<128x17x128x128xf32, #tpu.memory_space<hbm>> -> memref<1x17x16x128xf32, #tpu.memory_space<hbm>>
        %dma_start3A_184 = tpu.memref_squeeze %dma_start3A_183 : memref<1x17x16x128xf32, #tpu.memory_space<hbm>> -> memref<17x16x128xf32, #tpu.memory_space<hbm>>
        tpu.enqueue_dma source(%dma_start3A_184 : memref<17x16x128xf32, #tpu.memory_space<hbm>>) target(%arg5 : memref<17x16x128xf32, #tpu.memory_space<vmem>>) target_semaphore(%arg9 : memref<!tpu.dma_semaphore, #tpu.memory_space<semaphore_mem>>)
      } else {
      }
      %add3A_153 = arith.addi %mul3A_2, %add3A_130 : i32
      %shift_right_arithmetic3A_154 = arith.constant 3 : i32
      %shift_right_arithmetic3A_155 = arith.shrsi %add3A_153, %shift_right_arithmetic3A_154 : i32
      %sub3A_156 = arith.subi %shift_right_arithmetic3A_155, %shift_right_arithmetic3A_3 : i32
      %mul3A_157 = arith.constant 272 : i32
      %mul3A_158 = arith.muli %sub3A_156, %mul3A_157 : i32
      %add3A_159 = arith.constant 256 : i32
      %add3A_160 = arith.addi %mul3A_158, %add3A_159 : i32
      %add3A_161 = vector.broadcast %add3A_160 : i32 to vector<16xi32>
      %add3A_162 = arith.addi %iota3A, %add3A_161 : vector<16xi32>
      %parallel_loop3A_163 = arith.constant 0 : i32
      %parallel_loop3A_164 = arith.constant 128 : i32
      %parallel_loop3A_165 = arith.constant 1 : i32
      scf.for %parallel_loop3A_166 = %parallel_loop3A_163 to %parallel_loop3A_164 step %parallel_loop3A_165  : i32 {
        %parallel_loop3A_167 = arith.constant 3 : i32
        %parallel_loop3A_168 = arith.shrsi %parallel_loop3A_166, %parallel_loop3A_167 : i32
        %parallel_loop3A_169 = arith.constant 7 : i32
        %parallel_loop3A_170 = arith.andi %parallel_loop3A_166, %parallel_loop3A_169 : i32
        %parallel_loop3A_171 = arith.constant 16 : i32
        %parallel_loop3A_172 = arith.muli %parallel_loop3A_170, %parallel_loop3A_171 : i32
        %parallel_loop3A_173 = arith.constant 0 : i32
        %parallel_loop3A_174 = arith.index_cast %parallel_loop3A_173 : i32 to index
        %parallel_loop3A_175 = arith.index_cast %parallel_loop3A_168 : i32 to index
        %parallel_loop3A_176 = arith.index_cast %parallel_loop3A_172 : i32 to index
        %parallel_loop3A_177 = tpu.vector_load %arg6[%parallel_loop3A_174, %parallel_loop3A_175, %parallel_loop3A_176] {strides = array<i32>} : memref<17x16x128xf32, #tpu.memory_space<vmem>>, vector<16xf32>,
        %parallel_loop3A_178 = tpu.bitcast %parallel_loop3A_177 : vector<16xf32> -> vector<16xi32>
        %parallel_loop3A_179 = arith.constant 31 : i32
        %parallel_loop3A_180 = arith.constant -1 : i32
        %parallel_loop3A_181 = arith.xori %parallel_loop3A_179, %parallel_loop3A_180 : i32
        %parallel_loop3A_182 = vector.broadcast %parallel_loop3A_181 : i32 to vector<16xi32>
        %parallel_loop3A_183 = arith.andi %parallel_loop3A_178, %parallel_loop3A_182 : vector<16xi32>
        %parallel_loop3A_184 = arith.constant 16 : i32
        %parallel_loop3A_185 = vector.broadcast %parallel_loop3A_184 : i32 to vector<16xi32>
        %parallel_loop3A_186 = arith.ori %parallel_loop3A_183, %parallel_loop3A_185 : vector<16xi32>
        %parallel_loop3A_187 = arith.constant 1 : i32
        %parallel_loop3A_188 = arith.index_cast %parallel_loop3A_187 : i32 to index
        %parallel_loop3A_189 = arith.index_cast %parallel_loop3A_168 : i32 to index
        %parallel_loop3A_190 = arith.index_cast %parallel_loop3A_172 : i32 to index
        %parallel_loop3A_191 = tpu.vector_load %arg6[%parallel_loop3A_188, %parallel_loop3A_189, %parallel_loop3A_190] {strides = array<i32>} : memref<17x16x128xf32, #tpu.memory_space<vmem>>, vector<16xf32>,
        %parallel_loop3A_192 = tpu.bitcast %parallel_loop3A_191 : vector<16xf32> -> vector<16xi32>
        %parallel_loop3A_193 = arith.constant 31 : i32
        %parallel_loop3A_194 = arith.constant -1 : i32
        %parallel_loop3A_195 = arith.xori %parallel_loop3A_193, %parallel_loop3A_194 : i32
        %parallel_loop3A_196 = vector.broadcast %parallel_loop3A_195 : i32 to vector<16xi32>
        %parallel_loop3A_197 = arith.andi %parallel_loop3A_192, %parallel_loop3A_196 : vector<16xi32>
        %parallel_loop3A_198 = arith.constant 15 : i32
        %parallel_loop3A_199 = vector.broadcast %parallel_loop3A_198 : i32 to vector<16xi32>
        %parallel_loop3A_200 = arith.ori %parallel_loop3A_197, %parallel_loop3A_199 : vector<16xi32>
        %parallel_loop3A_201 = arith.maxui %parallel_loop3A_186, %parallel_loop3A_200 : vector<16xi32>
        %parallel_loop3A_202 = arith.constant 2 : i32
        %parallel_loop3A_203 = arith.index_cast %parallel_loop3A_202 : i32 to index
        %parallel_loop3A_204 = arith.index_cast %parallel_loop3A_168 : i32 to index
        %parallel_loop3A_205 = arith.index_cast %parallel_loop3A_172 : i32 to index
        %parallel_loop3A_206 = tpu.vector_load %arg6[%parallel_loop3A_203, %parallel_loop3A_204, %parallel_loop3A_205] {strides = array<i32>} : memref<17x16x128xf32, #tpu.memory_space<vmem>>, vector<16xf32>,
        %parallel_loop3A_207 = tpu.bitcast %parallel_loop3A_206 : vector<16xf32> -> vector<16xi32>
        %parallel_loop3A_208 = arith.constant 31 : i32
        %parallel_loop3A_209 = arith.constant -1 : i32
        %parallel_loop3A_210 = arith.xori %parallel_loop3A_208, %parallel_loop3A_209 : i32
        %parallel_loop3A_211 = vector.broadcast %parallel_loop3A_210 : i32 to vector<16xi32>
        %parallel_loop3A_212 = arith.andi %parallel_loop3A_207, %parallel_loop3A_211 : vector<16xi32>
        %parallel_loop3A_213 = arith.constant 14 : i32
        %parallel_loop3A_214 = vector.broadcast %parallel_loop3A_213 : i32 to vector<16xi32>
        %parallel_loop3A_215 = arith.ori %parallel_loop3A_212, %parallel_loop3A_214 : vector<16xi32>
        %parallel_loop3A_216 = arith.maxui %parallel_loop3A_201, %parallel_loop3A_215 : vector<16xi32>
        %parallel_loop3A_217 = arith.constant 3 : i32
        %parallel_loop3A_218 = arith.index_cast %parallel_loop3A_217 : i32 to index
        %parallel_loop3A_219 = arith.index_cast %parallel_loop3A_168 : i32 to index
        %parallel_loop3A_220 = arith.index_cast %parallel_loop3A_172 : i32 to index
        %parallel_loop3A_221 = tpu.vector_load %arg6[%parallel_loop3A_218, %parallel_loop3A_219, %parallel_loop3A_220] {strides = array<i32>} : memref<17x16x128xf32, #tpu.memory_space<vmem>>, vector<16xf32>,
        %parallel_loop3A_222 = tpu.bitcast %parallel_loop3A_221 : vector<16xf32> -> vector<16xi32>
        %parallel_loop3A_223 = arith.constant 31 : i32
        %parallel_loop3A_224 = arith.constant -1 : i32
        %parallel_loop3A_225 = arith.xori %parallel_loop3A_223, %parallel_loop3A_224 : i32
        %parallel_loop3A_226 = vector.broadcast %parallel_loop3A_225 : i32 to vector<16xi32>
        %parallel_loop3A_227 = arith.andi %parallel_loop3A_222, %parallel_loop3A_226 : vector<16xi32>
        %parallel_loop3A_228 = arith.constant 13 : i32
        %parallel_loop3A_229 = vector.broadcast %parallel_loop3A_228 : i32 to vector<16xi32>
        %parallel_loop3A_230 = arith.ori %parallel_loop3A_227, %parallel_loop3A_229 : vector<16xi32>
        %parallel_loop3A_231 = arith.maxui %parallel_loop3A_216, %parallel_loop3A_230 : vector<16xi32>
        %parallel_loop3A_232 = arith.constant 4 : i32
        %parallel_loop3A_233 = arith.index_cast %parallel_loop3A_232 : i32 to index
        %parallel_loop3A_234 = arith.index_cast %parallel_loop3A_168 : i32 to index
        %parallel_loop3A_235 = arith.index_cast %parallel_loop3A_172 : i32 to index
        %parallel_loop3A_236 = tpu.vector_load %arg6[%parallel_loop3A_233, %parallel_loop3A_234, %parallel_loop3A_235] {strides = array<i32>} : memref<17x16x128xf32, #tpu.memory_space<vmem>>, vector<16xf32>,
        %parallel_loop3A_237 = tpu.bitcast %parallel_loop3A_236 : vector<16xf32> -> vector<16xi32>
        %parallel_loop3A_238 = arith.constant 31 : i32
        %parallel_loop3A_239 = arith.constant -1 : i32
        %parallel_loop3A_240 = arith.xori %parallel_loop3A_238, %parallel_loop3A_239 : i32
        %parallel_loop3A_241 = vector.broadcast %parallel_loop3A_240 : i32 to vector<16xi32>
        %parallel_loop3A_242 = arith.andi %parallel_loop3A_237, %parallel_loop3A_241 : vector<16xi32>
        %parallel_loop3A_243 = arith.constant 12 : i32
        %parallel_loop3A_244 = vector.broadcast %parallel_loop3A_243 : i32 to vector<16xi32>
        %parallel_loop3A_245 = arith.ori %parallel_loop3A_242, %parallel_loop3A_244 : vector<16xi32>
        %parallel_loop3A_246 = arith.maxui %parallel_loop3A_231, %parallel_loop3A_245 : vector<16xi32>
        %parallel_loop3A_247 = arith.constant 5 : i32
        %parallel_loop3A_248 = arith.index_cast %parallel_loop3A_247 : i32 to index
        %parallel_loop3A_249 = arith.index_cast %parallel_loop3A_168 : i32 to index
        %parallel_loop3A_250 = arith.index_cast %parallel_loop3A_172 : i32 to index
        %parallel_loop3A_251 = tpu.vector_load %arg6[%parallel_loop3A_248, %parallel_loop3A_249, %parallel_loop3A_250] {strides = array<i32>} : memref<17x16x128xf32, #tpu.memory_space<vmem>>, vector<16xf32>,
        %parallel_loop3A_252 = tpu.bitcast %parallel_loop3A_251 : vector<16xf32> -> vector<16xi32>
        %parallel_loop3A_253 = arith.constant 31 : i32
        %parallel_loop3A_254 = arith.constant -1 : i32
        %parallel_loop3A_255 = arith.xori %parallel_loop3A_253, %parallel_loop3A_254 : i32
        %parallel_loop3A_256 = vector.broadcast %parallel_loop3A_255 : i32 to vector<16xi32>
        %parallel_loop3A_257 = arith.andi %parallel_loop3A_252, %parallel_loop3A_256 : vector<16xi32>
        %parallel_loop3A_258 = arith.constant 11 : i32
        %parallel_loop3A_259 = vector.broadcast %parallel_loop3A_258 : i32 to vector<16xi32>
        %parallel_loop3A_260 = arith.ori %parallel_loop3A_257, %parallel_loop3A_259 : vector<16xi32>
        %parallel_loop3A_261 = arith.maxui %parallel_loop3A_246, %parallel_loop3A_260 : vector<16xi32>
        %parallel_loop3A_262 = arith.constant 6 : i32
        %parallel_loop3A_263 = arith.index_cast %parallel_loop3A_262 : i32 to index
        %parallel_loop3A_264 = arith.index_cast %parallel_loop3A_168 : i32 to index
        %parallel_loop3A_265 = arith.index_cast %parallel_loop3A_172 : i32 to index
        %parallel_loop3A_266 = tpu.vector_load %arg6[%parallel_loop3A_263, %parallel_loop3A_264, %parallel_loop3A_265] {strides = array<i32>} : memref<17x16x128xf32, #tpu.memory_space<vmem>>, vector<16xf32>,
        %parallel_loop3A_267 = tpu.bitcast %parallel_loop3A_266 : vector<16xf32> -> vector<16xi32>
        %parallel_loop3A_268 = arith.constant 31 : i32
        %parallel_loop3A_269 = arith.constant -1 : i32
        %parallel_loop3A_270 = arith.xori %parallel_loop3A_268, %parallel_loop3A_269 : i32
        %parallel_loop3A_271 = vector.broadcast %parallel_loop3A_270 : i32 to vector<16xi32>
        %parallel_loop3A_272 = arith.andi %parallel_loop3A_267, %parallel_loop3A_271 : vector<16xi32>
        %parallel_loop3A_273 = arith.constant 10 : i32
        %parallel_loop3A_274 = vector.broadcast %parallel_loop3A_273 : i32 to vector<16xi32>
        %parallel_loop3A_275 = arith.ori %parallel_loop3A_272, %parallel_loop3A_274 : vector<16xi32>
        %parallel_loop3A_276 = arith.maxui %parallel_loop3A_261, %parallel_loop3A_275 : vector<16xi32>
        %parallel_loop3A_277 = arith.constant 7 : i32
        %parallel_loop3A_278 = arith.index_cast %parallel_loop3A_277 : i32 to index
        %parallel_loop3A_279 = arith.index_cast %parallel_loop3A_168 : i32 to index
        %parallel_loop3A_280 = arith.index_cast %parallel_loop3A_172 : i32 to index
        %parallel_loop3A_281 = tpu.vector_load %arg6[%parallel_loop3A_278, %parallel_loop3A_279, %parallel_loop3A_280] {strides = array<i32>} : memref<17x16x128xf32, #tpu.memory_space<vmem>>, vector<16xf32>,
        %parallel_loop3A_282 = tpu.bitcast %parallel_loop3A_281 : vector<16xf32> -> vector<16xi32>
        %parallel_loop3A_283 = arith.constant 31 : i32
        %parallel_loop3A_284 = arith.constant -1 : i32
        %parallel_loop3A_285 = arith.xori %parallel_loop3A_283, %parallel_loop3A_284 : i32
        %parallel_loop3A_286 = vector.broadcast %parallel_loop3A_285 : i32 to vector<16xi32>
        %parallel_loop3A_287 = arith.andi %parallel_loop3A_282, %parallel_loop3A_286 : vector<16xi32>
        %parallel_loop3A_288 = arith.constant 9 : i32
        %parallel_loop3A_289 = vector.broadcast %parallel_loop3A_288 : i32 to vector<16xi32>
        %parallel_loop3A_290 = arith.ori %parallel_loop3A_287, %parallel_loop3A_289 : vector<16xi32>
        %parallel_loop3A_291 = arith.maxui %parallel_loop3A_276, %parallel_loop3A_290 : vector<16xi32>
        %parallel_loop3A_292 = arith.constant 8 : i32
        %parallel_loop3A_293 = arith.index_cast %parallel_loop3A_292 : i32 to index
        %parallel_loop3A_294 = arith.index_cast %parallel_loop3A_168 : i32 to index
        %parallel_loop3A_295 = arith.index_cast %parallel_loop3A_172 : i32 to index
        %parallel_loop3A_296 = tpu.vector_load %arg6[%parallel_loop3A_293, %parallel_loop3A_294, %parallel_loop3A_295] {strides = array<i32>} : memref<17x16x128xf32, #tpu.memory_space<vmem>>, vector<16xf32>,
        %parallel_loop3A_297 = tpu.bitcast %parallel_loop3A_296 : vector<16xf32> -> vector<16xi32>
        %parallel_loop3A_298 = arith.constant 31 : i32
        %parallel_loop3A_299 = arith.constant -1 : i32
        %parallel_loop3A_300 = arith.xori %parallel_loop3A_298, %parallel_loop3A_299 : i32
        %parallel_loop3A_301 = vector.broadcast %parallel_loop3A_300 : i32 to vector<16xi32>
        %parallel_loop3A_302 = arith.andi %parallel_loop3A_297, %parallel_loop3A_301 : vector<16xi32>
        %parallel_loop3A_303 = arith.constant 8 : i32
        %parallel_loop3A_304 = vector.broadcast %parallel_loop3A_303 : i32 to vector<16xi32>
        %parallel_loop3A_305 = arith.ori %parallel_loop3A_302, %parallel_loop3A_304 : vector<16xi32>
        %parallel_loop3A_306 = arith.maxui %parallel_loop3A_291, %parallel_loop3A_305 : vector<16xi32>
        %parallel_loop3A_307 = arith.constant 9 : i32
        %parallel_loop3A_308 = arith.index_cast %parallel_loop3A_307 : i32 to index
        %parallel_loop3A_309 = arith.index_cast %parallel_loop3A_168 : i32 to index
        %parallel_loop3A_310 = arith.index_cast %parallel_loop3A_172 : i32 to index
        %parallel_loop3A_311 = tpu.vector_load %arg6[%parallel_loop3A_308, %parallel_loop3A_309, %parallel_loop3A_310] {strides = array<i32>} : memref<17x16x128xf32, #tpu.memory_space<vmem>>, vector<16xf32>,
        %parallel_loop3A_312 = tpu.bitcast %parallel_loop3A_311 : vector<16xf32> -> vector<16xi32>
        %parallel_loop3A_313 = arith.constant 31 : i32
        %parallel_loop3A_314 = arith.constant -1 : i32
        %parallel_loop3A_315 = arith.xori %parallel_loop3A_313, %parallel_loop3A_314 : i32
        %parallel_loop3A_316 = vector.broadcast %parallel_loop3A_315 : i32 to vector<16xi32>
        %parallel_loop3A_317 = arith.andi %parallel_loop3A_312, %parallel_loop3A_316 : vector<16xi32>
        %parallel_loop3A_318 = arith.constant 7 : i32
        %parallel_loop3A_319 = vector.broadcast %parallel_loop3A_318 : i32 to vector<16xi32>
        %parallel_loop3A_320 = arith.ori %parallel_loop3A_317, %parallel_loop3A_319 : vector<16xi32>
        %parallel_loop3A_321 = arith.maxui %parallel_loop3A_306, %parallel_loop3A_320 : vector<16xi32>
        %parallel_loop3A_322 = arith.constant 10 : i32
        %parallel_loop3A_323 = arith.index_cast %parallel_loop3A_322 : i32 to index
        %parallel_loop3A_324 = arith.index_cast %parallel_loop3A_168 : i32 to index
        %parallel_loop3A_325 = arith.index_cast %parallel_loop3A_172 : i32 to index
        %parallel_loop3A_326 = tpu.vector_load %arg6[%parallel_loop3A_323, %parallel_loop3A_324, %parallel_loop3A_325] {strides = array<i32>} : memref<17x16x128xf32, #tpu.memory_space<vmem>>, vector<16xf32>,
        %parallel_loop3A_327 = tpu.bitcast %parallel_loop3A_326 : vector<16xf32> -> vector<16xi32>
        %parallel_loop3A_328 = arith.constant 31 : i32
        %parallel_loop3A_329 = arith.constant -1 : i32
        %parallel_loop3A_330 = arith.xori %parallel_loop3A_328, %parallel_loop3A_329 : i32
        %parallel_loop3A_331 = vector.broadcast %parallel_loop3A_330 : i32 to vector<16xi32>
        %parallel_loop3A_332 = arith.andi %parallel_loop3A_327, %parallel_loop3A_331 : vector<16xi32>
        %parallel_loop3A_333 = arith.constant 6 : i32
        %parallel_loop3A_334 = vector.broadcast %parallel_loop3A_333 : i32 to vector<16xi32>
        %parallel_loop3A_335 = arith.ori %parallel_loop3A_332, %parallel_loop3A_334 : vector<16xi32>
        %parallel_loop3A_336 = arith.maxui %parallel_loop3A_321, %parallel_loop3A_335 : vector<16xi32>
        %parallel_loop3A_337 = arith.constant 11 : i32
        %parallel_loop3A_338 = arith.index_cast %parallel_loop3A_337 : i32 to index
        %parallel_loop3A_339 = arith.index_cast %parallel_loop3A_168 : i32 to index
        %parallel_loop3A_340 = arith.index_cast %parallel_loop3A_172 : i32 to index
        %parallel_loop3A_341 = tpu.vector_load %arg6[%parallel_loop3A_338, %parallel_loop3A_339, %parallel_loop3A_340] {strides = array<i32>} : memref<17x16x128xf32, #tpu.memory_space<vmem>>, vector<16xf32>,
        %parallel_loop3A_342 = tpu.bitcast %parallel_loop3A_341 : vector<16xf32> -> vector<16xi32>
        %parallel_loop3A_343 = arith.constant 31 : i32
        %parallel_loop3A_344 = arith.constant -1 : i32
        %parallel_loop3A_345 = arith.xori %parallel_loop3A_343, %parallel_loop3A_344 : i32
        %parallel_loop3A_346 = vector.broadcast %parallel_loop3A_345 : i32 to vector<16xi32>
        %parallel_loop3A_347 = arith.andi %parallel_loop3A_342, %parallel_loop3A_346 : vector<16xi32>
        %parallel_loop3A_348 = arith.constant 5 : i32
        %parallel_loop3A_349 = vector.broadcast %parallel_loop3A_348 : i32 to vector<16xi32>
        %parallel_loop3A_350 = arith.ori %parallel_loop3A_347, %parallel_loop3A_349 : vector<16xi32>
        %parallel_loop3A_351 = arith.maxui %parallel_loop3A_336, %parallel_loop3A_350 : vector<16xi32>
        %parallel_loop3A_352 = arith.constant 12 : i32
        %parallel_loop3A_353 = arith.index_cast %parallel_loop3A_352 : i32 to index
        %parallel_loop3A_354 = arith.index_cast %parallel_loop3A_168 : i32 to index
        %parallel_loop3A_355 = arith.index_cast %parallel_loop3A_172 : i32 to index
        %parallel_loop3A_356 = tpu.vector_load %arg6[%parallel_loop3A_353, %parallel_loop3A_354, %parallel_loop3A_355] {strides = array<i32>} : memref<17x16x128xf32, #tpu.memory_space<vmem>>, vector<16xf32>,
        %parallel_loop3A_357 = tpu.bitcast %parallel_loop3A_356 : vector<16xf32> -> vector<16xi32>
        %parallel_loop3A_358 = arith.constant 31 : i32
        %parallel_loop3A_359 = arith.constant -1 : i32
        %parallel_loop3A_360 = arith.xori %parallel_loop3A_358, %parallel_loop3A_359 : i32
        %parallel_loop3A_361 = vector.broadcast %parallel_loop3A_360 : i32 to vector<16xi32>
        %parallel_loop3A_362 = arith.andi %parallel_loop3A_357, %parallel_loop3A_361 : vector<16xi32>
        %parallel_loop3A_363 = arith.constant 4 : i32
        %parallel_loop3A_364 = vector.broadcast %parallel_loop3A_363 : i32 to vector<16xi32>
        %parallel_loop3A_365 = arith.ori %parallel_loop3A_362, %parallel_loop3A_364 : vector<16xi32>
        %parallel_loop3A_366 = arith.maxui %parallel_loop3A_351, %parallel_loop3A_365 : vector<16xi32>
        %parallel_loop3A_367 = arith.constant 13 : i32
        %parallel_loop3A_368 = arith.index_cast %parallel_loop3A_367 : i32 to index
        %parallel_loop3A_369 = arith.index_cast %parallel_loop3A_168 : i32 to index
        %parallel_loop3A_370 = arith.index_cast %parallel_loop3A_172 : i32 to index
        %parallel_loop3A_371 = tpu.vector_load %arg6[%parallel_loop3A_368, %parallel_loop3A_369, %parallel_loop3A_370] {strides = array<i32>} : memref<17x16x128xf32, #tpu.memory_space<vmem>>, vector<16xf32>,
        %parallel_loop3A_372 = tpu.bitcast %parallel_loop3A_371 : vector<16xf32> -> vector<16xi32>
        %parallel_loop3A_373 = arith.constant 31 : i32
        %parallel_loop3A_374 = arith.constant -1 : i32
        %parallel_loop3A_375 = arith.xori %parallel_loop3A_373, %parallel_loop3A_374 : i32
        %parallel_loop3A_376 = vector.broadcast %parallel_loop3A_375 : i32 to vector<16xi32>
        %parallel_loop3A_377 = arith.andi %parallel_loop3A_372, %parallel_loop3A_376 : vector<16xi32>
        %parallel_loop3A_378 = arith.constant 3 : i32
        %parallel_loop3A_379 = vector.broadcast %parallel_loop3A_378 : i32 to vector<16xi32>
        %parallel_loop3A_380 = arith.ori %parallel_loop3A_377, %parallel_loop3A_379 : vector<16xi32>
        %parallel_loop3A_381 = arith.maxui %parallel_loop3A_366, %parallel_loop3A_380 : vector<16xi32>
        %parallel_loop3A_382 = arith.constant 14 : i32
        %parallel_loop3A_383 = arith.index_cast %parallel_loop3A_382 : i32 to index
        %parallel_loop3A_384 = arith.index_cast %parallel_loop3A_168 : i32 to index
        %parallel_loop3A_385 = arith.index_cast %parallel_loop3A_172 : i32 to index
        %parallel_loop3A_386 = tpu.vector_load %arg6[%parallel_loop3A_383, %parallel_loop3A_384, %parallel_loop3A_385] {strides = array<i32>} : memref<17x16x128xf32, #tpu.memory_space<vmem>>, vector<16xf32>,
        %parallel_loop3A_387 = tpu.bitcast %parallel_loop3A_386 : vector<16xf32> -> vector<16xi32>
        %parallel_loop3A_388 = arith.constant 31 : i32
        %parallel_loop3A_389 = arith.constant -1 : i32
        %parallel_loop3A_390 = arith.xori %parallel_loop3A_388, %parallel_loop3A_389 : i32
        %parallel_loop3A_391 = vector.broadcast %parallel_loop3A_390 : i32 to vector<16xi32>
        %parallel_loop3A_392 = arith.andi %parallel_loop3A_387, %parallel_loop3A_391 : vector<16xi32>
        %parallel_loop3A_393 = arith.constant 2 : i32
        %parallel_loop3A_394 = vector.broadcast %parallel_loop3A_393 : i32 to vector<16xi32>
        %parallel_loop3A_395 = arith.ori %parallel_loop3A_392, %parallel_loop3A_394 : vector<16xi32>
        %parallel_loop3A_396 = arith.maxui %parallel_loop3A_381, %parallel_loop3A_395 : vector<16xi32>
        %parallel_loop3A_397 = arith.constant 15 : i32
        %parallel_loop3A_398 = arith.index_cast %parallel_loop3A_397 : i32 to index
        %parallel_loop3A_399 = arith.index_cast %parallel_loop3A_168 : i32 to index
        %parallel_loop3A_400 = arith.index_cast %parallel_loop3A_172 : i32 to index
        %parallel_loop3A_401 = tpu.vector_load %arg6[%parallel_loop3A_398, %parallel_loop3A_399, %parallel_loop3A_400] {strides = array<i32>} : memref<17x16x128xf32, #tpu.memory_space<vmem>>, vector<16xf32>,
        %parallel_loop3A_402 = tpu.bitcast %parallel_loop3A_401 : vector<16xf32> -> vector<16xi32>
        %parallel_loop3A_403 = arith.constant 31 : i32
        %parallel_loop3A_404 = arith.constant -1 : i32
        %parallel_loop3A_405 = arith.xori %parallel_loop3A_403, %parallel_loop3A_404 : i32
        %parallel_loop3A_406 = vector.broadcast %parallel_loop3A_405 : i32 to vector<16xi32>
        %parallel_loop3A_407 = arith.andi %parallel_loop3A_402, %parallel_loop3A_406 : vector<16xi32>
        %parallel_loop3A_408 = arith.constant 1 : i32
        %parallel_loop3A_409 = vector.broadcast %parallel_loop3A_408 : i32 to vector<16xi32>
        %parallel_loop3A_410 = arith.ori %parallel_loop3A_407, %parallel_loop3A_409 : vector<16xi32>
        %parallel_loop3A_411 = arith.maxui %parallel_loop3A_396, %parallel_loop3A_410 : vector<16xi32>
        %parallel_loop3A_412 = arith.constant 16 : i32
        %parallel_loop3A_413 = arith.index_cast %parallel_loop3A_412 : i32 to index
        %parallel_loop3A_414 = arith.index_cast %parallel_loop3A_168 : i32 to index
        %parallel_loop3A_415 = arith.index_cast %parallel_loop3A_172 : i32 to index
        %parallel_loop3A_416 = tpu.vector_load %arg6[%parallel_loop3A_413, %parallel_loop3A_414, %parallel_loop3A_415] {strides = array<i32>} : memref<17x16x128xf32, #tpu.memory_space<vmem>>, vector<16xf32>,
        %parallel_loop3A_417 = tpu.bitcast %parallel_loop3A_416 : vector<16xf32> -> vector<16xi32>
        %parallel_loop3A_418 = arith.constant 31 : i32
        %parallel_loop3A_419 = arith.constant -1 : i32
        %parallel_loop3A_420 = arith.xori %parallel_loop3A_418, %parallel_loop3A_419 : i32
        %parallel_loop3A_421 = vector.broadcast %parallel_loop3A_420 : i32 to vector<16xi32>
        %parallel_loop3A_422 = arith.andi %parallel_loop3A_417, %parallel_loop3A_421 : vector<16xi32>
        %parallel_loop3A_423 = arith.constant 0 : i32
        %parallel_loop3A_424 = vector.broadcast %parallel_loop3A_423 : i32 to vector<16xi32>
        %parallel_loop3A_425 = arith.ori %parallel_loop3A_422, %parallel_loop3A_424 : vector<16xi32>
        %parallel_loop3A_426 = arith.maxui %parallel_loop3A_411, %parallel_loop3A_425 : vector<16xi32>
        %parallel_loop3A_427 = tpu.bitcast %parallel_loop3A_426 : vector<16xi32> -> vector<16xi32>
        %parallel_loop3A_428 = arith.constant 31 : i32
        %parallel_loop3A_429 = vector.broadcast %parallel_loop3A_428 : i32 to vector<16xi32>
        %parallel_loop3A_430 = arith.andi %parallel_loop3A_427, %parallel_loop3A_429 : vector<16xi32>
        %parallel_loop3A_431 = arith.constant 4 : i32
        %parallel_loop3A_432 = vector.broadcast %parallel_loop3A_431 : i32 to vector<16xi32>
        %parallel_loop3A_433 = arith.shli %parallel_loop3A_430, %parallel_loop3A_432 : vector<16xi32>
        %parallel_loop3A_434 = arith.subi %add3A_162, %parallel_loop3A_433 : vector<16xi32>
        %parallel_loop3A_435 = arith.constant 1056964608 : i32
        %parallel_loop3A_436 = vector.broadcast %parallel_loop3A_435 : i32 to vector<16xi32>
        %parallel_loop3A_437 = arith.cmpi sge, %parallel_loop3A_427, %parallel_loop3A_436 : vector<16xi32>
        tpu.vector_store_idx %arg7[%parallel_loop3A_434], %broadcast_in_dim3A_6 masked %parallel_loop3A_437 {add = true} : memref<816xf32, #tpu.memory_space<vmem>>[vector<16xi32>], vector<16xf32>, vector<16xi1>
      } {sc.loop_unroll_factor = 4 : i64, sc.parallel_access}
    }
    %scan3A_51 = arith.constant 8 : i32
    %mul3A_52 = arith.constant 816 : i32
    %mul3A_53 = arith.muli %add3A, %mul3A_52 : i32
    "tpu.region"() ({
      %run_scoped3A = tpu.sem_alloc : memref<!tpu.dma_semaphore, #tpu.memory_space<semaphore_mem>>
      %dma_start3A_54 = tpu.memref_slice %arg3[%mul3A_53] : memref<26112xf32, #tpu.memory_space<hbm>> -> memref<816xf32, #tpu.memory_space<hbm>>
      %dma_start3A_55 = tpu.memref_slice %arg3[%mul3A_53] : memref<26112xf32, #tpu.memory_space<hbm>> -> memref<816xf32, #tpu.memory_space<hbm>>
      tpu.enqueue_dma source(%arg7 : memref<816xf32, #tpu.memory_space<vmem>>) target(%dma_start3A_55 : memref<816xf32, #tpu.memory_space<hbm>>) target_semaphore(%run_scoped3A : memref<!tpu.dma_semaphore, #tpu.memory_space<semaphore_mem>>)
      %dma_wait3A = tpu.memref_slice %arg3[%mul3A_53] : memref<26112xf32, #tpu.memory_space<hbm>> -> memref<816xf32, #tpu.memory_space<hbm>>
      %dma_wait3A_56 = tpu.memref_slice %arg3[%mul3A_53] : memref<26112xf32, #tpu.memory_space<hbm>> -> memref<816xf32, #tpu.memory_space<hbm>>
      tpu.wait_dma2 semaphore(%run_scoped3A : memref<!tpu.dma_semaphore, #tpu.memory_space<semaphore_mem>>) src(%arg7 : memref<816xf32, #tpu.memory_space<vmem>>) dst(%dma_wait3A_56 : memref<816xf32, #tpu.memory_space<hbm>>)
      tpu.yield
    }) : () -> ()
    return
  }
}

module attributes {stable_mosaic.version = 14 : i64} {
  func.func @_tc_body(%arg0: i32, %arg1: memref<1x17x128x128xf32, #tpu.memory_space<vmem>>, %arg2: memref<32x17xf32, #tpu.memory_space<vmem>>) attributes {dimension_semantics = [#tpu.dimension_semantics<arbitrary>], iteration_bounds = array<i64: 32>, scalar_prefetch = 0 : i64, scratch_operands = 0 : i64, tpu.core_type = #tpu.core_type<tc>, window_params = [{transform_indices = @transform_0, window_bounds = array<i64: 1, 17, 128, 128>}, {pipeline_mode = #tpu.pipeline_mode<synchronous>, transform_indices = @transform_1, window_bounds = array<i64: 32, 17>}]} {
    %get3A = arith.constant 0 : index
    %get3A_0 = arith.constant 0 : index
    %get3A_1 = arith.constant 0 : index
    %get3A_2 = arith.constant 0 : index
    %get3A_3 = vector.load %arg1[%get3A, %get3A_0, %get3A_1, %get3A_2] : memref<1x17x128x128xf32, #tpu.memory_space<vmem>>, vector<1x17x128x128xf32>
    %get3A_4 = vector.shape_cast %get3A_3 : vector<1x17x128x128xf32> to vector<17x128x128xf32>
    %bitcast_convert_type3A = tpu.bitcast %get3A_4 : vector<17x128x128xf32> -> vector<17x128x128xi32>
    %reduce_max3A = arith.constant dense<-2147483648> : vector<128x128xi32>
    %reduce_max3A_5 = vector.multi_reduction <maxsi>, %bitcast_convert_type3A, %reduce_max3A [0] : vector<17x128x128xi32> to vector<128x128xi32>
    %ge3A = arith.constant 1056964608 : i32
    %ge3A_6 = vector.broadcast %ge3A : i32 to vector<128x128xi32>
    %ge3A_7 = arith.cmpi sge, %reduce_max3A_5, %ge3A_6 : vector<128x128xi32>
    %jit3A = arith.constant -1 : i32
    %broadcast_in_dim3A = vector.broadcast %jit3A : i32 to vector<128x128xi32>
    %select_n3A = arith.select %ge3A_7, %reduce_max3A_5, %broadcast_in_dim3A : vector<128x128xi1>, vector<128x128xi32>
    %broadcast_in_dim3A_8 = vector.shape_cast %select_n3A : vector<128x128xi32> to vector<1x128x128xi32>
    %eq3A = vector.broadcast %broadcast_in_dim3A_8 : vector<1x128x128xi32> to vector<17x128x128xi32>
    %eq3A_9 = arith.cmpi eq, %bitcast_convert_type3A, %eq3A : vector<17x128x128xi32>
    %convert_element_type3A = arith.extui %eq3A_9 : vector<17x128x128xi1> to vector<17x128x128xi32>
    %convert_element_type3A_10 = arith.sitofp %convert_element_type3A : vector<17x128x128xi32> to vector<17x128x128xf32>
    %reduce_sum3A = arith.constant dense<0.000000e+00> : vector<17xf32>
    %reduce_sum3A_11 = vector.multi_reduction <add>, %convert_element_type3A_10, %reduce_sum3A [1, 2] : vector<17x128x128xf32> to vector<17xf32>
    %swap3A = arith.index_cast %arg0 : i32 to index
    %swap3A_12 = arith.constant 0 : index
    %swap3A_13 = vector.load %arg2[%swap3A, %swap3A_12] : memref<32x17xf32, #tpu.memory_space<vmem>>, vector<1x17xf32>
    %swap3A_14 = vector.shape_cast %swap3A_13 : vector<1x17xf32> to vector<17xf32>
    %swap3A_15 = vector.shape_cast %reduce_sum3A_11 : vector<17xf32> to vector<1x17xf32>
    tpu.vector_store %arg2[%swap3A, %swap3A_12], %swap3A_15 {strides = array<i32>} : memref<32x17xf32, #tpu.memory_space<vmem>>, vector<1x17xf32>,
    return
  }
  func.func @transform_0(%arg0: i32) -> (i32, i32, i32, i32) {
    %c0_i32 = arith.constant 0 : i32
    %c0_i32_0 = arith.constant 0 : i32
    %c0_i32_1 = arith.constant 0 : i32
    %c0_i32_2 = arith.constant 0 : i32
    return %arg0, %c0_i32, %c0_i32_0, %c0_i32_1 : i32, i32, i32, i32
  }
  func.func @transform_1(%arg0: i32) -> (i32, i32) {
    %c0_i32 = arith.constant 0 : i32
    %c0_i32_0 = arith.constant 0 : i32
    %c0_i32_1 = arith.constant 0 : i32
    return %c0_i32, %c0_i32_0 : i32, i32
  }
}

</mosaic_0001>

<sc_bundles>
// kernel: kernel.4.cloned.1.call-start
scs
__scs_entry_jumppad:
0x0: {  	(pc) =	sbr.rel $0x88, $3  }
0x1: {  	(tag) =	ssettag $0x0;
	lr =	simm.s32 $0x1  }
0x2: {  	[smem:$0x3FA0] =	sst lr;
	_ =	strace $0xD0000000  }
0x3: {  	_ = 	snop  }
0x4: {  	_ = 	snop  }
0x5: {  	_ = 	snop  }
0x6: {  	_ = 	snop  }
0x7: {  	_ = 	snop  }
__scs_overlays_trampoline_lowered:
0x8: {  	[smem:$0x3FAF] =	sst s0  }
0x9: {  	[smem:$0x3FB0] =	sst s1  }
0xa: {  	[smem:$0x3FB1] =	sst s2  }
0xb: {  	[smem:$0x3FB2] =	sst s3  }
0xc: {  	[smem:$0x3FB3] =	sst s4  }
0xd: {  	[smem:$0x3FB4] =	sst s5  }
0xe: {  	[smem:$0x3FB5] =	sst s6  }
0xf: {  	[smem:$0x3FB6] =	sst s7  }
0x10: {  	[smem:$0x3FB7] =	sst s8  }
0x11: {  	[smem:$0x3FB8] =	sst s9;
	s0 =	simm.s32 @!p0 $0x0  }
0x12: {  	s1 =	sld [smem:$0x3F9E];
	s0 =	simm.s32 @p0 $0x1  }
0x13: {  	[smem:$0x3FB9] =	sst s0;
	s0 =	simm.s32 @!p1 $0x0  }
0x14: {  	s2 =	sld [smem:$0x3F9D];
	s0 =	simm.s32 @p1 $0x1  }
0x15: {  	[smem:$0x3FBA] =	sst s0;
	s0 =	simm.s32 @!p2 $0x0  }
0x16: {  	s3 =	sld [smem:$0x3FDB];
	s0 =	simm.s32 @p2 $0x1  }
0x17: {  	s4 =	simm.s32 $0x1BF5;
	[smem:$0x3FBC] =	sst s0  }
0x18: {  	s0 =	sld [smem:$0x3F9F];
	_ =	swait.ge [sflag:s4], $0x0  }
0x19: {  	s7 =	sld [smem:$0x3FA0]  }
0x1a: {  	s8 =	sadd.s32 $0xFFFFE003, lr  }
0x1b: {  	s9 =	sadd.s32 $0xFFFFFEF7, lr;
	s5 =	simm.s32 $0xFFFFFFFF;
	p2 =	slt.u32 s8, $0xFFFFF086  }
0x1c: {  	p1 =	slt.u32 s9, $0xF7A;
	s5 =	simm.s32 @!p2 $0x0  }
0x1d: {  	s5 =	simm.s32 @p1 $0x1;
	p0 =	seq.s32 s7, s2  }
0x1e: {  	s7 =	smul.u32 @!p0 $0xF7A, s2;
	p2 =	seq.s32 @!p0 s5, $0x0  }
0x1f: {  	s9 =	smul.u32 $0xF7A, s1;
	s8 =	simm.s32 @!p0 $0x1BF5;
	p2 =	por !p2, p0  }
0x20: {  	[sflag:s8] =	ssyncset.s32 @!p0 $0xFFFFF086;
	s6 =	sadd.s32 @!p0 s3, s7;
	s7 =	simm.s32 @!p0 $0x108  }
0x21: {  	s3 =	sadd.s32 s3, s9;
	s6 =	sadd.s32 @!p0 $0x88, s6;
	s7 =	simm.s32 @p2 $0x1082  }
0x22: {  	[simem:s7], [sflag:s8] =	dma.local @!p0 [hbm:s6], $0xF7A  }
0x23: {  	s9 =	sor.u32 $0xD0000000, s2;
	s6 =	simm.s32 $0x108;
	_ =	swait.ge @!p0 [sflag:s8], $0x0  }
0x24: {  	s3 =	sadd.s32 $0x88, s3;
	s6 =	simm.s32 @!p1 $0x1082;
	[sflag:s4] =	ssyncset.s32 $0xFFFFF086  }
0x25: {  	[simem:s6], [sflag:s4] =	dma.local [hbm:s3], $0xF7A  }
0x26: {  	[smem:$0x3FA0] =	sst s1;
	(tag) =	ssettag s2;
	_ =	strace s9  }
0x27: {  	s1 =	sld [smem:$0x3FB0]  }
0x28: {  	s2 =	sld [smem:$0x3FB1]  }
0x29: {  	s4 =	sld [smem:$0x3FB3]  }
0x2a: {  	p0 =	seq.s32 s5, $0x0;
	s5 =	sld [smem:$0x3FB4]  }
0x2b: {  	s6 =	sld [smem:$0x3FB5]  }
0x2c: {  	s7 =	sld [smem:$0x3FB6]  }
0x2d: {  	s3 =	simm.s32 $0x108;
	s8 =	sld [smem:$0x3FB7]  }
0x2e: {  	s3 =	simm.s32 @!p0 $0x1082;
	s9 =	sld [smem:$0x3FB8]  }
0x2f: {  	lr =	sadd.s32 s0, s3;
	s0 =	sld [smem:$0x3FAF]  }
0x30: {  	s3 =	sld [smem:$0x3FB2]  }
0x31: {  	[smem:$0x3FBB] =	sst s10  }
0x32: {  	s10 =	sld [smem:$0x3FB9];
	_ =	sdelay $0x3  }
0x33: {  	p0 =	seq.s32 s10, $0x1;
	s10 =	sld [smem:$0x3FBB];
	_ =	sdelay $0x3  }
0x34: {  	[smem:$0x3FBB] =	sst s10  }
0x35: {  	s10 =	sld [smem:$0x3FBA];
	_ =	sdelay $0x3  }
0x36: {  	p1 =	seq.s32 s10, $0x1;
	s10 =	sld [smem:$0x3FBB];
	_ =	sdelay $0x3  }
0x37: {  	[smem:$0x3FBB] =	sst s10  }
0x38: {  	s10 =	sld [smem:$0x3FBC]  }
0x39: {  	_ = 	snop;
	(pc) =	sbr.ind lr, $3  }
0x3a: {  	_ = 	snop  }
0x3b: {  	_ = 	snop  }
0x3c: {  	p2 =	seq.s32 s10, $0x1;
	s10 =	sld [smem:$0x3FBB]  }
0x3d: {  	_ =	shalt  }
0x3e: {  	_ =	shalt  }
0x3f: {  	_ =	shalt  }
0x40: {  	_ =	shalt  }
0x41: {  	_ =	shalt  }
0x42: {  	_ =	shalt  }
0x43: {  	_ =	shalt  }
0x44: {  	_ =	shalt  }
0x45: {  	_ =	shalt  }
0x46: {  	_ =	shalt  }
0x47: {  	_ =	shalt  }
0x48: {  	_ =	shalt  }
0x49: {  	_ =	shalt  }
0x4a: {  	_ =	shalt  }
0x4b: {  	_ =	shalt  }
0x4c: {  	_ =	shalt  }
0x4d: {  	_ =	shalt  }
0x4e: {  	_ =	shalt  }
0x4f: {  	_ =	shalt  }
0x50: {  	_ =	shalt  }
0x51: {  	_ =	shalt  }
0x52: {  	_ =	shalt  }
0x53: {  	_ =	shalt  }
0x54: {  	_ =	shalt  }
0x55: {  	_ =	shalt  }
0x56: {  	_ =	shalt  }
0x57: {  	_ =	shalt  }
0x58: {  	_ =	shalt  }
0x59: {  	_ =	shalt  }
0x5a: {  	_ =	shalt  }
0x5b: {  	_ =	shalt  }
0x5c: {  	_ =	shalt  }
0x5d: {  	_ =	shalt  }
0x5e: {  	_ =	shalt  }
0x5f: {  	_ =	shalt  }
0x60: {  	_ =	shalt  }
0x61: {  	_ =	shalt  }
0x62: {  	_ =	shalt  }
0x63: {  	_ =	shalt  }
0x64: {  	_ =	shalt  }
0x65: {  	_ =	shalt  }
0x66: {  	_ =	shalt  }
0x67: {  	_ =	shalt  }
0x68: {  	_ =	shalt  }
0x69: {  	_ =	shalt  }
0x6a: {  	_ =	shalt  }
0x6b: {  	_ =	shalt  }
0x6c: {  	_ =	shalt  }
0x6d: {  	_ =	shalt  }
0x6e: {  	_ =	shalt  }
0x6f: {  	_ =	shalt  }
0x70: {  	_ =	shalt  }
0x71: {  	_ =	shalt  }
0x72: {  	_ =	shalt  }
0x73: {  	_ =	shalt  }
0x74: {  	_ =	shalt  }
0x75: {  	_ =	shalt  }
0x76: {  	_ =	shalt  }
0x77: {  	_ =	shalt  }
0x78: {  	_ =	shalt  }
0x79: {  	_ =	shalt  }
0x7a: {  	_ =	shalt  }
0x7b: {  	_ =	shalt  }
0x7c: {  	_ =	shalt  }
0x7d: {  	_ =	shalt  }
0x7e: {  	_ =	shalt  }
0x7f: {  	_ =	shalt  }
0x80: {  	_ =	shalt  }
0x81: {  	_ =	shalt  }
0x82: {  	_ =	shalt  }
0x83: {  	_ =	shalt  }
0x84: {  	_ =	shalt  }
0x85: {  	_ =	shalt  }
0x86: {  	_ =	shalt  }
0x87: {  	_ =	shalt  }
.Lfunc_end0:
.L_simem_size_0:
called_computation_lowered:
.L_overlay_start_0:
0x88: {  	s2 =	sld [smem:$0x3FD9]  }
0x89: {  	s3 =	sld [smem:$0x3FFE];
	_ =	sdelay $0x1  }
0x8a: {  	s1 =	srdreg.scid  }
0x8b: {  	s0 =	sand.u32 $0x1, s1  }
0x8c: {  	s17 =	sshll.u32 s0, $0xA;
	s2 =	sadd.s32 s3, s2  }
0x8d: {  	s2 =	sadd.s32 s2, s17  }
0x8e: {  	[smem:$0x3FC7] =	sst s2  }
0x8f: {  	_ = 	snop  }
0x90: {  	s2 =	sld [smem:$0x3FC9];
	(tm) =	ssettm $0x1  }
0x91: {  	s18 =	sld [smem:$0x3FFB];
	_ =	sdelay $0x3  }
0x92: {  	_ =	strace s18  }
0x93: {  	s3 =	sld [smem:$0x3FFC];
	_ =	sdelay $0x3  }
0x94: {  	_ =	strace s3  }
0x95: {  	s3 =	sld [smem:$0x3FFD];
	_ =	sdelay $0x3  }
0x96: {  	_ =	strace s3  }
0x97: {  	_ =	strace $0x8FFFFFFF  }
0x98: {  	s19 =	sld [smem:$0x3FDB];
	_ =	sdelay $0x1  }
0x99: {  	s4 =	simm.s32 $_scs_section_size  }
0x9a: {  	s5 =	simm.s32 $_size__tile_overlayer_lowered;
	s6 =	simm.s32 $_tile_overlayer_lowered  }
0x9b: {  	s22 =	simm.s32 $0x1BFF;
	s21 =	sshll.u32 s6, $0x1;
	s3 =	sadd.s32 s4, s19  }
0x9c: {  	s7 =	simm.s32 $0x0;
	s20 =	sshll.u32 s5, $0x1;
	s5 =	sadd.s32 s21, s3  }
0x9d: {  	[timem:s7], [sflag:s22] =	dma.local [hbm:s5], s20  }
0x9e: {  	_ =	swait.ge [sflag:s22], s20  }
0x9f: {  	s4 =	ssub.s32 $0x0, s20;
	[sflag:s22] =	ssyncset.done $0x0  }
0xa0: {  	[sflag:s22] =	ssyncadd.s32 s4;
	_ =	sdelay $0x1  }
0xa1: {  	s23 =	simm.s32 $0x1B8B  }
0xa2: {  	_ =	swait.ge [sflag:s23], $0x1  }
0xa3: {  	[sflag:s23] =	ssyncset.done $0x0  }
0xa4: {  	s25 =	simm.s32 $0x1B8E;
	s24 =	sld [smem:$0x3FFE];
	[sflag:s23] =	ssyncadd.s32 $0xFFFFFFFF  }
0xa5: {  	s26 =	simm.s32 $execute0_lowered;
	[smem:$0x3FD2] =	sst s25  }
0xa6: {  	s5 =	sshll.u32 s26, $0x1;
	_ =	strace $0x80000046;
	[dreg:$0x1] =	wrdreg $0xFFFFFFFF  }
0xa7: {  	s28 =	simm.s32 $_size_execute0_lowered;
	s3 =	sadd.s32 s3, s5;
	[dreg:$0x0] =	wrdreg $0x0  }
0xa8: {  	s5 =	sshll.u32 s28, $0x1;
	[dreg:$0x2] =	wrdreg s3  }
0xa9: {  	[dreg:$0x3] =	wrdreg s5  }
0xaa: {  	[dreg:$0x4] =	wrdreg $0xC0  }
0xab: {  	_ =	task [dreg:s7], $0x5FFFF  }
0xac: {  	[dreg:$0x1] =	wrdreg $0xFFFFFFFF  }
0xad: {  	[dreg:$0x0] =	wrdreg $0x60  }
0xae: {  	[dreg:$0x2] =	wrdreg s2  }
0xaf: {  	[dreg:$0x3] =	wrdreg s24  }
0xb0: {  	[dreg:$0x4] =	wrdreg $0x9  }
0xb1: {  	_ =	task.clear_ibuf [dreg:s7], $0x5FFFF;
	_ =	strace $0x90000046  }
0xb2: {  	s29 =	simm.s32 $0x9;
	_ =	strace $0x80000048  }
0xb3: {  	_ =	swait.ge [sflag:s29], $0x1  }
0xb4: {  	[sflag:s29] =	ssyncadd.s32 $0xFFFFFFFF  }
0xb5: {  	_ =	strace $0x90000048  }
0xb6: {  	_ =	sfence  }
0xb7: {  	s30 =	sld [smem:$0x0];
	_ =	sdelay $0x2  }
0xb8: {  	s31 =	sshll.u32 s1, $0xD;
	s1 =	sshrl.u32 s1, $0x2  }
0xb9: {  	s3 =	sand.u32 $0x4000, s31;
	s1 =	sadd.s32 s1, s30  }
0xba: {  	s0 =	sor.u32 s3, s0;
	s1 =	sshll.u32 s1, $0x11  }
0xbb: {  	s0 =	sor.u32 s1, s0  }
0xbc: {  	s0 =	sadd.s32 $0x8F2B, s0  }
0xbd: {  	[sflag:s0] =	ssyncadd.remote.s32 $0x1  }
0xbe: {  	_ =	sfence.sel $0xFFFF  }
0xbf: {  	[dreg:$0x0] =	wrdreg $0xFFFFFFFF;
	(pc) =	sbr.abs _section_cstart, $3  }
0xc0: {  	[dreg:$0x1] =	wrdreg $0xFFFFFFFF  }
0xc1: {  	_ =	task.clear_ibuf [dreg:s7], $0x2FFFF;
	_ =	strace $0x9FFFFFFF  }
0xc2: {  	(tm) =	ssettm $0x7FFFFFFF  }
0xc3: {  	_ =	shalt  }
tec
execute0_lowered:
.L_overlay_start_1:
0x0: {  	(tag) =	ssettag $0x1  }
0x1: {  	s0 =	srdreg.scid  }
0x2: {  	s0 =	sand.u32 $0x1, s0  }
0x3: {  	s2 =	stileid.u32;
	s1 =	sshll.u32 s0, $0x4  }
0x4: {  	s6 =	rddreg [dreg:$0x0];
	s1 =	sor.u32 s2, s1  }
0x5: {  	s29 =	rddreg [dreg:$0x1];
	s7 =	simm.s32 $0x0;
	s5 =	smul.u32 $0x18, s1  }
0x6: {  	[smem:$0x7FF] =	sst s7;
	s0 =	ssub.s32 $0x2, s0  }
0x7: {  	s4 =	sshrl.u32 s0, $0x1;
	s1 =	smul.u32 $0x66, s1;
	s3 =	sshrl.u32 s5, $0x3  }
0x8: {  	s0 =	ssub.s32 s0, s4;
	[smem:$0x7F7] =	sst s3;
	s3 =	smul.u32 $0x44000, s3  }
0x9: {  	s31 =	sor.u32 $0x1, s5;
	_ =	strace $0x80000047;
	[smem:$0x7FA] =	sst s5  }
0xa: {  	s1 =	sadd.s32 s29, s1;
	[smem:$0x7FB] =	sst s31;
	s3 =	sshrl.u32 s3, $0x3  }
0xb: {  	s0 =	smax.u32 s0, $0x1;
	[smem:$0x7FC] =	sst s1;
	s3 =	sadd.s32 s6, s3  }
0xc: {  	[smem:$0x7FD] =	sst s0;
	s30 =	sadd.s32 $0x110000, s3  }
0xd: {  	s3 =	sadd.s32 $0x110100, s3;
	[smem:$0x7F8] =	sst s30  }
0xe: {  	s22 =	simm.s32 $0x19800;
	v0 =	vimm.f32 $0.0e+00;
	v1 =	vlaneseq.u32;
	v2 =	vimm.f32 $1.000000000e+00;
	s2 =	simm.s32 $0x0;
	[smem:$0x7F9] =	sst s3  }
.LBB2_1:
0xf: {  	s0 =	sld [smem:$0x7F8];
	_ =	sdelay $0x1  }
0x10: {  	s1 =	simm.s32 $0x800;
	s30 =	simm.s32 $0x4000;
	s31 =	sld [smem:$0x7F9]  }
0x11: {  	[tilespmem:s7], [sflag:$0x1] =	stream.strided.gather [hbm4b:s0+s1], $0x8800, s30, s1, $0x38;
	[tilespmem:$0x19B80] =	vst v63  }
0x12: {  	s3 =	simm.s32 $0x8800  }
0x13: {  	[tilespmem:s3], [sflag:$0x2] =	stream.strided.gather [hbm4b:s31+s1], $0x8800, s30, s1, $0x38;
	[tilespmem:$0x19B80] =	vst v63  }
0x14: {  	[smem:$0x7F6] =	sst s2;
	s0 =	simm.s32 $0x40;
	s1 =	simm.s32 $0x0  }
.LBB2_2:
0x15: {  	p0 =	sne.s32 s0, $0xC80;
	[tilespmem:s1+$0x19800] =	vst v0;
	s1 =	smov.u32 s0;
	s0 =	sadd.s32 $0x40, s0  }
.Ltmp0:
0x16: {  	(pc) =	sbr.rel @p0 .LBB2_2-.Ltmp0, $2  }
0x17: {  	_ =	sdelay $0x2  }
0x18: {  	s1 =	sshra.s32 s1, $0x2  }
0x19: {  	[tilespmem:s1+$0x19800] =	vst v0;
	s0 =	simm.s32 $0x0  }
.LBB2_4:
0x1a: {  	s17 =	smul.u32 $0x3, s0;
	s16 =	sld [smem:$0x7FA]  }
0x1b: {  	_ = 	snop  }
0x1c: {  	[smem:$0x7F3] =	sst s0;
	s0 =	sadd.s32 $0x2, s17  }
0x1d: {  	s1 =	sadd.s32 s16, s0  }
0x1e: {  	s30 =	simm.s32 $0x1;
	s31 =	simm.s32 $0x800;
	s1 =	sshrl.u32 s1, $0x3  }
0x1f: {  	s0 =	sshll.u32 s0, $0xB;
	[smem:$0x7F4] =	sst s1;
	s1 =	smul.u32 $0x44000, s1  }
0x20: {  	s2 =	simm.s32 $0x4000;
	s0 =	sand.u32 $0x3800, s0;
	_ =	swait.ge [sflag:s30], $0x8800  }
0x21: {  	s3 =	simm.s32 $0x11000;
	s0 =	sor.u32 s0, s1;
	[sflag:s30] =	ssyncset.done $0x0  }
0x22: {  	s4 =	simm.s32 $0x0;
	s0 =	sadd.s32 $0x880000, s0;
	[sflag:s30] =	ssyncadd.s32 $0xFFFF7800  }
0x23: {  	s25 =	sand.u32 $0x40, s4;
	s0 =	sshrl.u32 s0, $0x3;
	s1 =	rddreg [dreg:$0x0]  }
0x24: {  	s11 =	sand.u32 $0x780, s4;
	s14 =	sor.u32 $0x30, s25;
	s0 =	sadd.s32 s1, s0  }
0x25: {  	[tilespmem:s3], [sflag:$0x3] =	stream.strided.gather [hbm4b:s0+s31], $0x8800, s2, s31, $0x38;
	[tilespmem:$0x19B80] =	vst v63  }
0x26: {  	s12 =	sor.u32 $0x800, s11;
	s0 =	sor.u32 s14, s11  }
0x27: {  	s8 =	sor.u32 $0x1000, s11;
	s5 =	sor.u32 s14, s12;
	v3 =	vld [tilespmem:s0+$0x0]  }
0x28: {  	s4 =	sor.u32 $0x1800, s11;
	s6 =	sor.u32 s14, s8;
	v4 =	vld [tilespmem:s5+$0x0]  }
0x29: {  	s7 =	sor.u32 s14, s4;
	s2 =	sor.u32 $0x2000, s11;
	v5 =	vld [tilespmem:s6+$0x0]  }
0x2a: {  	s3 =	sor.u32 $0x2800, s11;
	v6 =	vld [tilespmem:s7+$0x0];
	s9 =	sor.u32 s14, s2  }
0x2b: {  	s10 =	sor.u32 $0x3000, s11;
	s13 =	sor.u32 s14, s3;
	v7 =	vld [tilespmem:s9+$0x0]  }
0x2c: {  	s15 =	sor.u32 s14, s10;
	s9 =	sor.u32 $0x3800, s11;
	v8 =	vld [tilespmem:s13+$0x0]  }
0x2d: {  	s7 =	sor.u32 $0x4000, s11;
	v9 =	vld [tilespmem:s15+$0x0];
	s18 =	sor.u32 s14, s9;
	v3 =	vand.u32 $0xFFFFFFE0, v3;
	v4 =	vand.u32 $0xFFFFFFE0, v4  }
0x2e: {  	s6 =	sor.u32 $0x4800, s11;
	s19 =	sor.u32 s14, s7;
	v10 =	vld [tilespmem:s18+$0x0];
	v5 =	vand.u32 $0xFFFFFFE0, v5;
	v3 =	vor.u32 $0x10, v3;
	v4 =	vor.u32 $0xF, v4  }
0x2f: {  	s5 =	sor.u32 $0x5000, s11;
	s20 =	sor.u32 s14, s6;
	v3 =	vmax.u32 v3, v4;
	v4 =	vor.u32 $0xE, v5;
	v5 =	vand.u32 $0xFFFFFFE0, v6;
	v6 =	vld [tilespmem:s19+$0x0]  }
0x30: {  	s13 =	sor.u32 $0x5800, s11;
	s21 =	sor.u32 s14, s5;
	v3 =	vmax.u32 v3, v4;
	v4 =	vor.u32 $0xD, v5;
	v5 =	vand.u32 $0xFFFFFFE0, v7;
	v7 =	vld [tilespmem:s20+$0x0]  }
0x31: {  	s0 =	sor.u32 $0x6000, s11;
	s15 =	sor.u32 s14, s13;
	v3 =	vmax.u32 v3, v4;
	v4 =	vor.u32 $0xC, v5;
	v5 =	vand.u32 $0xFFFFFFE0, v8;
	v8 =	vld [tilespmem:s21+$0x0]  }
0x32: {  	s1 =	sor.u32 $0x6800, s11;
	s23 =	sor.u32 s14, s0;
	v3 =	vmax.u32 v3, v4;
	v4 =	vor.u32 $0xB, v5;
	v5 =	vand.u32 $0xFFFFFFE0, v9;
	v9 =	vld [tilespmem:s15+$0x0]  }
0x33: {  	s30 =	sor.u32 $0x7000, s11;
	s24 =	sor.u32 s14, s1;
	v3 =	vmax.u32 v3, v4;
	v4 =	vor.u32 $0xA, v5;
	v5 =	vand.u32 $0xFFFFFFE0, v10;
	v10 =	vld [tilespmem:s23+$0x0]  }
0x34: {  	s28 =	sor.u32 $0x7800, s11;
	s26 =	sor.u32 s14, s30;
	v3 =	vmax.u32 v3, v4;
	v4 =	vor.u32 $0x9, v5;
	v5 =	vand.u32 $0xFFFFFFE0, v6;
	v6 =	vld [tilespmem:s24+$0x0]  }
0x35: {  	s29 =	sor.u32 s14, s28;
	v3 =	vmax.u32 v3, v4;
	v4 =	vor.u32 $0x8, v5;
	v5 =	vand.u32 $0xFFFFFFE0, v7;
	v7 =	vld [tilespmem:s26+$0x0];
	[smem:$0x7F5] =	sst s17  }
0x36: {  	s16 =	sadd.s32 s16, s17;
	s31 =	sor.u32 s25, s12;
	s26 =	sor.u32 $0x8000, s11;
	v3 =	vmax.u32 v3, v4;
	v4 =	vor.u32 $0x7, v5;
	v5 =	vand.u32 $0xFFFFFFE0, v8;
	v8 =	vld [tilespmem:s29+$0x0]  }
0x37: {  	s19 =	sld [smem:$0x7F7];
	s29 =	sor.u32 $0x10, s25;
	v11 =	vld [tilespmem:s31+$0x0];
	s14 =	sor.u32 s14, s26  }
0x38: {  	s18 =	sshrl.u32 s16, $0x3;
	s31 =	sor.u32 $0x20, s25;
	v3 =	vmax.u32 v3, v4;
	v4 =	vor.u32 $0x6, v5;
	v5 =	vand.u32 $0xFFFFFFE0, v9;
	s20 =	sor.u32 s29, s11;
	v9 =	vld [tilespmem:s14+$0x0]  }
0x39: {  	s16 =	sor.u32 s25, s8;
	s23 =	sor.u32 s29, s12;
	s12 =	sor.u32 s31, s12;
	v3 =	vmax.u32 v3, v4;
	v4 =	vor.u32 $0x5, v5;
	v5 =	vand.u32 $0xFFFFFFE0, v10;
	v10 =	vld [tilespmem:s20+$0x0]  }
0x3a: {  	s15 =	ssub.s32 s18, s19;
	s17 =	sor.u32 s29, s8;
	s8 =	sor.u32 s31, s8;
	v12 =	vld [tilespmem:s12+$0x0]  }
0x3b: {  	s21 =	smul.u32 $0x110, s15;
	v14 =	vld [tilespmem:s8+$0x0];
	v3 =	vmax.u32 v3, v4;
	v4 =	vor.u32 $0x4, v5;
	v5 =	vand.u32 $0xFFFFFFE0, v6  }
0x3c: {  	v6 =	vld [tilespmem:s23+$0x0];
	v3 =	vmax.u32 v3, v4;
	v4 =	vor.u32 $0x3, v5;
	v5 =	vand.u32 $0xFFFFFFE0, v7  }
0x3d: {  	s24 =	sor.u32 s31, s11;
	s14 =	sadd.s32 $0x100, s21;
	v4 =	vmax.u32 v3, v4;
	v5 =	vor.u32 $0x2, v5;
	v8 =	vand.u32 $0xFFFFFFE0, v8  }
0x3e: {  	s11 =	sor.u32 s25, s11;
	v7 =	vld [tilespmem:s24+$0x0];
	v3 =	vor.u32 s14, v1;
	v4 =	vmax.u32 v4, v5;
	v5 =	vor.u32 $0x1, v8  }
0x3f: {  	v8 =	vand.u32 $0xFFFFFFE0, v11;
	v11 =	vld [tilespmem:s11+$0x0];
	v4 =	vmax.u32 v4, v5;
	v5 =	vand.u32 $0xFFFFFFE0, v9  }
0x40: {  	v8 =	vor.u32 $0xF, v8;
	v9 =	vld [tilespmem:s16+$0x0];
	v10 =	vand.u32 $0xFFFFFFE0, v10;
	v12 =	vand.u32 $0xFFFFFFE0, v12  }
0x41: {  	v14 =	vand.u32 $0xFFFFFFE0, v14;
	v4 =	vmax.u32 v4, v5;
	v5 =	vand.u32 $0xFFFFFFE0, v6;
	v6 =	vld [tilespmem:s17+$0x0]  }
0x42: {  	s18 =	sor.u32 s25, s4;
	v10 =	vor.u32 $0x10, v10;
	v12 =	vor.u32 $0xF, v12;
	v13 =	vshll.u32 v4, $0x4  }
0x43: {  	s19 =	sor.u32 s29, s4;
	s4 =	sor.u32 s31, s4;
	v7 =	vand.u32 $0xFFFFFFE0, v7;
	vm2 =	vgt.s32 v4, $0x3EFFFFFF;
	v4 =	vld [tilespmem:s18+$0x0];
	v15 =	vor.u32 $0xF, v5  }
0x44: {  	v13 =	vand.u32 $0x1F0, v13;
	v10 =	vmax.u32 v10, v15;
	v15 =	vld [tilespmem:s4+$0x0];
	v11 =	vand.u32 $0xFFFFFFE0, v11  }
0x45: {  	s20 =	sor.u32 s25, s2;
	v7 =	vor.u32 $0x10, v7;
	v5 =	vsub.s32 v3, v13;
	v13 =	vld [tilespmem:s19+$0x0];
	v11 =	vor.u32 $0x10, v11  }
0x46: {  	s21 =	sor.u32 s29, s2;
	v9 =	vand.u32 $0xFFFFFFE0, v9;
	v8 =	vmax.u32 v11, v8;
	v11 =	vld [tilespmem:s20+$0x0];
	v6 =	vand.u32 $0xFFFFFFE0, v6  }
0x47: {  	s2 =	sor.u32 s31, s2;
	v7 =	vmax.u32 v7, v12;
	v12 =	vld [tilespmem:s21+$0x0];
	v9 =	vor.u32 $0xE, v9;
	v6 =	vor.u32 $0xE, v6  }
0x48: {  	s23 =	sor.u32 s25, s3;
	v8 =	vmax.u32 v8, v9;
	v4 =	vand.u32 $0xFFFFFFE0, v4;
	v9 =	vor.u32 $0xE, v14;
	v14 =	vld [tilespmem:s2+$0x0]  }
0x49: {  	s24 =	sor.u32 s29, s3;
	v6 =	vmax.u32 v10, v6;
	v7 =	vmax.u32 v7, v9;
	v9 =	vld [tilespmem:s23+$0x0];
	v4 =	vor.u32 $0xD, v4  }
0x4a: {  	s3 =	sor.u32 s31, s3;
	v10 =	vand.u32 $0xFFFFFFE0, v13;
	v13 =	vand.u32 $0xFFFFFFE0, v15;
	v15 =	vld [tilespmem:s24+$0x0];
	v4 =	vmax.u32 v8, v4  }
0x4b: {  	s8 =	sor.u32 s25, s10;
	v10 =	vor.u32 $0xD, v10;
	v8 =	vand.u32 $0xFFFFFFE0, v11;
	v11 =	vor.u32 $0xD, v13;
	v13 =	vld [tilespmem:s3+$0x0]  }
0x4c: {  	s12 =	sor.u32 s31, s10;
	v6 =	vmax.u32 v6, v10;
	v10 =	vand.u32 $0xFFFFFFE0, v12;
	v12 =	vld [tilespmem:s8+$0x0]  }
0x4d: {  	s11 =	sor.u32 s29, s10;
	v8 =	vor.u32 $0xC, v8;
	v7 =	vmax.u32 v7, v11;
	v10 =	vor.u32 $0xC, v10;
	v11 =	vld [tilespmem:s12+$0x0]  }
0x4e: {  	s14 =	sor.u32 s25, s9;
	v4 =	vmax.u32 v4, v8;
	v8 =	vld [tilespmem:s11+$0x0];
	v6 =	vmax.u32 v6, v10;
	v10 =	vand.u32 $0xFFFFFFE0, v14  }
0x4f: {  	v9 =	vand.u32 $0xFFFFFFE0, v9;
	v14 =	vld [tilespmem:s14+$0x0];
	v10 =	vor.u32 $0xC, v10  }
0x50: {  	s15 =	sor.u32 s29, s9;
	v9 =	vor.u32 $0xB, v9;
	v15 =	vand.u32 $0xFFFFFFE0, v15;
	v7 =	vmax.u32 v7, v10  }
0x51: {  	s17 =	sor.u32 s25, s7;
	v4 =	vmax.u32 v4, v9;
	v9 =	vor.u32 $0xB, v15;
	v10 =	vld [tilespmem:s15+$0x0];
	v13 =	vand.u32 $0xFFFFFFE0, v13  }
0x52: {  	s16 =	sor.u32 s31, s9;
	v15 =	vld [tilespmem:s17+$0x0];
	v12 =	vand.u32 $0xFFFFFFE0, v12;
	v6 =	vmax.u32 v6, v9;
	v13 =	vor.u32 $0xB, v13  }
0x53: {  	s18 =	sor.u32 s29, s7;
	v9 =	vld [tilespmem:s16+$0x0];
	v12 =	vor.u32 $0xA, v12;
	v11 =	vand.u32 $0xFFFFFFE0, v11;
	v8 =	vand.u32 $0xFFFFFFE0, v8  }
0x54: {  	s20 =	sor.u32 s25, s6;
	v7 =	vmax.u32 v7, v13;
	v4 =	vmax.u32 v4, v12;
	v12 =	vld [tilespmem:s18+$0x0];
	v13 =	vand.u32 $0xFFFFFFE0, v14  }
0x55: {  	s19 =	sor.u32 s31, s7;
	v11 =	vor.u32 $0xA, v11;
	v14 =	vld [tilespmem:s20+$0x0];
	v8 =	vor.u32 $0xA, v8;
	v13 =	vor.u32 $0x9, v13  }
0x56: {  	s24 =	sor.u32 s25, s5;
	v7 =	vmax.u32 v7, v11;
	v6 =	vmax.u32 v6, v8;
	v8 =	vld [tilespmem:s19+$0x0];
	v10 =	vand.u32 $0xFFFFFFE0, v10  }
0x57: {  	s21 =	sor.u32 s29, s6;
	v4 =	vmax.u32 v4, v13;
	v13 =	vand.u32 $0xFFFFFFE0, v15;
	v15 =	vld [tilespmem:s24+$0x0];
	v10 =	vor.u32 $0x9, v10  }
0x58: {  	s23 =	sor.u32 s31, s6;
	v11 =	vld [tilespmem:s21+$0x0];
	v9 =	vand.u32 $0xFFFFFFE0, v9;
	v13 =	vor.u32 $0x8, v13;
	v6 =	vmax.u32 v6, v10  }
0x59: {  	s6 =	sor.u32 s25, s13;
	v10 =	vld [tilespmem:s23+$0x0];
	v9 =	vor.u32 $0x9, v9;
	v4 =	vmax.u32 v4, v13;
	v12 =	vand.u32 $0xFFFFFFE0, v12  }
0x5a: {  	s4 =	sor.u32 s29, s5;
	v7 =	vmax.u32 v7, v9;
	v13 =	vand.u32 $0xFFFFFFE0, v14;
	v14 =	vld [tilespmem:s6+$0x0];
	v9 =	vor.u32 $0x8, v12  }
0x5b: {  	s5 =	sor.u32 s31, s5;
	v12 =	vld [tilespmem:s4+$0x0];
	v13 =	vor.u32 $0x7, v13;
	v8 =	vand.u32 $0xFFFFFFE0, v8;
	v6 =	vmax.u32 v6, v9  }
0x5c: {  	s9 =	sor.u32 s25, s0;
	v9 =	vld [tilespmem:s5+$0x0];
	v4 =	vmax.u32 v4, v13;
	v13 =	vand.u32 $0xFFFFFFE0, v15;
	v8 =	vor.u32 $0x8, v8  }
0x5d: {  	s7 =	sor.u32 s29, s13;
	v11 =	vand.u32 $0xFFFFFFE0, v11;
	v15 =	vld [tilespmem:s9+$0x0];
	v13 =	vor.u32 $0x6, v13;
	v7 =	vmax.u32 v7, v8  }
0x5e: {  	s8 =	sor.u32 s31, s13;
	v8 =	vor.u32 $0x7, v11;
	v11 =	vld [tilespmem:s7+$0x0];
	v10 =	vand.u32 $0xFFFFFFE0, v10;
	v4 =	vmax.u32 v4, v13  }
0x5f: {  	s11 =	sor.u32 s25, s1;
	v6 =	vmax.u32 v6, v8;
	v8 =	vld [tilespmem:s8+$0x0];
	v10 =	vor.u32 $0x7, v10;
	v13 =	vand.u32 $0xFFFFFFE0, v14  }
0x60: {  	s10 =	sor.u32 s29, s0;
	v14 =	vld [tilespmem:s11+$0x0];
	v12 =	vand.u32 $0xFFFFFFE0, v12;
	v7 =	vmax.u32 v7, v10;
	v13 =	vor.u32 $0x5, v13  }
0x61: {  	s13 =	sor.u32 s25, s30;
	v10 =	vor.u32 $0x6, v12;
	v12 =	vld [tilespmem:s10+$0x0];
	v9 =	vand.u32 $0xFFFFFFE0, v9;
	v4 =	vmax.u32 v4, v13  }
0x62: {  	s0 =	sor.u32 s31, s0;
	v13 =	vand.u32 $0xFFFFFFE0, v15;
	v15 =	vld [tilespmem:s13+$0x0];
	v6 =	vmax.u32 v6, v10;
	v9 =	vor.u32 $0x6, v9  }
0x63: {  	s12 =	sor.u32 s29, s1;
	v10 =	vld [tilespmem:s0+$0x0];
	v13 =	vor.u32 $0x4, v13;
	v11 =	vand.u32 $0xFFFFFFE0, v11;
	v7 =	vmax.u32 v7, v9  }
0x64: {  	s16 =	sor.u32 s25, s28;
	v4 =	vmax.u32 v4, v13;
	v9 =	vor.u32 $0x5, v11;
	v11 =	vld [tilespmem:s12+$0x0];
	v8 =	vand.u32 $0xFFFFFFE0, v8  }
0x65: {  	s1 =	sor.u32 s31, s1;
	v13 =	vand.u32 $0xFFFFFFE0, v14;
	v14 =	vld [tilespmem:s16+$0x0];
	v6 =	vmax.u32 v6, v9;
	v8 =	vor.u32 $0x5, v8  }
0x66: {  	s14 =	sor.u32 s29, s30;
	v9 =	vld [tilespmem:s1+$0x0];
	v13 =	vor.u32 $0x3, v13;
	v12 =	vand.u32 $0xFFFFFFE0, v12;
	v7 =	vmax.u32 v7, v8  }
0x67: {  	s19 =	sor.u32 s25, s26;
	v4 =	vmax.u32 v4, v13;
	v13 =	vand.u32 $0xFFFFFFE0, v15;
	v8 =	vor.u32 $0x4, v12;
	v12 =	vld [tilespmem:s14+$0x0]  }
0x68: {  	s15 =	sor.u32 s31, s30;
	s20 =	simm.s32 $0x40;
	v15 =	vld [tilespmem:s19+$0x0];
	v10 =	vand.u32 $0xFFFFFFE0, v10;
	v13 =	vor.u32 $0x2, v13  }
0x69: {  	s17 =	sor.u32 s29, s28;
	s25 =	sand.u32 $0x40, s20;
	v6 =	vmax.u32 v6, v8;
	v8 =	vld [tilespmem:s15+$0x0];
	v10 =	vor.u32 $0x4, v10;
	v11 =	vand.u32 $0xFFFFFFE0, v11  }
0x6a: {  	s18 =	sor.u32 s31, s28;
	s11 =	sand.u32 $0x780, s20;
	s14 =	sor.u32 $0x30, s25;
	v4 =	vmax.u32 v4, v13;
	v7 =	vmax.u32 v7, v10;
	v10 =	vor.u32 $0x3, v11;
	v11 =	vld [tilespmem:s17+$0x0]  }
0x6b: {  	s24 =	sor.u32 s14, s11;
	v13 =	vand.u32 $0xFFFFFFE0, v14;
	v9 =	vand.u32 $0xFFFFFFE0, v9;
	v6 =	vmax.u32 v6, v10;
	v10 =	vld [tilespmem:s18+$0x0]  }
0x6c: {  	s21 =	sor.u32 s29, s26;
	v14 =	vld [tilespmem:s24+$0x0];
	v13 =	vor.u32 $0x1, v13;
	v9 =	vor.u32 $0x3, v9;
	v12 =	vand.u32 $0xFFFFFFE0, v12  }
0x6d: {  	s23 =	sor.u32 s31, s26;
	s3 =	sor.u32 $0x2000, s11;
	v4 =	vmax.u32 v4, v13;
	v7 =	vmax.u32 v7, v9;
	v9 =	vor.u32 $0x2, v12;
	v12 =	vld [tilespmem:s21+$0x0]  }
0x6e: {  	s12 =	sor.u32 $0x800, s11;
	s30 =	sor.u32 s14, s3;
	v13 =	vand.u32 $0xFFFFFFE0, v15;
	v8 =	vand.u32 $0xFFFFFFE0, v8;
	v6 =	vmax.u32 v6, v9;
	v9 =	vld [tilespmem:s23+$0x0]  }
0x6f: {  	s4 =	sor.u32 $0x1000, s11;
	s26 =	sor.u32 s14, s12;
	v16 =	vld [tilespmem:s30+$0x0];
	v13 =	vmax.u32 v4, v13;
	v8 =	vor.u32 $0x2, v8;
	v11 =	vand.u32 $0xFFFFFFE0, v11  }
0x70: {  	s2 =	sor.u32 $0x1800, s11;
	s28 =	sor.u32 s14, s4;
	v7 =	vmax.u32 v7, v8;
	v8 =	vor.u32 $0x1, v11;
	v11 =	vld [tilespmem:s26+$0x0];
	v10 =	vand.u32 $0xFFFFFFE0, v10  }
0x71: {  	s8 =	sor.u32 $0x2800, s11;
	s29 =	sor.u32 s14, s2;
	vm0 =	vgt.s32 v13, $0x3EFFFFFF;
	v6 =	vmax.u32 v6, v8;
	v8 =	vld [tilespmem:s28+$0x0];
	v10 =	vor.u32 $0x1, v10  }
0x72: {  	s9 =	sor.u32 $0x3800, s11;
	s31 =	sor.u32 s14, s8;
	v4 =	vand.u32 $0xFFFFFFE0, v12;
	v12 =	vld [tilespmem:s29+$0x0];
	v10 =	vmax.u32 v7, v10;
	v7 =	vshll.u32 v13, $0x4  }
0x73: {  	s10 =	sor.u32 $0x3000, s11;
	s5 =	sor.u32 s14, s9;
	v17 =	vld [tilespmem:s31+$0x0];
	v15 =	vmax.u32 v6, v4;
	v4 =	vand.u32 $0xFFFFFFE0, v9;
	v9 =	vand.u32 $0x1F0, v7  }
0x74: {  	s7 =	sor.u32 $0x4000, s11;
	s1 =	sor.u32 s14, s10;
	v13 =	vld [tilespmem:s5+$0x0];
	v7 =	vshll.u32 v15, $0x4;
	v6 =	vmax.u32 v10, v4;
	v4 =	vsub.s32 v3, v9  }
0x75: {  	s13 =	sor.u32 s14, s7;
	s5 =	sor.u32 $0x5000, s11;
	v9 =	vld [tilespmem:s1+$0x0];
	vm1 =	vgt.s32 v15, $0x3EFFFFFF;
	v10 =	vand.u32 $0xFFFFFFE0, v14;
	v11 =	vand.u32 $0xFFFFFFE0, v11  }
0x76: {  	s6 =	sor.u32 $0x4800, s11;
	s16 =	sor.u32 s14, s5;
	v14 =	vld [tilespmem:s13+$0x0];
	v10 =	vor.u32 $0x10, v10;
	v11 =	vor.u32 $0xF, v11;
	v8 =	vand.u32 $0xFFFFFFE0, v8  }
0x77: {  	s15 =	sor.u32 s14, s6;
	s13 =	sor.u32 $0x5800, s11;
	v15 =	vld [tilespmem:s16+$0x0];
	v10 =	vmax.u32 v10, v11;
	v8 =	vor.u32 $0xE, v8;
	v11 =	vand.u32 $0xFFFFFFE0, v12  }
0x78: {  	s0 =	sor.u32 $0x6000, s11;
	s17 =	sor.u32 s14, s13;
	v12 =	vld [tilespmem:s15+$0x0];
	v8 =	vmax.u32 v10, v8;
	v10 =	vor.u32 $0xD, v11;
	v11 =	vand.u32 $0xFFFFFFE0, v16  }
0x79: {  	s18 =	sor.u32 s14, s0;
	s1 =	sor.u32 $0x6800, s11;
	v16 =	vld [tilespmem:s17+$0x0];
	v8 =	vmax.u32 v8, v10;
	v10 =	vor.u32 $0xC, v11;
	v11 =	vand.u32 $0xFFFFFFE0, v17  }
0x7a: {  	s31 =	sor.u32 $0x7000, s11;
	s30 =	sor.u32 $0x20, s25;
	s19 =	sor.u32 s14, s1;
	v9 =	vand.u32 $0xFFFFFFE0, v9;
	v8 =	vmax.u32 v8, v10;
	v10 =	vor.u32 $0xB, v11;
	v11 =	vld [tilespmem:s18+$0x0]  }
0x7b: {  	s20 =	sor.u32 s14, s31;
	s28 =	sor.u32 $0x10, s25;
	s29 =	sor.u32 $0x7800, s11;
	v9 =	vor.u32 $0xA, v9;
	v8 =	vmax.u32 v8, v10;
	v10 =	vand.u32 $0xFFFFFFE0, v13;
	v13 =	vld [tilespmem:s19+$0x0]  }
0x7c: {  	s18 =	sor.u32 s25, s4;
	s19 =	sor.u32 s28, s4;
	s4 =	sor.u32 s30, s4;
	v8 =	vmax.u32 v8, v9;
	v9 =	vor.u32 $0x9, v10;
	v10 =	vand.u32 $0xFFFFFFE0, v14;
	v14 =	vld [tilespmem:s20+$0x0]  }
0x7d: {  	s21 =	sor.u32 s14, s29;
	v18 =	vld [tilespmem:s4+$0x0];
	v8 =	vmax.u32 v8, v9;
	v9 =	vor.u32 $0x8, v10;
	v10 =	vand.u32 $0xFFFFFFE0, v12  }
0x7e: {  	s20 =	sor.u32 s25, s2;
	v12 =	vld [tilespmem:s21+$0x0];
	v8 =	vmax.u32 v8, v9;
	v9 =	vor.u32 $0x7, v10;
	v10 =	vand.u32 $0xFFFFFFE0, v15  }
0x7f: {  	s23 =	sor.u32 s25, s12;
	v19 =	vld [tilespmem:s20+$0x0];
	v8 =	vmax.u32 v8, v9;
	v9 =	vor.u32 $0x6, v10;
	v10 =	vand.u32 $0xFFFFFFE0, v16  }
0x80: {  	s26 =	sor.u32 $0x8000, s11;
	s24 =	sor.u32 s28, s11;
	v15 =	vld [tilespmem:s23+$0x0];
	v8 =	vmax.u32 v8, v9;
	v9 =	vor.u32 $0x5, v10  }
0x81: {  	s14 =	sor.u32 s14, s26;
	v17 =	vld [tilespmem:s24+$0x0];
	v10 =	vand.u32 $0xFFFFFFE0, v11;
	v8 =	vmax.u32 v8, v9  }
0x82: {  	s16 =	sor.u32 s28, s12;
	v16 =	vld [tilespmem:s14+$0x0];
	v9 =	vor.u32 $0x4, v10;
	v10 =	vand.u32 $0xFFFFFFE0, v13;
	v18 =	vand.u32 $0xFFFFFFE0, v18  }
0x83: {  	s17 =	sor.u32 s30, s11;
	v11 =	vld [tilespmem:s16+$0x0];
	v8 =	vmax.u32 v8, v9;
	v9 =	vor.u32 $0x3, v10;
	v10 =	vand.u32 $0xFFFFFFE0, v14  }
0x84: {  	s12 =	sor.u32 s30, s12;
	v13 =	vld [tilespmem:s17+$0x0];
	v19 =	vand.u32 $0xFFFFFFE0, v19;
	v18 =	vor.u32 $0xE, v18;
	v8 =	vmax.u32 v8, v9  }
0x85: {  	v14 =	vld [tilespmem:s12+$0x0];
	v9 =	vor.u32 $0x2, v10;
	v10 =	vand.u32 $0xFFFFFFE0, v12;
	v12 =	vand.u32 $0xFFFFFFE0, v15  }
0x86: {  	s11 =	sor.u32 s25, s11;
	v15 =	vand.u32 $0xFFFFFFE0, v17;
	v8 =	vmax.u32 v8, v9;
	v9 =	vor.u32 $0x1, v10  }
0x87: {  	v10 =	vld [tilespmem:s11+$0x0];
	v12 =	vor.u32 $0xF, v12;
	v8 =	vmax.u32 v8, v9;
	v9 =	vand.u32 $0xFFFFFFE0, v16  }
0x88: {  	v11 =	vand.u32 $0xFFFFFFE0, v11;
	v8 =	vmax.u32 v8, v9;
	v9 =	vor.u32 $0x10, v15  }
0x89: {  	v16 =	vld [tilespmem:s18+$0x0];
	v13 =	vand.u32 $0xFFFFFFE0, v13;
	v11 =	vor.u32 $0xF, v11;
	v17 =	vshll.u32 v8, $0x4  }
0x8a: {  	s21 =	sor.u32 s28, s2;
	s2 =	sor.u32 s30, s2;
	v15 =	vld [tilespmem:s19+$0x0];
	vm4 =	vgt.s32 v8, $0x3EFFFFFF;
	v14 =	vand.u32 $0xFFFFFFE0, v14;
	v13 =	vor.u32 $0x10, v13  }
0x8b: {  	v9 =	vmax.u32 v9, v11;
	v11 =	vld [tilespmem:s2+$0x0];
	v17 =	vand.u32 $0x1F0, v17;
	v14 =	vor.u32 $0xF, v14  }
0x8c: {  	s12 =	sor.u32 s28, s8;
	v8 =	vsub.s32 v3, v17;
	v10 =	vand.u32 $0xFFFFFFE0, v10;
	v17 =	vld [tilespmem:s21+$0x0];
	v13 =	vmax.u32 v13, v14  }
0x8d: {  	s23 =	sor.u32 s25, s3;
	v10 =	vor.u32 $0x10, v10;
	v13 =	vmax.u32 v13, v18;
	v18 =	vor.u32 $0xD, v19;
	v19 =	vld [tilespmem:s12+$0x0]  }
0x8e: {  	s24 =	sor.u32 s28, s3;
	v16 =	vand.u32 $0xFFFFFFE0, v16;
	v10 =	vmax.u32 v10, v12;
	v12 =	vld [tilespmem:s23+$0x0]  }
0x8f: {  	s4 =	sor.u32 s30, s3;
	v15 =	vand.u32 $0xFFFFFFE0, v15;
	v14 =	vor.u32 $0xE, v16;
	v16 =	vld [tilespmem:s24+$0x0]  }
0x90: {  	s11 =	sor.u32 s25, s8;
	v15 =	vor.u32 $0xE, v15;
	v10 =	vmax.u32 v10, v14;
	v14 =	vld [tilespmem:s4+$0x0]  }
0x91: {  	s14 =	sor.u32 s30, s8;
	v11 =	vand.u32 $0xFFFFFFE0, v11;
	v9 =	vmax.u32 v9, v15;
	v15 =	vld [tilespmem:s11+$0x0]  }
0x92: {  	s16 =	sor.u32 s28, s10;
	v10 =	vmax.u32 v10, v18;
	v18 =	vld [tilespmem:s14+$0x0];
	v11 =	vor.u32 $0xD, v11;
	v17 =	vand.u32 $0xFFFFFFE0, v17  }
0x93: {  	vm3 =	vgt.s32 v6, $0x3EFFFFFF;
	v11 =	vmax.u32 v13, v11;
	v13 =	vld [tilespmem:s16+$0x0];
	v17 =	vor.u32 $0xD, v17  }
0x94: {  	s15 =	sor.u32 s25, s10;
	v19 =	vand.u32 $0xFFFFFFE0, v19;
	v12 =	vand.u32 $0xFFFFFFE0, v12;
	v16 =	vand.u32 $0xFFFFFFE0, v16  }
0x95: {  	s17 =	sor.u32 s30, s10;
	v9 =	vmax.u32 v9, v17;
	v17 =	vld [tilespmem:s15+$0x0];
	v12 =	vor.u32 $0xC, v12;
	v16 =	vor.u32 $0xC, v16  }
0x96: {  	s18 =	sor.u32 s25, s9;
	v10 =	vmax.u32 v10, v12;
	v12 =	vand.u32 $0xFFFFFFE0, v14;
	v14 =	vld [tilespmem:s17+$0x0];
	v9 =	vmax.u32 v9, v16  }
0x97: {  	s19 =	sor.u32 s28, s9;
	v15 =	vand.u32 $0xFFFFFFE0, v15;
	v16 =	vld [tilespmem:s18+$0x0];
	v18 =	vand.u32 $0xFFFFFFE0, v18;
	v12 =	vor.u32 $0xC, v12  }
0x98: {  	s20 =	sor.u32 s30, s9;
	v15 =	vor.u32 $0xB, v15;
	v13 =	vand.u32 $0xFFFFFFE0, v13;
	v11 =	vmax.u32 v11, v12;
	v12 =	vld [tilespmem:s19+$0x0]  }
0x99: {  	s21 =	sor.u32 s25, s7;
	v10 =	vmax.u32 v10, v15;
	v15 =	vor.u32 $0xB, v19;
	v19 =	vld [tilespmem:s20+$0x0];
	v13 =	vor.u32 $0xA, v13  }
0x9a: {  	s23 =	sor.u32 s28, s7;
	v17 =	vand.u32 $0xFFFFFFE0, v17;
	v9 =	vmax.u32 v9, v15;
	v15 =	vor.u32 $0xB, v18;
	v18 =	vld [tilespmem:s21+$0x0]  }
0x9b: {  	s24 =	sor.u32 s30, s7;
	v17 =	vor.u32 $0xA, v17;
	v11 =	vmax.u32 v11, v15;
	v15 =	vld [tilespmem:s23+$0x0];
	v9 =	vmax.u32 v9, v13  }
0x9c: {  	s3 =	sor.u32 s25, s6;
	v10 =	vmax.u32 v10, v17;
	v14 =	vand.u32 $0xFFFFFFE0, v14;
	v17 =	vld [tilespmem:s24+$0x0];
	v16 =	vand.u32 $0xFFFFFFE0, v16  }
0x9d: {  	s4 =	sor.u32 s28, s6;
	v13 =	vor.u32 $0xA, v14;
	v14 =	vld [tilespmem:s3+$0x0];
	v16 =	vor.u32 $0x9, v16;
	v12 =	vand.u32 $0xFFFFFFE0, v12  }
0x9e: {  	s6 =	sor.u32 s30, s6;
	v11 =	vmax.u32 v11, v13;
	v13 =	vld [tilespmem:s4+$0x0];
	v10 =	vmax.u32 v10, v16;
	v12 =	vor.u32 $0x9, v12  }
0x9f: {  	s7 =	sor.u32 s25, s5;
	v16 =	vand.u32 $0xFFFFFFE0, v19;
	v19 =	vld [tilespmem:s6+$0x0];
	v18 =	vand.u32 $0xFFFFFFE0, v18;
	v9 =	vmax.u32 v9, v12  }
0xa0: {  	s8 =	sor.u32 s28, s5;
	v12 =	vor.u32 $0x9, v16;
	v16 =	vld [tilespmem:s7+$0x0];
	v18 =	vor.u32 $0x8, v18;
	v15 =	vand.u32 $0xFFFFFFE0, v15  }
0xa1: {  	s9 =	sor.u32 s30, s5;
	v11 =	vmax.u32 v11, v12;
	v12 =	vld [tilespmem:s8+$0x0];
	v10 =	vmax.u32 v10, v18;
	v15 =	vor.u32 $0x8, v15  }
0xa2: {  	s10 =	sor.u32 s25, s13;
	v17 =	vand.u32 $0xFFFFFFE0, v17;
	v18 =	vld [tilespmem:s9+$0x0];
	v14 =	vand.u32 $0xFFFFFFE0, v14;
	v9 =	vmax.u32 v9, v15  }
0xa3: {  	s11 =	sor.u32 s28, s13;
	v15 =	vor.u32 $0x8, v17;
	v17 =	vld [tilespmem:s10+$0x0];
	v14 =	vor.u32 $0x7, v14;
	v13 =	vand.u32 $0xFFFFFFE0, v13  }
0xa4: {  	s12 =	sor.u32 s30, s13;
	v11 =	vmax.u32 v11, v15;
	v15 =	vld [tilespmem:s11+$0x0];
	v10 =	vmax.u32 v10, v14;
	v13 =	vor.u32 $0x7, v13  }
0xa5: {  	s13 =	sor.u32 s25, s0;
	v14 =	vand.u32 $0xFFFFFFE0, v19;
	v19 =	vld [tilespmem:s12+$0x0];
	v16 =	vand.u32 $0xFFFFFFE0, v16;
	v9 =	vmax.u32 v9, v13  }
0xa6: {  	s14 =	sor.u32 s28, s0;
	v13 =	vor.u32 $0x7, v14;
	v14 =	vld [tilespmem:s13+$0x0];
	v16 =	vor.u32 $0x6, v16;
	v12 =	vand.u32 $0xFFFFFFE0, v12  }
0xa7: {  	s0 =	sor.u32 s30, s0;
	v11 =	vmax.u32 v11, v13;
	v13 =	vld [tilespmem:s14+$0x0];
	v10 =	vmax.u32 v10, v16;
	v12 =	vor.u32 $0x6, v12  }
0xa8: {  	s15 =	sor.u32 s25, s1;
	v16 =	vand.u32 $0xFFFFFFE0, v18;
	v18 =	vld [tilespmem:s0+$0x0];
	v17 =	vand.u32 $0xFFFFFFE0, v17;
	v9 =	vmax.u32 v9, v12  }
0xa9: {  	s16 =	sor.u32 s28, s1;
	v12 =	vor.u32 $0x6, v16;
	v16 =	vld [tilespmem:s15+$0x0];
	v17 =	vor.u32 $0x5, v17;
	v15 =	vand.u32 $0xFFFFFFE0, v15  }
0xaa: {  	v11 =	vmax.u32 v11, v12;
	v12 =	vld [tilespmem:s16+$0x0];
	v10 =	vmax.u32 v10, v17;
	v15 =	vor.u32 $0x5, v15  }
0xab: {  	[tilespmem:v5+s22+$0x0] =	vst.idx.add.f32.msk vm2, v2;
	v17 =	vand.u32 $0xFFFFFFE0, v19;
	v14 =	vand.u32 $0xFFFFFFE0, v14;
	v9 =	vmax.u32 v9, v15  }
0xac: {  	[tilespmem:v8+s22+$0x0] =	vst.idx.add.f32.msk vm4, v2;
	s17 =	sor.u32 s30, s1;
	v15 =	vor.u32 $0x5, v17;
	v14 =	vor.u32 $0x4, v14;
	v13 =	vand.u32 $0xFFFFFFE0, v13  }
0xad: {  	s18 =	sor.u32 s25, s31;
	v19 =	vld [tilespmem:s17+$0x0];
	v11 =	vmax.u32 v11, v15;
	v14 =	vmax.u32 v10, v14;
	v10 =	vor.u32 $0x4, v13  }
0xae: {  	s19 =	sor.u32 s28, s31;
	v17 =	vld [tilespmem:s18+$0x0];
	v13 =	vand.u32 $0xFFFFFFE0, v18;
	v16 =	vand.u32 $0xFFFFFFE0, v16;
	v9 =	vmax.u32 v9, v10  }
0xaf: {  	s20 =	sor.u32 s30, s31;
	v15 =	vld [tilespmem:s19+$0x0];
	v10 =	vor.u32 $0x4, v13;
	v13 =	vor.u32 $0x3, v16;
	v12 =	vand.u32 $0xFFFFFFE0, v12  }
0xb0: {  	s21 =	sor.u32 s25, s29;
	v18 =	vld [tilespmem:s20+$0x0];
	v11 =	vmax.u32 v11, v10;
	v16 =	vand.u32 $0x1F0, v7;
	v13 =	vmax.u32 v14, v13  }
0xb1: {  	v20 =	vld [tilespmem:s21+$0x0];
	s23 =	sor.u32 s28, s29;
	v12 =	vor.u32 $0x3, v12;
	v14 =	vshll.u32 v6, $0x4;
	v6 =	vsub.s32 v3, v16  }
0xb2: {  	s24 =	sor.u32 s30, s29;
	v10 =	vld [tilespmem:s23+$0x0];
	v16 =	vand.u32 $0xFFFFFFE0, v19;
	v12 =	vmax.u32 v9, v12;
	v14 =	vand.u32 $0x1F0, v14  }
0xb3: {  	s25 =	sor.u32 s25, s26;
	v7 =	vld [tilespmem:s24+$0x0];
	v16 =	vor.u32 $0x3, v16;
	v5 =	vsub.s32 v3, v14;
	v14 =	vand.u32 $0xFFFFFFE0, v17  }
0xb4: {  	s29 =	sor.u32 s28, s26;
	v9 =	vld [tilespmem:s25+$0x0];
	v15 =	vand.u32 $0xFFFFFFE0, v15;
	v8 =	vor.u32 $0x2, v14;
	v14 =	vmax.u32 v11, v16  }
0xb5: {  	s31 =	sor.u32 s30, s26;
	v11 =	vld [tilespmem:s29+$0x0];
	v16 =	vand.u32 $0xFFFFFFE0, v18;
	v13 =	vmax.u32 v13, v8;
	v8 =	vor.u32 $0x2, v15  }
0xb6: {  	s26 =	simm.s32 $0x80;
	s13 =	simm.s32 $0x4;
	v15 =	vand.u32 $0xFFFFFFE0, v20;
	v16 =	vor.u32 $0x2, v16;
	v12 =	vmax.u32 v12, v8;
	v8 =	vld [tilespmem:s31+$0x0]  }
.LBB2_5:
0xb7: {  	s1 =	sand.u32 $0x40, s26;
	s3 =	sand.u32 $0x780, s26  }
0xb8: {  	[tilespmem:v4+s22+$0x0] =	vst.idx.add.f32.msk vm0, v2;
	s2 =	sor.u32 $0x30, s1;
	s4 =	sor.u32 $0x800, s3  }
0xb9: {  	[tilespmem:v6+s22+$0x0] =	vst.idx.add.f32.msk vm1, v2;
	s7 =	sor.u32 $0x1000, s3;
	s0 =	sor.u32 $0x10, s1;
	s8 =	sor.u32 $0x1800, s3  }
0xba: {  	v15 =	vor.u32 $0x1, v15;
	v14 =	vmax.u32 v14, v16;
	[tilespmem:v5+s22+$0x0] =	vst.idx.add.f32.msk vm3, v2;
	s15 =	sor.u32 $0x2000, s3;
	s18 =	sor.u32 $0x2800, s3;
	s12 =	sor.u32 s1, s4;
	v10 =	vand.u32 $0xFFFFFFE0, v10  }
0xbb: {  	v4 =	vmax.u32 v13, v15;
	s16 =	sor.u32 $0x3000, s3;
	s24 =	sor.u32 $0x3800, s3;
	s5 =	sor.u32 s2, s3;
	v15 =	vld [tilespmem:s12+$0x0];
	v7 =	vand.u32 $0xFFFFFFE0, v7;
	v10 =	vor.u32 $0x1, v10  }
0xbc: {  	s23 =	sor.u32 $0x4000, s3;
	s30 =	sor.u32 s1, s3;
	s6 =	sor.u32 s2, s4;
	v6 =	vand.u32 $0xFFFFFFE0, v9;
	v7 =	vor.u32 $0x1, v7;
	v9 =	vmax.u32 v12, v10;
	v10 =	vld [tilespmem:s5+$0x0]  }
0xbd: {  	s10 =	sor.u32 s2, s7;
	s11 =	sor.u32 s2, s8;
	s17 =	sor.u32 s0, s3;
	v5 =	vmax.u32 v4, v6;
	v4 =	vand.u32 $0xFFFFFFE0, v11;
	v6 =	vmax.u32 v14, v7;
	v7 =	vld [tilespmem:s6+$0x0]  }
0xbe: {  	s14 =	sor.u32 s2, s15;
	s19 =	sor.u32 s0, s4;
	s20 =	sor.u32 s2, s18;
	v11 =	vshll.u32 v5, $0x4;
	v9 =	vmax.u32 v9, v4;
	v4 =	vand.u32 $0xFFFFFFE0, v8;
	v8 =	vld [tilespmem:s10+$0x0]  }
0xbf: {  	s22 =	sor.u32 s2, s16;
	s25 =	sor.u32 s2, s24;
	s9 =	sor.u32 s0, s7;
	v14 =	vld [tilespmem:s11+$0x0];
	v11 =	vand.u32 $0x1F0, v11;
	v12 =	vshll.u32 v9, $0x4;
	v13 =	vmax.u32 v6, v4  }
0xc0: {  	s28 =	sor.u32 s2, s23;
	s31 =	sor.u32 s1, s7;
	[smem:$0x7E9] =	sst s9;
	v4 =	vsub.s32 v3, v11;
	v6 =	vand.u32 $0x1F0, v12;
	v11 =	vshll.u32 v13, $0x4;
	v12 =	vld [tilespmem:s14+$0x0]  }
0xc1: {  	s9 =	sor.u32 s1, s8;
	s12 =	sor.u32 s0, s18;
	s5 =	sor.u32 $0x20, s1;
	vm0 =	vgt.s32 v5, $0x3EFFFFFF;
	vm1 =	vgt.s32 v9, $0x3EFFFFFF;
	v5 =	vand.u32 $0x1F0, v11;
	v11 =	vld [tilespmem:s20+$0x0]  }
0xc2: {  	s6 =	sor.u32 $0x6000, s3;
	s21 =	sor.u32 s5, s3;
	s7 =	sor.u32 s5, s7;
	vm3 =	vgt.s32 v13, $0x3EFFFFFF;
	v9 =	vand.u32 $0xFFFFFFE0, v10;
	v7 =	vand.u32 $0xFFFFFFE0, v7;
	v10 =	vld [tilespmem:s22+$0x0]  }
0xc3: {  	[smem:$0x7EA] =	sst s7;
	s7 =	sor.u32 $0x7800, s3;
	v13 =	vld [tilespmem:s25+$0x0];
	s22 =	sor.u32 $0x4800, s3;
	v9 =	vor.u32 $0x10, v9;
	v7 =	vor.u32 $0xF, v7;
	v8 =	vand.u32 $0xFFFFFFE0, v8  }
0xc4: {  	s25 =	sor.u32 $0x5000, s3;
	s14 =	sor.u32 s2, s6;
	s29 =	sor.u32 s2, s22;
	v7 =	vmax.u32 v9, v7;
	v8 =	vor.u32 $0xE, v8;
	v9 =	vand.u32 $0xFFFFFFE0, v14;
	v14 =	vld [tilespmem:s28+$0x0]  }
0xc5: {  	s20 =	sor.u32 s5, s4;
	s4 =	sor.u32 $0x5800, s3;
	s10 =	sor.u32 s2, s25;
	v7 =	vmax.u32 v7, v8;
	v8 =	vor.u32 $0xD, v9;
	v9 =	vand.u32 $0xFFFFFFE0, v12;
	v12 =	vld [tilespmem:s29+$0x0]  }
0xc6: {  	s11 =	sor.u32 s2, s4;
	v7 =	vmax.u32 v7, v8;
	v8 =	vor.u32 $0xC, v9;
	v9 =	vand.u32 $0xFFFFFFE0, v11;
	v11 =	vld [tilespmem:s10+$0x0];
	s10 =	sor.u32 s0, s8;
	s8 =	sor.u32 s5, s8  }
0xc7: {  	s28 =	sor.u32 $0x7000, s3;
	s29 =	sor.u32 $0x6800, s3;
	v7 =	vmax.u32 v7, v8;
	v8 =	vor.u32 $0xB, v9;
	v9 =	vand.u32 $0xFFFFFFE0, v10;
	[smem:$0x7EB] =	sst s8;
	v18 =	vld [tilespmem:s10+$0x0]  }
0xc8: {  	s3 =	sor.u32 $0x8000, s3;
	v7 =	vmax.u32 v7, v8;
	v8 =	vor.u32 $0xA, v9;
	v9 =	vand.u32 $0xFFFFFFE0, v13;
	v13 =	vld [tilespmem:s14+$0x0];
	s14 =	sor.u32 s0, s15;
	s10 =	sld [smem:$0x7EB]  }
0xc9: {  	v10 =	vld [tilespmem:s11+$0x0];
	s11 =	sor.u32 s2, s29;
	[smem:$0x7EC] =	sst s14;
	s14 =	sor.u32 s1, s18  }
0xca: {  	v7 =	vmax.u32 v7, v8;
	v8 =	vor.u32 $0x9, v9;
	v9 =	vand.u32 $0xFFFFFFE0, v14;
	v14 =	vld [tilespmem:s11+$0x0];
	s11 =	sor.u32 s2, s28;
	s18 =	sor.u32 s5, s18;
	[smem:$0x7ED] =	sst s14  }
0xcb: {  	v7 =	vmax.u32 v7, v8;
	v8 =	vor.u32 $0x8, v9;
	v9 =	vand.u32 $0xFFFFFFE0, v12;
	v12 =	vld [tilespmem:s11+$0x0];
	s11 =	sor.u32 s2, s7;
	[smem:$0x7EE] =	sst s18;
	s14 =	sor.u32 s0, s16  }
0xcc: {  	s18 =	sor.u32 s1, s24;
	v7 =	vmax.u32 v7, v8;
	v8 =	vor.u32 $0x7, v9;
	v9 =	vand.u32 $0xFFFFFFE0, v11;
	v11 =	vld [tilespmem:s11+$0x0];
	s11 =	sor.u32 s2, s3;
	[smem:$0x7EF] =	sst s14  }
0xcd: {  	s2 =	sor.u32 s1, s16;
	s16 =	sor.u32 s5, s16;
	[smem:$0x7F1] =	sst s18  }
0xce: {  	s14 =	sor.u32 s1, s23;
	v7 =	vmax.u32 v7, v8;
	v8 =	vor.u32 $0x6, v9;
	v9 =	vand.u32 $0xFFFFFFE0, v10;
	[smem:$0x7F0] =	sst s16  }
0xcf: {  	s18 =	sor.u32 s1, s22;
	v10 =	vld [tilespmem:s11+$0x0];
	[smem:$0x7F2] =	sst s14;
	v7 =	vmax.u32 v7, v8;
	v8 =	vor.u32 $0x5, v9;
	v9 =	vand.u32 $0xFFFFFFE0, v13  }
0xd0: {  	[dreg:$0x1b] =	wrdreg s18;
	v13 =	vld [tilespmem:s17+$0x0];
	s17 =	sor.u32 s0, s24;
	s24 =	sor.u32 s5, s24;
	v7 =	vmax.u32 v7, v8;
	v8 =	vor.u32 $0x4, v9;
	v9 =	vand.u32 $0xFFFFFFE0, v14  }
0xd1: {  	[dreg:$0x1e] =	wrdreg s24;
	v14 =	vld [tilespmem:s19+$0x0];
	s24 =	sor.u32 s5, s22;
	v7 =	vmax.u32 v7, v8;
	v8 =	vor.u32 $0x3, v9;
	v9 =	vand.u32 $0xFFFFFFE0, v12  }
0xd2: {  	s16 =	sor.u32 s5, s23;
	v12 =	vld [tilespmem:s21+$0x0];
	[dreg:$0x12] =	wrdreg s24;
	v7 =	vmax.u32 v7, v8;
	v8 =	vor.u32 $0x2, v9;
	v9 =	vand.u32 $0xFFFFFFE0, v11  }
0xd3: {  	s19 =	sor.u32 s0, s23;
	s23 =	sor.u32 s0, s22;
	s24 =	sld [smem:$0x7E9];
	v11 =	vand.u32 $0xFFFFFFE0, v15;
	v15 =	vld [tilespmem:s20+$0x0];
	v7 =	vmax.u32 v7, v8;
	v8 =	vor.u32 $0x1, v9  }
0xd4: {  	s18 =	sor.u32 s0, s6;
	[dreg:$0x17] =	wrdreg s23;
	v9 =	vld [tilespmem:s30+$0x0];
	v7 =	vmax.u32 v7, v8;
	v8 =	vand.u32 $0xFFFFFFE0, v10  }
0xd5: {  	s23 =	sor.u32 s5, s6;
	v10 =	vld [tilespmem:s31+$0x0];
	s31 =	sor.u32 s1, s6;
	v13 =	vand.u32 $0xFFFFFFE0, v13;
	s6 =	sld [smem:$0x7EA];
	v7 =	vmax.u32 v7, v8  }
0xd6: {  	s14 =	sor.u32 s0, s25;
	[dreg:$0x18] =	wrdreg s16;
	v8 =	vor.u32 $0x10, v13;
	v13 =	vand.u32 $0xFFFFFFE0, v14;
	v14 =	vld [tilespmem:s24+$0x0];
	v16 =	vshll.u32 v7, $0x4  }
0xd7: {  	[dreg:$0xf] =	wrdreg s14;
	v11 =	vor.u32 $0xF, v11;
	vm2 =	vgt.s32 v7, $0x3EFFFFFF;
	v7 =	vld [tilespmem:s9+$0x0];
	v16 =	vand.u32 $0x1F0, v16  }
0xd8: {  	s8 =	sor.u32 s1, s15;
	s14 =	sld [smem:$0x7EC];
	v12 =	vand.u32 $0xFFFFFFE0, v12;
	v13 =	vor.u32 $0xF, v13;
	v17 =	vld [tilespmem:s6+$0x0];
	v16 =	vsub.s32 v3, v16  }
0xd9: {  	s15 =	sor.u32 s5, s15;
	s16 =	sor.u32 s5, s25;
	[dreg:$0x6] =	wrdreg s18;
	v15 =	vand.u32 $0xFFFFFFE0, v15;
	v12 =	vor.u32 $0x10, v12;
	v9 =	vand.u32 $0xFFFFFFE0, v9  }
0xda: {  	s11 =	sor.u32 s5, s28;
	s18 =	sor.u32 s1, s28;
	[dreg:$0xc] =	wrdreg s16;
	v8 =	vmax.u32 v8, v13;
	v13 =	vld [tilespmem:s10+$0x0];
	v15 =	vor.u32 $0xF, v15;
	v9 =	vor.u32 $0x10, v9  }
0xdb: {  	s22 =	simm.s32 $0x19800;
	s16 =	sor.u32 s0, s28;
	s28 =	sld [smem:$0x7ED];
	v10 =	vand.u32 $0xFFFFFFE0, v10;
	v12 =	vmax.u32 v12, v15;
	v15 =	vld [tilespmem:s14+$0x0];
	v14 =	vand.u32 $0xFFFFFFE0, v14  }
0xdc: {  	s21 =	sor.u32 s1, s25;
	s25 =	sor.u32 s1, s29;
	s20 =	sor.u32 s1, s4;
	v9 =	vmax.u32 v9, v11;
	v11 =	vld [tilespmem:s8+$0x0];
	v10 =	vor.u32 $0xE, v10;
	v14 =	vor.u32 $0xE, v14  }
0xdd: {  	[dreg:$0x3] =	wrdreg s23;
	s30 =	sor.u32 s0, s4;
	s4 =	sor.u32 s5, s4;
	v9 =	vmax.u32 v9, v10;
	v7 =	vand.u32 $0xFFFFFFE0, v7;
	v17 =	vand.u32 $0xFFFFFFE0, v17;
	[tilespmem:v16+s22+$0x0] =	vst.idx.add.f32.msk vm2, v2  }
0xde: {  	s23 =	sor.u32 s5, s29;
	[dreg:$0x7] =	wrdreg s4;
	s4 =	sor.u32 s5, s7;
	v8 =	vmax.u32 v8, v14;
	v14 =	vand.u32 $0xFFFFFFE0, v18;
	v10 =	vor.u32 $0xE, v17;
	v16 =	vld [tilespmem:s28+$0x0]  }
0xdf: {  	s5 =	sor.u32 s5, s3;
	s24 =	sor.u32 s0, s29;
	s29 =	sld [smem:$0x7EE];
	v7 =	vor.u32 $0xD, v7;
	v14 =	vor.u32 $0xD, v14;
	v10 =	vmax.u32 v12, v10;
	v12 =	vld [tilespmem:s15+$0x0]  }
0xe0: {  	s9 =	sor.u32 s1, s7;
	s1 =	sor.u32 s1, s3;
	s8 =	sld [smem:$0x7F1];
	v13 =	vand.u32 $0xFFFFFFE0, v13;
	v8 =	vmax.u32 v8, v14;
	v14 =	vand.u32 $0xFFFFFFE0, v15;
	v15 =	vld [tilespmem:s2+$0x0]  }
0xe1: {  	s6 =	sor.u32 s0, s7;
	s0 =	sor.u32 s0, s3;
	s3 =	sld [smem:$0x7EF];
	v7 =	vmax.u32 v9, v7;
	v13 =	vor.u32 $0xD, v13;
	v9 =	vand.u32 $0xFFFFFFE0, v11;
	v11 =	vld [tilespmem:s12+$0x0]  }
0xe2: {  	s7 =	sld [smem:$0x7F0];
	v10 =	vmax.u32 v10, v13;
	v13 =	vld [tilespmem:s29+$0x0];
	v14 =	vor.u32 $0xC, v14  }
0xe3: {  	v17 =	vld [tilespmem:s8+$0x0];
	s12 =	sld [smem:$0x7F2];
	v9 =	vor.u32 $0xC, v9;
	v8 =	vmax.u32 v8, v14  }
0xe4: {  	v7 =	vmax.u32 v7, v9;
	v9 =	vld [tilespmem:s3+$0x0];
	v14 =	vand.u32 $0xFFFFFFE0, v16;
	v12 =	vand.u32 $0xFFFFFFE0, v12  }
0xe5: {  	v6 =	vsub.s32 v3, v6;
	v16 =	vld [tilespmem:s7+$0x0];
	v14 =	vor.u32 $0xB, v14;
	v12 =	vor.u32 $0xC, v12  }
0xe6: {  	v11 =	vand.u32 $0xFFFFFFE0, v11;
	v7 =	vmax.u32 v7, v14;
	v14 =	vand.u32 $0xFFFFFFE0, v15;
	v15 =	vld [tilespmem:s12+$0x0]  }
0xe7: {  	s10 =	rddreg [dreg:$0x1e];
	v13 =	vand.u32 $0xFFFFFFE0, v13;
	v10 =	vmax.u32 v10, v12;
	v11 =	vor.u32 $0xB, v11;
	v12 =	vld [tilespmem:s17+$0x0]  }
0xe8: {  	v14 =	vor.u32 $0xA, v14;
	v8 =	vmax.u32 v8, v11;
	v11 =	vor.u32 $0xB, v13;
	v13 =	vld [tilespmem:s10+$0x0]  }
0xe9: {  	s15 =	rddreg [dreg:$0x1b];
	v9 =	vand.u32 $0xFFFFFFE0, v9;
	v7 =	vmax.u32 v7, v14;
	v10 =	vmax.u32 v10, v11;
	v11 =	vld [tilespmem:s19+$0x0]  }
0xea: {  	s14 =	rddreg [dreg:$0x18];
	v9 =	vor.u32 $0xA, v9;
	v14 =	vand.u32 $0xFFFFFFE0, v16;
	v16 =	vand.u32 $0xFFFFFFE0, v17;
	v17 =	vld [tilespmem:s15+$0x0]  }
0xeb: {  	v8 =	vmax.u32 v8, v9;
	v9 =	vor.u32 $0xA, v14;
	v14 =	vld [tilespmem:s14+$0x0];
	v16 =	vor.u32 $0x9, v16  }
0xec: {  	s17 =	rddreg [dreg:$0x17];
	v9 =	vmax.u32 v10, v9;
	v7 =	vmax.u32 v7, v16;
	v16 =	vld [tilespmem:s21+$0x0];
	v12 =	vand.u32 $0xFFFFFFE0, v12  }
0xed: {  	s19 =	rddreg [dreg:$0x12];
	v15 =	vand.u32 $0xFFFFFFE0, v15;
	v10 =	vor.u32 $0x9, v12;
	v12 =	vld [tilespmem:s17+$0x0];
	v13 =	vand.u32 $0xFFFFFFE0, v13  }
0xee: {  	v15 =	vor.u32 $0x8, v15;
	v8 =	vmax.u32 v8, v10;
	v10 =	vor.u32 $0x9, v13;
	v13 =	vld [tilespmem:s19+$0x0]  }
0xef: {  	s21 =	rddreg [dreg:$0xf];
	v7 =	vmax.u32 v7, v15;
	v11 =	vand.u32 $0xFFFFFFE0, v11;
	v15 =	vand.u32 $0xFFFFFFE0, v17;
	v17 =	vld [tilespmem:s20+$0x0]  }
0xf0: {  	s28 =	rddreg [dreg:$0xc];
	v9 =	vmax.u32 v9, v10;
	v10 =	vor.u32 $0x8, v11;
	v11 =	vld [tilespmem:s21+$0x0];
	v14 =	vand.u32 $0xFFFFFFE0, v14  }
0xf1: {  	v15 =	vor.u32 $0x7, v15;
	v8 =	vmax.u32 v8, v10;
	v10 =	vor.u32 $0x8, v14;
	v14 =	vld [tilespmem:s28+$0x0]  }
0xf2: {  	v7 =	vmax.u32 v7, v15;
	v15 =	vand.u32 $0xFFFFFFE0, v16;
	v16 =	vld [tilespmem:s31+$0x0];
	v12 =	vand.u32 $0xFFFFFFE0, v12  }
0xf3: {  	s29 =	rddreg [dreg:$0x7];
	v9 =	vmax.u32 v9, v10;
	v10 =	vor.u32 $0x7, v12;
	v12 =	vld [tilespmem:s30+$0x0];
	v13 =	vand.u32 $0xFFFFFFE0, v13  }
0xf4: {  	v15 =	vor.u32 $0x6, v15;
	v8 =	vmax.u32 v8, v10;
	v10 =	vor.u32 $0x7, v13;
	v13 =	vld [tilespmem:s29+$0x0]  }
0xf5: {  	v7 =	vmax.u32 v7, v15;
	s30 =	rddreg [dreg:$0x6];
	v15 =	vand.u32 $0xFFFFFFE0, v17;
	v17 =	vld [tilespmem:s25+$0x0];
	v11 =	vand.u32 $0xFFFFFFE0, v11  }
0xf6: {  	s31 =	rddreg [dreg:$0x3];
	v9 =	vmax.u32 v9, v10;
	v10 =	vor.u32 $0x6, v11;
	v11 =	vld [tilespmem:s30+$0x0];
	v14 =	vand.u32 $0xFFFFFFE0, v14  }
0xf7: {  	v15 =	vor.u32 $0x5, v15;
	v8 =	vmax.u32 v8, v10;
	v10 =	vor.u32 $0x6, v14;
	v14 =	vld [tilespmem:s31+$0x0]  }
0xf8: {  	v7 =	vmax.u32 v7, v15;
	v15 =	vand.u32 $0xFFFFFFE0, v16;
	v16 =	vld [tilespmem:s18+$0x0];
	v12 =	vand.u32 $0xFFFFFFE0, v12  }
0xf9: {  	v9 =	vmax.u32 v9, v10;
	v10 =	vor.u32 $0x5, v12;
	v12 =	vld [tilespmem:s24+$0x0];
	v13 =	vand.u32 $0xFFFFFFE0, v13  }
0xfa: {  	v15 =	vor.u32 $0x4, v15;
	v8 =	vmax.u32 v8, v10;
	v10 =	vor.u32 $0x5, v13;
	v13 =	vld [tilespmem:s23+$0x0]  }
0xfb: {  	v7 =	vmax.u32 v7, v15;
	v15 =	vand.u32 $0xFFFFFFE0, v17;
	v17 =	vld [tilespmem:s11+$0x0];
	v11 =	vand.u32 $0xFFFFFFE0, v11  }
0xfc: {  	v9 =	vmax.u32 v9, v10;
	v10 =	vor.u32 $0x4, v11;
	v11 =	vld [tilespmem:s16+$0x0];
	v14 =	vand.u32 $0xFFFFFFE0, v14  }
0xfd: {  	s13 =	sadd.s32 $0x4, s13;
	v5 =	vsub.s32 v3, v5;
	v8 =	vmax.u32 v8, v10;
	v10 =	vor.u32 $0x4, v14  }
0xfe: {  	p0 =	slt.u32 s13, $0x7C;
	v14 =	vor.u32 $0x3, v15;
	v15 =	vld [tilespmem:s9+$0x0];
	v18 =	vmax.u32 v9, v10;
	v12 =	vand.u32 $0xFFFFFFE0, v12  }
.Ltmp1:
0xff: {  	v19 =	vmax.u32 v7, v14;
	v10 =	vld [tilespmem:s6+$0x0];
	v7 =	vor.u32 $0x3, v12;
	v9 =	vand.u32 $0xFFFFFFE0, v13;
	(pc) =	sbr.rel @p0 .LBB2_5-.Ltmp1, $4  }
0x100: {  	v12 =	vand.u32 $0xFFFFFFE0, v16;
	v16 =	vand.u32 $0xFFFFFFE0, v17;
	v8 =	vmax.u32 v8, v7;
	v7 =	vld [tilespmem:s4+$0x0]  }
0x101: {  	v13 =	vor.u32 $0x3, v9;
	v12 =	vor.u32 $0x2, v12;
	v9 =	vld [tilespmem:s1+$0x0];
	v11 =	vand.u32 $0xFFFFFFE0, v11  }
0x102: {  	v14 =	vmax.u32 v18, v13;
	v13 =	vmax.u32 v19, v12;
	v12 =	vor.u32 $0x2, v11;
	v11 =	vld [tilespmem:s0+$0x0]  }
0x103: {  	s26 =	sadd.s32 $0x40, s26;
	v16 =	vor.u32 $0x2, v16;
	v15 =	vand.u32 $0xFFFFFFE0, v15;
	v12 =	vmax.u32 v8, v12;
	v8 =	vld [tilespmem:s5+$0x0]  }
0x104: {  	v15 =	vor.u32 $0x1, v15;
	v10 =	vand.u32 $0xFFFFFFE0, v10  }
0x105: {  	v14 =	vmax.u32 v14, v16;
	v13 =	vmax.u32 v13, v15;
	v10 =	vor.u32 $0x1, v10  }
0x106: {  	v7 =	vand.u32 $0xFFFFFFE0, v7;
	v9 =	vand.u32 $0xFFFFFFE0, v9;
	v10 =	vmax.u32 v12, v10  }
0x107: {  	v7 =	vor.u32 $0x1, v7;
	v9 =	vmax.u32 v13, v9;
	v11 =	vand.u32 $0xFFFFFFE0, v11  }
0x108: {  	v7 =	vmax.u32 v14, v7;
	v12 =	vshll.u32 v9, $0x4;
	v10 =	vmax.u32 v10, v11  }
0x109: {  	v8 =	vand.u32 $0xFFFFFFE0, v8;
	vm2 =	vgt.s32 v9, $0x3EFFFFFF;
	v11 =	vand.u32 $0x1F0, v12  }
0x10a: {  	v12 =	vshll.u32 v10, $0x4;
	v7 =	vmax.u32 v7, v8;
	vm4 =	vgt.s32 v10, $0x3EFFFFFF  }
0x10b: {  	s0 =	sld [smem:$0x7F3];
	[tilespmem:v4+s22+$0x0] =	vst.idx.add.f32.msk vm0, v2;
	v8 =	vsub.s32 v3, v11;
	v9 =	vand.u32 $0x1F0, v12;
	v11 =	vshll.u32 v7, $0x4  }
0x10c: {  	s18 =	sld [smem:$0x7F5];
	[tilespmem:v6+s22+$0x0] =	vst.idx.add.f32.msk vm1, v2;
	vm5 =	vgt.s32 v7, $0x3EFFFFFF;
	v9 =	vsub.s32 v3, v9;
	v10 =	vand.u32 $0x1F0, v11  }
0x10d: {  	s1 =	sld [smem:$0x7FA];
	v3 =	vsub.s32 v3, v10  }
0x10e: {  	p0 =	seq.s32 s0, $0x7  }
0x10f: {  	[tilespmem:v5+s22+$0x0] =	vst.idx.add.f32.msk vm3, v2;
	s0 =	sadd.s32 @!p0 $0x3, s18  }
0x110: {  	s1 =	sadd.s32 @!p0 s1, s0;
	[tilespmem:v8+s22+$0x0] =	vst.idx.add.f32.msk vm2, v2  }
0x111: {  	s1 =	sshrl.u32 @!p0 s1, $0x3;
	[tilespmem:v9+s22+$0x0] =	vst.idx.add.f32.msk vm4, v2  }
0x112: {  	s2 =	simm.s32 $0x2;
	s0 =	sshll.u32 @!p0 s0, $0xB;
	s1 =	smul.u32 @!p0 $0x44000, s1;
	[tilespmem:v3+s22+$0x0] =	vst.idx.add.f32.msk vm5, v2  }
0x113: {  	s0 =	sand.u32 @!p0 $0x3800, s0;
	_ =	swait.ge [sflag:s2], $0x8800  }
0x114: {  	s0 =	sor.u32 @!p0 s0, s1;
	[sflag:s2] =	ssyncset.done $0x0  }
0x115: {  	s0 =	sadd.s32 @!p0 $0x880000, s0;
	[sflag:s2] =	ssyncadd.s32 $0xFFFF7800  }
0x116: {  	s3 =	simm.s32 @!p0 $0x0;
	s0 =	sshrl.u32 @!p0 s0, $0x3;
	s1 =	rddreg [dreg:$0x0]  }
0x117: {  	s2 =	simm.s32 @!p0 $0x4000;
	s0 =	sadd.s32 @!p0 s1, s0;
	s1 =	simm.s32 @!p0 $0x800  }
0x118: {  	[tilespmem:s3], [sflag:$0x1] =	stream.strided.gather @!p0 [hbm4b:s0+s1], $0x8800, s2, s1, $0x38;
	[tilespmem:$0x19B80] =	vst v63  }
0x119: {  	s3 =	simm.s32 $0x0  }
0x11a: {  	s25 =	sand.u32 $0x40, s3;
	s15 =	sand.u32 $0x780, s3  }
0x11b: {  	s12 =	sor.u32 $0x8800, s15;
	s14 =	sor.u32 $0x30, s25  }
0x11c: {  	s11 =	sor.u32 $0x9000, s15;
	s4 =	sor.u32 s14, s12  }
0x11d: {  	s8 =	sor.u32 $0x9800, s15;
	s5 =	sor.u32 s14, s11;
	v3 =	vld [tilespmem:s4+$0x0]  }
0x11e: {  	s6 =	sor.u32 s14, s8;
	s4 =	sor.u32 $0xA000, s15;
	v4 =	vld [tilespmem:s5+$0x0]  }
0x11f: {  	s2 =	sor.u32 $0xA800, s15;
	v5 =	vld [tilespmem:s6+$0x0];
	s7 =	sor.u32 s14, s4  }
0x120: {  	s3 =	sor.u32 $0xB000, s15;
	s9 =	sor.u32 s14, s2;
	v6 =	vld [tilespmem:s7+$0x0]  }
0x121: {  	s10 =	sor.u32 $0xB800, s15;
	s13 =	sor.u32 s14, s3;
	v7 =	vld [tilespmem:s9+$0x0]  }
0x122: {  	s16 =	sor.u32 s14, s10;
	s9 =	sor.u32 $0xC000, s15;
	v8 =	vld [tilespmem:s13+$0x0]  }
0x123: {  	v9 =	vld [tilespmem:s16+$0x0];
	s17 =	sor.u32 s14, s9;
	s7 =	sor.u32 $0xC800, s15;
	v3 =	vand.u32 $0xFFFFFFE0, v3;
	v4 =	vand.u32 $0xFFFFFFE0, v4  }
0x124: {  	s6 =	sor.u32 $0xD000, s15;
	v10 =	vld [tilespmem:s17+$0x0];
	s19 =	sor.u32 s14, s7;
	v5 =	vand.u32 $0xFFFFFFE0, v5;
	v3 =	vor.u32 $0x10, v3;
	v4 =	vor.u32 $0xF, v4  }
0x125: {  	s5 =	sor.u32 $0xD800, s15;
	s20 =	sor.u32 s14, s6;
	v3 =	vmax.u32 v3, v4;
	v4 =	vor.u32 $0xE, v5;
	v5 =	vand.u32 $0xFFFFFFE0, v6;
	v6 =	vld [tilespmem:s19+$0x0]  }
0x126: {  	s13 =	sor.u32 $0xE000, s15;
	s21 =	sor.u32 s14, s5;
	v3 =	vmax.u32 v3, v4;
	v4 =	vor.u32 $0xD, v5;
	v5 =	vand.u32 $0xFFFFFFE0, v7;
	v7 =	vld [tilespmem:s20+$0x0]  }
0x127: {  	s0 =	sor.u32 $0xE800, s15;
	s16 =	sor.u32 s14, s13;
	v3 =	vmax.u32 v3, v4;
	v4 =	vor.u32 $0xC, v5;
	v5 =	vand.u32 $0xFFFFFFE0, v8;
	v8 =	vld [tilespmem:s21+$0x0]  }
0x128: {  	s1 =	sor.u32 $0xF000, s15;
	s23 =	sor.u32 s14, s0;
	s17 =	sld [smem:$0x7FB];
	v3 =	vmax.u32 v3, v4;
	v4 =	vor.u32 $0xB, v5;
	v5 =	vand.u32 $0xFFFFFFE0, v9;
	v9 =	vld [tilespmem:s16+$0x0]  }
0x129: {  	s24 =	sor.u32 s14, s1;
	v3 =	vmax.u32 v3, v4;
	v4 =	vor.u32 $0xA, v5;
	v5 =	vand.u32 $0xFFFFFFE0, v10;
	v10 =	vld [tilespmem:s23+$0x0]  }
0x12a: {  	s29 =	sor.u32 $0xF800, s15;
	s28 =	sor.u32 $0x10000, s15;
	s31 =	sor.u32 s25, s12;
	v3 =	vmax.u32 v3, v4;
	v4 =	vor.u32 $0x9, v5;
	v5 =	vand.u32 $0xFFFFFFE0, v6;
	v6 =	vld [tilespmem:s24+$0x0]  }
0x12b: {  	s26 =	sor.u32 s14, s29;
	v11 =	vld [tilespmem:s31+$0x0];
	s17 =	sadd.s32 s18, s17;
	s18 =	sld [smem:$0x7F7];
	v3 =	vmax.u32 v3, v4;
	v4 =	vor.u32 $0x8, v5;
	v5 =	vand.u32 $0xFFFFFFE0, v7  }
0x12c: {  	s30 =	sor.u32 s14, s28;
	v7 =	vld [tilespmem:s26+$0x0];
	s26 =	sor.u32 $0x10800, s15;
	v3 =	vmax.u32 v3, v4;
	v4 =	vor.u32 $0x7, v5;
	v5 =	vand.u32 $0xFFFFFFE0, v8  }
0x12d: {  	s31 =	sor.u32 $0x20, s25;
	s17 =	sshrl.u32 s17, $0x3;
	v8 =	vld [tilespmem:s30+$0x0];
	s14 =	sor.u32 s14, s26;
	v3 =	vmax.u32 v3, v4;
	v4 =	vor.u32 $0x6, v5;
	v5 =	vand.u32 $0xFFFFFFE0, v9  }
0x12e: {  	s19 =	sor.u32 s25, s11;
	s15 =	ssub.s32 s17, s18;
	s30 =	sor.u32 $0x10, s25;
	v9 =	vld [tilespmem:s14+$0x0];
	v3 =	vmax.u32 v3, v4;
	v4 =	vor.u32 $0x5, v5;
	v5 =	vand.u32 $0xFFFFFFE0, v10  }
0x12f: {  	s20 =	smul.u32 $0x110, s15;
	s21 =	sor.u32 s30, s12;
	s12 =	sor.u32 s31, s12;
	v10 =	vld [tilespmem:s19+$0x0];
	v3 =	vmax.u32 v3, v4;
	v4 =	vor.u32 $0x4, v5;
	v5 =	vand.u32 $0xFFFFFFE0, v6  }
0x130: {  	v12 =	vld [tilespmem:s12+$0x0];
	v3 =	vmax.u32 v3, v4;
	v4 =	vor.u32 $0x3, v5  }
0x131: {  	s23 =	sor.u32 s30, s11;
	s14 =	sadd.s32 $0x100, s20;
	v6 =	vld [tilespmem:s21+$0x0];
	v5 =	vand.u32 $0xFFFFFFE0, v7;
	v4 =	vmax.u32 v3, v4  }
0x132: {  	s11 =	sor.u32 s31, s11;
	v7 =	vld [tilespmem:s23+$0x0];
	v5 =	vor.u32 $0x2, v5;
	v8 =	vand.u32 $0xFFFFFFE0, v8;
	v3 =	vor.u32 s14, v1  }
0x133: {  	s24 =	sor.u32 s25, s8;
	s14 =	sor.u32 s30, s8;
	s8 =	sor.u32 s31, s8;
	v4 =	vmax.u32 v4, v5;
	v5 =	vor.u32 $0x1, v8;
	v8 =	vand.u32 $0xFFFFFFE0, v11;
	v11 =	vld [tilespmem:s11+$0x0]  }
0x134: {  	v14 =	vld [tilespmem:s8+$0x0];
	v4 =	vmax.u32 v4, v5;
	v5 =	vand.u32 $0xFFFFFFE0, v9  }
0x135: {  	v8 =	vor.u32 $0x10, v8;
	v9 =	vand.u32 $0xFFFFFFE0, v10;
	v10 =	vld [tilespmem:s24+$0x0];
	v12 =	vand.u32 $0xFFFFFFE0, v12  }
0x136: {  	v4 =	vmax.u32 v4, v5;
	v9 =	vor.u32 $0xF, v9;
	v5 =	vand.u32 $0xFFFFFFE0, v6;
	v6 =	vld [tilespmem:s14+$0x0]  }
0x137: {  	s15 =	sor.u32 s25, s4;
	v12 =	vor.u32 $0x10, v12;
	v13 =	vshll.u32 v4, $0x4;
	v7 =	vand.u32 $0xFFFFFFE0, v7  }
0x138: {  	s17 =	sor.u32 s25, s2;
	vm3 =	vgt.s32 v4, $0x3EFFFFFF;
	v4 =	vld [tilespmem:s15+$0x0];
	v15 =	vor.u32 $0x10, v5;
	v13 =	vand.u32 $0x1F0, v13  }
0x139: {  	v16 =	vld [tilespmem:s17+$0x0];
	s16 =	sor.u32 s30, s4;
	v8 =	vmax.u32 v8, v9;
	v7 =	vor.u32 $0xF, v7;
	v5 =	vsub.s32 v3, v13  }
0x13a: {  	s4 =	sor.u32 s31, s4;
	v13 =	vld [tilespmem:s16+$0x0];
	v11 =	vand.u32 $0xFFFFFFE0, v11;
	v7 =	vmax.u32 v15, v7;
	v14 =	vand.u32 $0xFFFFFFE0, v14  }
0x13b: {  	s18 =	sor.u32 s30, s2;
	v9 =	vand.u32 $0xFFFFFFE0, v10;
	v10 =	vor.u32 $0xF, v11;
	v11 =	vld [tilespmem:s4+$0x0];
	v6 =	vand.u32 $0xFFFFFFE0, v6  }
0x13c: {  	s2 =	sor.u32 s31, s2;
	v10 =	vmax.u32 v12, v10;
	v9 =	vor.u32 $0xE, v9;
	v12 =	vld [tilespmem:s18+$0x0];
	v6 =	vor.u32 $0xE, v6  }
0x13d: {  	s19 =	sor.u32 s25, s3;
	v8 =	vmax.u32 v8, v9;
	v4 =	vand.u32 $0xFFFFFFE0, v4;
	v9 =	vor.u32 $0xE, v14;
	v14 =	vld [tilespmem:s2+$0x0]  }
0x13e: {  	s20 =	sor.u32 s30, s3;
	s3 =	sor.u32 s31, s3;
	v6 =	vmax.u32 v7, v6;
	v9 =	vmax.u32 v10, v9;
	v10 =	vld [tilespmem:s19+$0x0];
	v4 =	vor.u32 $0xD, v4  }
0x13f: {  	v15 =	vld [tilespmem:s3+$0x0];
	v7 =	vand.u32 $0xFFFFFFE0, v13;
	v4 =	vmax.u32 v8, v4;
	v8 =	vand.u32 $0xFFFFFFE0, v16  }
0x140: {  	s21 =	sor.u32 s25, s10;
	v13 =	vld [tilespmem:s20+$0x0];
	v7 =	vor.u32 $0xD, v7;
	v11 =	vand.u32 $0xFFFFFFE0, v11;
	v8 =	vor.u32 $0xC, v8  }
0x141: {  	s23 =	sor.u32 s30, s10;
	v11 =	vor.u32 $0xD, v11;
	v6 =	vmax.u32 v6, v7;
	v7 =	vand.u32 $0xFFFFFFE0, v12;
	v12 =	vld [tilespmem:s21+$0x0]  }
0x142: {  	s24 =	sor.u32 s31, s10;
	v4 =	vmax.u32 v4, v8;
	v8 =	vld [tilespmem:s23+$0x0];
	v9 =	vmax.u32 v9, v11;
	v7 =	vor.u32 $0xC, v7  }
0x143: {  	s4 =	sor.u32 s25, s9;
	v11 =	vld [tilespmem:s24+$0x0];
	v6 =	vmax.u32 v6, v7;
	v7 =	vand.u32 $0xFFFFFFE0, v14;
	v10 =	vand.u32 $0xFFFFFFE0, v10  }
0x144: {  	s8 =	sor.u32 s30, s9;
	v14 =	vld [tilespmem:s4+$0x0];
	v7 =	vor.u32 $0xC, v7;
	v10 =	vor.u32 $0xB, v10  }
0x145: {  	s10 =	sor.u32 s25, s7;
	v13 =	vand.u32 $0xFFFFFFE0, v13;
	v7 =	vmax.u32 v9, v7;
	v4 =	vmax.u32 v4, v10;
	v10 =	vld [tilespmem:s8+$0x0]  }
0x146: {  	s9 =	sor.u32 s31, s9;
	v9 =	vor.u32 $0xB, v13;
	v13 =	vand.u32 $0xFFFFFFE0, v15;
	v15 =	vld [tilespmem:s10+$0x0];
	v12 =	vand.u32 $0xFFFFFFE0, v12  }
0x147: {  	s11 =	sor.u32 s30, s7;
	v6 =	vmax.u32 v6, v9;
	v9 =	vld [tilespmem:s9+$0x0];
	v13 =	vor.u32 $0xB, v13;
	v12 =	vor.u32 $0xA, v12  }
0x148: {  	s14 =	sor.u32 s25, s6;
	v8 =	vand.u32 $0xFFFFFFE0, v8;
	v7 =	vmax.u32 v7, v13;
	v4 =	vmax.u32 v4, v12;
	v12 =	vld [tilespmem:s11+$0x0]  }
0x149: {  	s12 =	sor.u32 s31, s7;
	v8 =	vor.u32 $0xA, v8;
	v11 =	vand.u32 $0xFFFFFFE0, v11;
	v13 =	vand.u32 $0xFFFFFFE0, v14;
	v14 =	vld [tilespmem:s14+$0x0]  }
0x14a: {  	s15 =	sor.u32 s30, s6;
	v6 =	vmax.u32 v6, v8;
	v8 =	vld [tilespmem:s12+$0x0];
	v11 =	vor.u32 $0xA, v11;
	v13 =	vor.u32 $0x9, v13  }
0x14b: {  	s17 =	sor.u32 s25, s5;
	v7 =	vmax.u32 v7, v11;
	v11 =	vld [tilespmem:s15+$0x0];
	v10 =	vand.u32 $0xFFFFFFE0, v10;
	v4 =	vmax.u32 v4, v13  }
0x14c: {  	s16 =	sor.u32 s31, s6;
	v13 =	vand.u32 $0xFFFFFFE0, v15;
	v15 =	vld [tilespmem:s17+$0x0];
	v10 =	vor.u32 $0x9, v10;
	v9 =	vand.u32 $0xFFFFFFE0, v9  }
0x14d: {  	s20 =	sor.u32 s25, s13;
	v13 =	vor.u32 $0x8, v13;
	v6 =	vmax.u32 v6, v10;
	v10 =	vld [tilespmem:s16+$0x0];
	v9 =	vor.u32 $0x9, v9  }
0x14e: {  	s18 =	sor.u32 s30, s5;
	v4 =	vmax.u32 v4, v13;
	v12 =	vand.u32 $0xFFFFFFE0, v12;
	v13 =	vand.u32 $0xFFFFFFE0, v14;
	v14 =	vld [tilespmem:s20+$0x0]  }
0x14f: {  	s19 =	sor.u32 s31, s5;
	v7 =	vmax.u32 v7, v9;
	v8 =	vand.u32 $0xFFFFFFE0, v8;
	v9 =	vor.u32 $0x8, v12;
	v12 =	vld [tilespmem:s18+$0x0]  }
0x150: {  	s24 =	sor.u32 s25, s0;
	v8 =	vor.u32 $0x8, v8;
	v13 =	vor.u32 $0x7, v13;
	v6 =	vmax.u32 v6, v9;
	v9 =	vld [tilespmem:s19+$0x0]  }
0x151: {  	s21 =	sor.u32 s30, s13;
	v11 =	vand.u32 $0xFFFFFFE0, v11;
	v4 =	vmax.u32 v4, v13;
	v13 =	vand.u32 $0xFFFFFFE0, v15;
	v15 =	vld [tilespmem:s24+$0x0]  }
0x152: {  	s23 =	sor.u32 s31, s13;
	v7 =	vmax.u32 v7, v8;
	v8 =	vor.u32 $0x7, v11;
	v11 =	vld [tilespmem:s21+$0x0];
	v13 =	vor.u32 $0x6, v13  }
0x153: {  	s5 =	sor.u32 s25, s1;
	v6 =	vmax.u32 v6, v8;
	v8 =	vld [tilespmem:s23+$0x0];
	v10 =	vand.u32 $0xFFFFFFE0, v10;
	v4 =	vmax.u32 v4, v13  }
0x154: {  	s4 =	sor.u32 s30, s0;
	v10 =	vor.u32 $0x7, v10;
	v13 =	vand.u32 $0xFFFFFFE0, v14;
	v14 =	vld [tilespmem:s5+$0x0];
	v12 =	vand.u32 $0xFFFFFFE0, v12  }
0x155: {  	s7 =	sor.u32 s25, s29;
	v7 =	vmax.u32 v7, v10;
	v13 =	vor.u32 $0x5, v13;
	v10 =	vor.u32 $0x6, v12;
	v12 =	vld [tilespmem:s4+$0x0]  }
0x156: {  	s0 =	sor.u32 s31, s0;
	v9 =	vand.u32 $0xFFFFFFE0, v9;
	v4 =	vmax.u32 v4, v13;
	v13 =	vand.u32 $0xFFFFFFE0, v15;
	v15 =	vld [tilespmem:s7+$0x0]  }
0x157: {  	s6 =	sor.u32 s30, s1;
	v11 =	vand.u32 $0xFFFFFFE0, v11;
	v6 =	vmax.u32 v6, v10;
	v10 =	vld [tilespmem:s0+$0x0];
	v9 =	vor.u32 $0x6, v9  }
0x158: {  	s1 =	sor.u32 s31, s1;
	v8 =	vand.u32 $0xFFFFFFE0, v8;
	v7 =	vmax.u32 v7, v9;
	v9 =	vor.u32 $0x5, v11;
	v11 =	vld [tilespmem:s6+$0x0]  }
0x159: {  	s10 =	sor.u32 s25, s28;
	v13 =	vor.u32 $0x4, v13;
	v8 =	vor.u32 $0x5, v8;
	v6 =	vmax.u32 v6, v9;
	v9 =	vld [tilespmem:s1+$0x0]  }
0x15a: {  	s8 =	sor.u32 s30, s29;
	v4 =	vmax.u32 v4, v13;
	v13 =	vand.u32 $0xFFFFFFE0, v14;
	v14 =	vld [tilespmem:s10+$0x0];
	v12 =	vand.u32 $0xFFFFFFE0, v12  }
0x15b: {  	v7 =	vmax.u32 v7, v8;
	v13 =	vor.u32 $0x3, v13;
	v8 =	vor.u32 $0x4, v12;
	v12 =	vld [tilespmem:s8+$0x0]  }
0x15c: {  	s9 =	sor.u32 s31, s29;
	v4 =	vmax.u32 v4, v13;
	v13 =	vand.u32 $0xFFFFFFE0, v15;
	v10 =	vand.u32 $0xFFFFFFE0, v10  }
0x15d: {  	s11 =	sor.u32 s30, s28;
	v6 =	vmax.u32 v6, v8;
	v8 =	vld [tilespmem:s9+$0x0];
	v10 =	vor.u32 $0x4, v10;
	v11 =	vand.u32 $0xFFFFFFE0, v11  }
0x15e: {  	s13 =	sor.u32 s25, s26;
	v13 =	vor.u32 $0x2, v13;
	v7 =	vmax.u32 v7, v10;
	v10 =	vor.u32 $0x3, v11;
	v11 =	vld [tilespmem:s11+$0x0]  }
0x15f: {  	s12 =	sor.u32 s31, s28;
	v15 =	vld [tilespmem:s13+$0x0];
	v4 =	vmax.u32 v4, v13;
	v9 =	vand.u32 $0xFFFFFFE0, v9;
	v13 =	vand.u32 $0xFFFFFFE0, v14  }
0x160: {  	s14 =	sor.u32 s30, s26;
	s15 =	simm.s32 $0x40;
	v6 =	vmax.u32 v6, v10;
	v10 =	vld [tilespmem:s12+$0x0];
	v9 =	vor.u32 $0x3, v9;
	v12 =	vand.u32 $0xFFFFFFE0, v12  }
0x161: {  	s25 =	sand.u32 $0x40, s15;
	v13 =	vor.u32 $0x1, v13;
	v7 =	vmax.u32 v7, v9;
	v9 =	vor.u32 $0x2, v12;
	v12 =	vld [tilespmem:s14+$0x0];
	s14 =	sand.u32 $0x780, s15  }
0x162: {  	s16 =	sor.u32 s31, s26;
	v4 =	vmax.u32 v4, v13;
	v8 =	vand.u32 $0xFFFFFFE0, v8;
	s15 =	sor.u32 $0x30, s25;
	s11 =	sor.u32 $0x8800, s14  }
0x163: {  	v6 =	vmax.u32 v6, v9;
	v8 =	vor.u32 $0x2, v8;
	v9 =	vld [tilespmem:s16+$0x0];
	v11 =	vand.u32 $0xFFFFFFE0, v11;
	s12 =	sor.u32 $0x9000, s14;
	s17 =	sor.u32 s15, s11  }
0x164: {  	v13 =	vand.u32 $0xFFFFFFE0, v15;
	s2 =	sor.u32 $0xA000, s14;
	v7 =	vmax.u32 v7, v8;
	v8 =	vor.u32 $0x1, v11;
	s18 =	sor.u32 s15, s12;
	v11 =	vld [tilespmem:s17+$0x0]  }
0x165: {  	v13 =	vmax.u32 v4, v13;
	s4 =	sor.u32 $0x9800, s14;
	v10 =	vand.u32 $0xFFFFFFE0, v10;
	s20 =	sor.u32 s15, s2;
	v6 =	vmax.u32 v6, v8;
	v8 =	vld [tilespmem:s18+$0x0]  }
0x166: {  	vm2 =	vgt.s32 v13, $0x3EFFFFFF;
	s10 =	sor.u32 $0xB800, s14;
	s19 =	sor.u32 s15, s4;
	v10 =	vor.u32 $0x1, v10;
	v15 =	vld [tilespmem:s20+$0x0]  }
0x167: {  	s3 =	sor.u32 $0xA800, s14;
	s24 =	sor.u32 s15, s10;
	v7 =	vmax.u32 v7, v10;
	v10 =	vshll.u32 v13, $0x4;
	v4 =	vand.u32 $0xFFFFFFE0, v12;
	v12 =	vld [tilespmem:s19+$0x0]  }
0x168: {  	s9 =	sor.u32 $0xC000, s14;
	s21 =	sor.u32 s15, s3;
	v13 =	vld [tilespmem:s24+$0x0];
	v14 =	vmax.u32 v6, v4;
	v4 =	vand.u32 $0xFFFFFFE0, v9;
	v6 =	vand.u32 $0x1F0, v10  }
0x169: {  	s8 =	sor.u32 $0xB000, s14;
	s26 =	sor.u32 s15, s9;
	v10 =	vld [tilespmem:s21+$0x0];
	v9 =	vshll.u32 v14, $0x4;
	v16 =	vmax.u32 v7, v4;
	v4 =	vsub.s32 v3, v6  }
0x16a: {  	s7 =	sor.u32 $0xC800, s14;
	s23 =	sor.u32 s15, s8;
	vm1 =	vgt.s32 v14, $0x3EFFFFFF;
	v14 =	vld [tilespmem:s26+$0x0];
	v6 =	vand.u32 $0x1F0, v9;
	v7 =	vshll.u32 v16, $0x4  }
0x16b: {  	s6 =	sor.u32 $0xD000, s14;
	s28 =	sor.u32 s15, s7;
	v9 =	vld [tilespmem:s23+$0x0];
	vm0 =	vgt.s32 v16, $0x3EFFFFFF;
	v11 =	vand.u32 $0xFFFFFFE0, v11;
	v8 =	vand.u32 $0xFFFFFFE0, v8  }
0x16c: {  	s5 =	sor.u32 $0xD800, s14;
	s29 =	sor.u32 s15, s6;
	v16 =	vld [tilespmem:s28+$0x0];
	v11 =	vor.u32 $0x10, v11;
	v8 =	vor.u32 $0xF, v8;
	v12 =	vand.u32 $0xFFFFFFE0, v12  }
0x16d: {  	s13 =	sor.u32 $0xE000, s14;
	s30 =	sor.u32 s15, s5;
	v8 =	vmax.u32 v11, v8;
	v11 =	vor.u32 $0xE, v12;
	v12 =	vand.u32 $0xFFFFFFE0, v15;
	v15 =	vld [tilespmem:s29+$0x0]  }
0x16e: {  	s31 =	sor.u32 s15, s13;
	v6 =	vsub.s32 v3, v6;
	s29 =	sor.u32 $0x10, s25;
	v8 =	vmax.u32 v8, v11;
	v11 =	vor.u32 $0xD, v12;
	v12 =	vld [tilespmem:s30+$0x0]  }
0x16f: {  	s0 =	sor.u32 $0xE800, s14;
	v7 =	vand.u32 $0x1F0, v7;
	v10 =	vand.u32 $0xFFFFFFE0, v10;
	s24 =	sor.u32 s29, s11;
	v8 =	vmax.u32 v8, v11;
	v11 =	vld [tilespmem:s31+$0x0]  }
0x170: {  	s1 =	sor.u32 $0xF000, s14;
	s17 =	sor.u32 s15, s0;
	v7 =	vsub.s32 v3, v7;
	v10 =	vor.u32 $0xC, v10;
	v9 =	vand.u32 $0xFFFFFFE0, v9;
	v17 =	vld [tilespmem:s24+$0x0]  }
0x171: {  	s18 =	sor.u32 s15, s1;
	s31 =	sor.u32 $0xF800, s14;
	v8 =	vmax.u32 v8, v10;
	v9 =	vor.u32 $0xB, v9;
	v10 =	vand.u32 $0xFFFFFFE0, v13;
	v13 =	vld [tilespmem:s17+$0x0]  }
0x172: {  	s28 =	sor.u32 $0x10000, s14;
	s19 =	sor.u32 s15, s31;
	v8 =	vmax.u32 v8, v9;
	v9 =	vor.u32 $0xA, v10;
	v10 =	vand.u32 $0xFFFFFFE0, v14;
	v14 =	vld [tilespmem:s18+$0x0]  }
0x173: {  	s20 =	sor.u32 s15, s28;
	v8 =	vmax.u32 v8, v9;
	v9 =	vor.u32 $0x9, v10;
	v10 =	vand.u32 $0xFFFFFFE0, v16;
	v16 =	vld [tilespmem:s19+$0x0]  }
0x174: {  	s21 =	sor.u32 s25, s11;
	v8 =	vmax.u32 v8, v9;
	v9 =	vor.u32 $0x8, v10;
	v10 =	vand.u32 $0xFFFFFFE0, v15;
	v15 =	vld [tilespmem:s20+$0x0]  }
0x175: {  	s26 =	sor.u32 $0x10800, s14;
	s20 =	sor.u32 s25, s2;
	v8 =	vmax.u32 v8, v9;
	v9 =	vor.u32 $0x7, v10;
	v10 =	vand.u32 $0xFFFFFFE0, v12;
	v12 =	vld [tilespmem:s21+$0x0]  }
0x176: {  	s14 =	sor.u32 s15, s26;
	v19 =	vld [tilespmem:s20+$0x0];
	v8 =	vmax.u32 v8, v9;
	v9 =	vor.u32 $0x6, v10;
	v10 =	vand.u32 $0xFFFFFFE0, v11  }
0x177: {  	s21 =	sor.u32 s29, s2;
	v11 =	vld [tilespmem:s14+$0x0];
	v8 =	vmax.u32 v8, v9;
	v9 =	vor.u32 $0x5, v10;
	v10 =	vand.u32 $0xFFFFFFE0, v13  }
0x178: {  	s23 =	sor.u32 s25, s12;
	v20 =	vld [tilespmem:s21+$0x0];
	v8 =	vmax.u32 v8, v9;
	v9 =	vor.u32 $0x4, v10;
	v10 =	vand.u32 $0xFFFFFFE0, v14  }
0x179: {  	s30 =	sor.u32 $0x20, s25;
	s16 =	sor.u32 s29, s12;
	v17 =	vand.u32 $0xFFFFFFE0, v17;
	v13 =	vld [tilespmem:s23+$0x0];
	v8 =	vmax.u32 v8, v9;
	v9 =	vor.u32 $0x3, v10  }
0x17a: {  	s11 =	sor.u32 s30, s11;
	v17 =	vor.u32 $0x10, v17;
	v14 =	vld [tilespmem:s16+$0x0];
	v10 =	vand.u32 $0xFFFFFFE0, v16;
	v8 =	vmax.u32 v8, v9  }
0x17b: {  	v16 =	vld [tilespmem:s11+$0x0];
	v9 =	vor.u32 $0x2, v10;
	v10 =	vand.u32 $0xFFFFFFE0, v15;
	v12 =	vand.u32 $0xFFFFFFE0, v12  }
0x17c: {  	[tilespmem:v5+s22+$0x0] =	vst.idx.add.f32.msk vm3, v2;
	s17 =	sor.u32 s30, s12;
	v19 =	vand.u32 $0xFFFFFFE0, v19;
	v8 =	vmax.u32 v8, v9;
	v9 =	vor.u32 $0x1, v10  }
0x17d: {  	s18 =	sor.u32 s25, s4;
	v15 =	vld [tilespmem:s17+$0x0];
	v12 =	vor.u32 $0x10, v12;
	v20 =	vand.u32 $0xFFFFFFE0, v20;
	v8 =	vmax.u32 v8, v9  }
0x17e: {  	s19 =	sor.u32 s29, s4;
	v10 =	vld [tilespmem:s18+$0x0];
	v9 =	vand.u32 $0xFFFFFFE0, v11;
	v11 =	vand.u32 $0xFFFFFFE0, v13;
	v20 =	vor.u32 $0xD, v20  }
0x17f: {  	s4 =	sor.u32 s30, s4;
	v13 =	vld [tilespmem:s19+$0x0];
	v8 =	vmax.u32 v8, v9;
	v9 =	vor.u32 $0xF, v11;
	v14 =	vand.u32 $0xFFFFFFE0, v14  }
0x180: {  	s23 =	sor.u32 s25, s3;
	v11 =	vld [tilespmem:s4+$0x0];
	v18 =	vshll.u32 v8, $0x4;
	vm15 =	vgt.s32 v8, $0x3EFFFFFF;
	v16 =	vand.u32 $0xFFFFFFE0, v16  }
0x181: {  	s24 =	sor.u32 s29, s3;
	v14 =	vor.u32 $0xF, v14;
	v9 =	vmax.u32 v12, v9;
	v12 =	vld [tilespmem:s23+$0x0];
	v18 =	vand.u32 $0x1F0, v18  }
0x182: {  	s2 =	sor.u32 s30, s2;
	v16 =	vor.u32 $0x10, v16;
	v15 =	vand.u32 $0xFFFFFFE0, v15;
	v14 =	vmax.u32 v17, v14;
	v17 =	vld [tilespmem:s24+$0x0]  }
0x183: {  	s16 =	sor.u32 s29, s10;
	v8 =	vsub.s32 v3, v18;
	v18 =	vld [tilespmem:s2+$0x0];
	v10 =	vand.u32 $0xFFFFFFE0, v10;
	v15 =	vor.u32 $0xF, v15  }
0x184: {  	v61 =	vld [tilespmem:s16+$0x0];
	s4 =	sor.u32 s30, s3;
	v13 =	vand.u32 $0xFFFFFFE0, v13;
	v15 =	vmax.u32 v16, v15;
	v10 =	vor.u32 $0xE, v10  }
0x185: {  	s11 =	sor.u32 s25, s8;
	v16 =	vld [tilespmem:s4+$0x0];
	v13 =	vor.u32 $0xE, v13;
	v11 =	vand.u32 $0xFFFFFFE0, v11;
	v9 =	vmax.u32 v9, v10  }
0x186: {  	s12 =	sor.u32 s29, s8;
	v10 =	vld [tilespmem:s11+$0x0];
	v11 =	vor.u32 $0xE, v11;
	v13 =	vmax.u32 v14, v13;
	v12 =	vand.u32 $0xFFFFFFE0, v12  }
0x187: {  	s14 =	sor.u32 s30, s8;
	v14 =	vld [tilespmem:s12+$0x0];
	v11 =	vmax.u32 v15, v11;
	v15 =	vor.u32 $0xD, v19;
	v13 =	vmax.u32 v13, v20  }
0x188: {  	s15 =	sor.u32 s25, s10;
	v19 =	vld [tilespmem:s14+$0x0];
	v17 =	vand.u32 $0xFFFFFFE0, v17;
	v12 =	vor.u32 $0xC, v12;
	v18 =	vand.u32 $0xFFFFFFE0, v18  }
0x189: {  	s18 =	sor.u32 s25, s9;
	v9 =	vmax.u32 v9, v15;
	v15 =	vld [tilespmem:s15+$0x0];
	v17 =	vor.u32 $0xC, v17;
	v18 =	vor.u32 $0xD, v18  }
0x18a: {  	s19 =	sor.u32 s29, s9;
	v9 =	vmax.u32 v9, v12;
	v12 =	vand.u32 $0xFFFFFFE0, v16;
	v16 =	vld [tilespmem:s18+$0x0];
	v13 =	vmax.u32 v13, v17  }
0x18b: {  	s17 =	sor.u32 s30, s10;
	v17 =	vld [tilespmem:s19+$0x0];
	v11 =	vmax.u32 v11, v18;
	v10 =	vand.u32 $0xFFFFFFE0, v10;
	v12 =	vor.u32 $0xC, v12  }
0x18c: {  	s3 =	sor.u32 s25, s6;
	v18 =	vld [tilespmem:s17+$0x0];
	v10 =	vor.u32 $0xB, v10;
	v14 =	vand.u32 $0xFFFFFFE0, v14;
	v11 =	vmax.u32 v11, v12  }
0x18d: {  	s20 =	sor.u32 s30, s9;
	v62 =	vld [tilespmem:s3+$0x0];
	v9 =	vmax.u32 v9, v10;
	v10 =	vor.u32 $0xB, v14;
	v14 =	vand.u32 $0xFFFFFFE0, v19  }
0x18e: {  	s21 =	sor.u32 s25, s7;
	v12 =	vld [tilespmem:s20+$0x0];
	v15 =	vand.u32 $0xFFFFFFE0, v15;
	v10 =	vmax.u32 v13, v10;
	v13 =	vor.u32 $0xB, v14  }
0x18f: {  	s10 =	sor.u32 s25, s13;
	s23 =	sor.u32 s29, s7;
	v20 =	vand.u32 $0xFFFFFFE0, v61;
	v19 =	vld [tilespmem:s21+$0x0];
	v15 =	vor.u32 $0xA, v15;
	v11 =	vmax.u32 v11, v13  }
0x190: {  	s11 =	sor.u32 s29, s13;
	s12 =	sor.u32 s30, s13;
	s13 =	sor.u32 s25, s0;
	v14 =	vld [tilespmem:s23+$0x0];
	v16 =	vand.u32 $0xFFFFFFE0, v16;
	v17 =	vand.u32 $0xFFFFFFE0, v17;
	v9 =	vmax.u32 v9, v15  }
0x191: {  	s24 =	sor.u32 s30, s7;
	v63 =	vld [tilespmem:s13+$0x0];
	v15 =	vor.u32 $0xA, v20;
	v18 =	vand.u32 $0xFFFFFFE0, v18;
	v16 =	vor.u32 $0x9, v16  }
0x192: {  	s4 =	sor.u32 s29, s6;
	v13 =	vld [tilespmem:s24+$0x0];
	v20 =	vand.u32 $0xFFFFFFE0, v62;
	v10 =	vmax.u32 v10, v15;
	v15 =	vor.u32 $0xA, v18  }
0x193: {  	s7 =	sor.u32 s25, s5;
	v18 =	vld [tilespmem:s4+$0x0];
	v9 =	vmax.u32 v9, v16;
	v16 =	vor.u32 $0x9, v17;
	v12 =	vand.u32 $0xFFFFFFE0, v12  }
0x194: {  	s6 =	sor.u32 s30, s6;
	v17 =	vld [tilespmem:s7+$0x0];
	v20 =	vor.u32 $0x7, v20;
	v11 =	vmax.u32 v11, v15;
	v19 =	vand.u32 $0xFFFFFFE0, v19  }
0x195: {  	s8 =	sor.u32 s29, s5;
	v15 =	vld [tilespmem:s6+$0x0];
	v10 =	vmax.u32 v10, v16;
	v12 =	vor.u32 $0x9, v12;
	v14 =	vand.u32 $0xFFFFFFE0, v14  }
0x196: {  	s9 =	sor.u32 s30, s5;
	v16 =	vld [tilespmem:s8+$0x0];
	v19 =	vor.u32 $0x8, v19;
	v11 =	vmax.u32 v11, v12;
	v14 =	vor.u32 $0x8, v14  }
0x197: {  	v12 =	vld [tilespmem:s9+$0x0];
	v9 =	vmax.u32 v9, v19;
	v13 =	vand.u32 $0xFFFFFFE0, v13;
	v10 =	vmax.u32 v10, v14  }
0x198: {  	v19 =	vld [tilespmem:s10+$0x0];
	v13 =	vor.u32 $0x8, v13;
	v9 =	vmax.u32 v9, v20;
	v20 =	vand.u32 $0xFFFFFFE0, v63  }
0x199: {  	v14 =	vld [tilespmem:s11+$0x0];
	v18 =	vand.u32 $0xFFFFFFE0, v18;
	v11 =	vmax.u32 v11, v13;
	v17 =	vand.u32 $0xFFFFFFE0, v17  }
0x19a: {  	s14 =	sor.u32 s29, s0;
	v13 =	vld [tilespmem:s12+$0x0];
	v20 =	vor.u32 $0x4, v20;
	v18 =	vor.u32 $0x7, v18;
	v15 =	vand.u32 $0xFFFFFFE0, v15  }
0x19b: {  	s15 =	sor.u32 s25, s1;
	v17 =	vor.u32 $0x6, v17;
	v16 =	vand.u32 $0xFFFFFFE0, v16;
	v10 =	vmax.u32 v10, v18;
	v18 =	vld [tilespmem:s14+$0x0]  }
0x19c: {  	s0 =	sor.u32 s30, s0;
	v15 =	vor.u32 $0x7, v15;
	v9 =	vmax.u32 v9, v17;
	v16 =	vor.u32 $0x6, v16;
	v17 =	vld [tilespmem:s15+$0x0]  }
0x19d: {  	s16 =	sor.u32 s29, s1;
	v12 =	vand.u32 $0xFFFFFFE0, v12;
	v11 =	vmax.u32 v11, v15;
	v15 =	vld [tilespmem:s0+$0x0];
	v19 =	vand.u32 $0xFFFFFFE0, v19  }
0x19e: {  	v10 =	vmax.u32 v10, v16;
	v12 =	vor.u32 $0x6, v12;
	v16 =	vld [tilespmem:s16+$0x0];
	v14 =	vand.u32 $0xFFFFFFE0, v14  }
0x19f: {  	[tilespmem:v8+s22+$0x0] =	vst.idx.add.f32.msk vm15, v2;
	s17 =	sor.u32 s30, s1;
	v19 =	vor.u32 $0x5, v19;
	v11 =	vmax.u32 v11, v12;
	v14 =	vor.u32 $0x5, v14  }
0x1a0: {  	s18 =	sor.u32 s25, s31;
	v12 =	vld [tilespmem:s17+$0x0];
	v9 =	vmax.u32 v9, v19;
	v13 =	vand.u32 $0xFFFFFFE0, v13;
	v10 =	vmax.u32 v10, v14  }
0x1a1: {  	s19 =	sor.u32 s29, s31;
	v19 =	vld [tilespmem:s18+$0x0];
	v13 =	vor.u32 $0x5, v13;
	v20 =	vmax.u32 v9, v20;
	v18 =	vand.u32 $0xFFFFFFE0, v18  }
0x1a2: {  	s20 =	sor.u32 s30, s31;
	v14 =	vld [tilespmem:s19+$0x0];
	v13 =	vmax.u32 v11, v13;
	v17 =	vand.u32 $0xFFFFFFE0, v17;
	v9 =	vor.u32 $0x4, v18  }
0x1a3: {  	v21 =	vld [tilespmem:s20+$0x0];
	s21 =	sor.u32 s25, s28;
	v11 =	vand.u32 $0xFFFFFFE0, v15;
	v16 =	vand.u32 $0xFFFFFFE0, v16;
	v18 =	vmax.u32 v10, v9  }
0x1a4: {  	s23 =	sor.u32 s29, s28;
	v15 =	vld [tilespmem:s21+$0x0];
	v9 =	vor.u32 $0x4, v11;
	v10 =	vor.u32 $0x3, v17;
	v16 =	vor.u32 $0x3, v16  }
0x1a5: {  	s24 =	sor.u32 s30, s28;
	v11 =	vld [tilespmem:s23+$0x0];
	v12 =	vand.u32 $0xFFFFFFE0, v12;
	v13 =	vmax.u32 v13, v9;
	v17 =	vmax.u32 v20, v10  }
0x1a6: {  	s28 =	sor.u32 s25, s26;
	v9 =	vld [tilespmem:s24+$0x0];
	v5 =	vand.u32 $0xFFFFFFE0, v19;
	v16 =	vmax.u32 v18, v16;
	v12 =	vor.u32 $0x3, v12  }
0x1a7: {  	s29 =	sor.u32 s29, s26;
	v10 =	vld [tilespmem:s28+$0x0];
	v5 =	vor.u32 $0x2, v5;
	v8 =	vand.u32 $0xFFFFFFE0, v14;
	v14 =	vmax.u32 v13, v12  }
0x1a8: {  	s31 =	sor.u32 s30, s26;
	v13 =	vmax.u32 v17, v5;
	v5 =	vor.u32 $0x2, v8;
	v8 =	vld [tilespmem:s29+$0x0];
	v17 =	vand.u32 $0xFFFFFFE0, v21  }
0x1a9: {  	s26 =	simm.s32 $0x80;
	s11 =	simm.s32 $0x4;
	v15 =	vand.u32 $0xFFFFFFE0, v15;
	v12 =	vmax.u32 v16, v5;
	v16 =	vor.u32 $0x2, v17;
	v5 =	vld [tilespmem:s31+$0x0]  }
.LBB2_7:
0x1aa: {  	s3 =	sand.u32 $0x780, s26  }
0x1ab: {  	s1 =	sand.u32 $0x40, s26;
	s4 =	sor.u32 $0x8800, s3  }
0x1ac: {  	s2 =	sor.u32 $0x30, s1;
	s6 =	sor.u32 $0x9000, s3;
	s7 =	sor.u32 $0x9800, s3  }
0x1ad: {  	[tilespmem:v4+s22+$0x0] =	vst.idx.add.f32.msk vm2, v2;
	s0 =	sor.u32 $0x10, s1;
	s8 =	sor.u32 $0xA000, s3;
	s17 =	sor.u32 $0xA800, s3  }
0x1ae: {  	v15 =	vor.u32 $0x1, v15;
	[tilespmem:v6+s22+$0x0] =	vst.idx.add.f32.msk vm1, v2;
	s16 =	sor.u32 $0xB000, s3;
	s18 =	sor.u32 $0xB800, s3;
	s23 =	sor.u32 $0xC000, s3  }
0x1af: {  	v14 =	vmax.u32 v14, v16;
	[tilespmem:v7+s22+$0x0] =	vst.idx.add.f32.msk vm0, v2;
	v4 =	vmax.u32 v13, v15;
	s22 =	sor.u32 $0xC800, s3;
	s5 =	sor.u32 s2, s4;
	s12 =	sor.u32 s1, s4;
	v11 =	vand.u32 $0xFFFFFFE0, v11  }
0x1b0: {  	s9 =	sor.u32 s2, s6;
	s24 =	sor.u32 s2, s7;
	s25 =	sor.u32 s2, s8;
	v15 =	vld [tilespmem:s12+$0x0];
	v9 =	vand.u32 $0xFFFFFFE0, v9;
	v6 =	vand.u32 $0xFFFFFFE0, v10;
	v11 =	vor.u32 $0x1, v11  }
0x1b1: {  	s13 =	sor.u32 s1, s6;
	s28 =	sor.u32 s2, s17;
	s19 =	sor.u32 s0, s4;
	v9 =	vor.u32 $0x1, v9;
	v6 =	vmax.u32 v4, v6;
	v4 =	vand.u32 $0xFFFFFFE0, v8;
	v8 =	vld [tilespmem:s9+$0x0]  }
0x1b2: {  	s29 =	sor.u32 s2, s16;
	s21 =	sor.u32 s0, s6;
	s14 =	sor.u32 s0, s7;
	v10 =	vmax.u32 v12, v11;
	v11 =	vld [tilespmem:s5+$0x0];
	v7 =	vmax.u32 v14, v9;
	v9 =	vshll.u32 v6, $0x4  }
0x1b3: {  	s30 =	sor.u32 s2, s18;
	[smem:$0x7E0] =	sst s14;
	s14 =	sor.u32 s0, s17;
	vm2 =	vgt.s32 v6, $0x3EFFFFFF;
	v10 =	vmax.u32 v10, v4;
	v4 =	vand.u32 $0xFFFFFFE0, v5;
	v5 =	vld [tilespmem:s24+$0x0]  }
0x1b4: {  	s31 =	sor.u32 s2, s23;
	[smem:$0x7E2] =	sst s14;
	s14 =	sor.u32 s1, s16;
	v14 =	vld [tilespmem:s25+$0x0];
	v9 =	vand.u32 $0x1F0, v9;
	v12 =	vshll.u32 v10, $0x4;
	v13 =	vmax.u32 v7, v4  }
0x1b5: {  	s12 =	sor.u32 s0, s16;
	s9 =	sor.u32 s2, s22;
	[smem:$0x7E3] =	sst s14;
	v4 =	vsub.s32 v3, v9;
	v7 =	vand.u32 $0x1F0, v12;
	v9 =	vshll.u32 v13, $0x4;
	v12 =	vld [tilespmem:s28+$0x0]  }
0x1b6: {  	s14 =	sor.u32 s0, s18;
	s5 =	sor.u32 $0x20, s1;
	s25 =	sor.u32 $0xD000, s3;
	vm1 =	vgt.s32 v10, $0x3EFFFFFF;
	v6 =	vsub.s32 v3, v7;
	v7 =	vand.u32 $0x1F0, v9;
	v9 =	vld [tilespmem:s29+$0x0]  }
0x1b7: {  	[smem:$0x7E5] =	sst s14;
	s20 =	sor.u32 s5, s4;
	s6 =	sor.u32 s5, s6;
	vm0 =	vgt.s32 v13, $0x3EFFFFFF;
	v8 =	vand.u32 $0xFFFFFFE0, v8;
	v10 =	vand.u32 $0xFFFFFFE0, v11;
	v11 =	vld [tilespmem:s30+$0x0]  }
0x1b8: {  	s10 =	sor.u32 s2, s25;
	s4 =	sor.u32 $0xE000, s3;
	s16 =	sor.u32 s5, s16;
	v13 =	vld [tilespmem:s31+$0x0];
	v8 =	vor.u32 $0xF, v8;
	v10 =	vor.u32 $0x10, v10;
	v5 =	vand.u32 $0xFFFFFFE0, v5  }
0x1b9: {  	s14 =	sor.u32 s5, s22;
	[smem:$0x7DF] =	sst s6;
	s31 =	sor.u32 $0xD800, s3;
	v8 =	vmax.u32 v10, v8;
	v5 =	vor.u32 $0xE, v5;
	v10 =	vand.u32 $0xFFFFFFE0, v14;
	v14 =	vld [tilespmem:s9+$0x0]  }
0x1ba: {  	s6 =	sor.u32 $0xE800, s3;
	[smem:$0x7E4] =	sst s16;
	s15 =	sor.u32 s2, s31;
	v5 =	vmax.u32 v8, v5;
	v8 =	vor.u32 $0xD, v10;
	v10 =	vand.u32 $0xFFFFFFE0, v12;
	v12 =	vld [tilespmem:s10+$0x0]  }
0x1bb: {  	s24 =	sor.u32 s2, s4;
	[dreg:$0x19] =	wrdreg s14;
	s28 =	sor.u32 s2, s6;
	v5 =	vmax.u32 v5, v8;
	v8 =	vor.u32 $0xC, v10;
	v9 =	vand.u32 $0xFFFFFFE0, v9;
	v10 =	vld [tilespmem:s15+$0x0]  }
0x1bc: {  	s29 =	sor.u32 $0xF000, s3;
	s30 =	sor.u32 s1, s7;
	s7 =	sor.u32 s5, s7;
	v5 =	vmax.u32 v5, v8;
	v8 =	vor.u32 $0xB, v9;
	v9 =	vand.u32 $0xFFFFFFE0, v11;
	v11 =	vld [tilespmem:s24+$0x0]  }
0x1bd: {  	s14 =	sor.u32 s5, s31;
	[smem:$0x7E1] =	sst s7;
	s7 =	sor.u32 $0x10000, s3;
	v5 =	vmax.u32 v5, v8;
	v8 =	vor.u32 $0xA, v9;
	v9 =	vand.u32 $0xFFFFFFE0, v13;
	v13 =	vld [tilespmem:s28+$0x0]  }
0x1be: {  	s24 =	sor.u32 $0xF800, s3;
	s3 =	sor.u32 $0x10800, s3;
	s28 =	sor.u32 s2, s29;
	v5 =	vmax.u32 v5, v8;
	v8 =	vor.u32 $0x9, v9;
	v9 =	vand.u32 $0xFFFFFFE0, v14  }
0x1bf: {  	[dreg:$0xd] =	wrdreg s14;
	s16 =	sor.u32 s2, s3;
	v14 =	vld [tilespmem:s28+$0x0];
	s28 =	sor.u32 s2, s24;
	v5 =	vmax.u32 v5, v8;
	v8 =	vor.u32 $0x8, v9;
	v9 =	vand.u32 $0xFFFFFFE0, v12  }
0x1c0: {  	v12 =	vld [tilespmem:s28+$0x0];
	s28 =	sor.u32 s2, s7;
	s2 =	sor.u32 s1, s18;
	s18 =	sor.u32 s5, s18;
	v5 =	vmax.u32 v5, v8;
	v8 =	vor.u32 $0x7, v9;
	v9 =	vand.u32 $0xFFFFFFE0, v10  }
0x1c1: {  	v10 =	vld [tilespmem:s28+$0x0];
	[smem:$0x7E6] =	sst s18;
	v5 =	vmax.u32 v5, v8;
	v8 =	vor.u32 $0x6, v9;
	v9 =	vand.u32 $0xFFFFFFE0, v11  }
0x1c2: {  	s18 =	sor.u32 s0, s23;
	v5 =	vmax.u32 v5, v8;
	v8 =	vor.u32 $0x5, v9;
	v9 =	vand.u32 $0xFFFFFFE0, v13;
	v13 =	vld [tilespmem:s13+$0x0];
	s13 =	sor.u32 s1, s23;
	s23 =	sor.u32 s5, s23  }
0x1c3: {  	[dreg:$0x1f] =	wrdreg s23;
	s23 =	sor.u32 s5, s25  }
0x1c4: {  	v11 =	vld [tilespmem:s16+$0x0];
	v5 =	vmax.u32 v5, v8;
	v8 =	vor.u32 $0x4, v9;
	v9 =	vand.u32 $0xFFFFFFE0, v14;
	[dreg:$0x13] =	wrdreg s23  }
0x1c5: {  	v14 =	vld [tilespmem:s19+$0x0];
	v5 =	vmax.u32 v5, v8;
	v8 =	vor.u32 $0x3, v9;
	s23 =	sld [smem:$0x7DF]  }
0x1c6: {  	s14 =	sld [smem:$0x7E1];
	s28 =	sor.u32 s1, s22;
	v9 =	vand.u32 $0xFFFFFFE0, v12;
	v12 =	vld [tilespmem:s21+$0x0];
	v5 =	vmax.u32 v5, v8  }
0x1c7: {  	[smem:$0x7E8] =	sst s28;
	s28 =	sor.u32 s0, s31;
	v8 =	vor.u32 $0x2, v9;
	v9 =	vand.u32 $0xFFFFFFE0, v10;
	v10 =	vand.u32 $0xFFFFFFE0, v15;
	v15 =	vld [tilespmem:s20+$0x0]  }
0x1c8: {  	[dreg:$0x10] =	wrdreg s28;
	v5 =	vmax.u32 v5, v8;
	v8 =	vor.u32 $0x1, v9;
	v9 =	vor.u32 $0x10, v10;
	v10 =	vld [tilespmem:s23+$0x0]  }
0x1c9: {  	s10 =	sor.u32 s0, s8;
	s28 =	sld [smem:$0x7E0];
	v5 =	vmax.u32 v5, v8;
	v8 =	vand.u32 $0xFFFFFFE0, v11;
	v11 =	vand.u32 $0xFFFFFFE0, v13;
	v13 =	vld [tilespmem:s30+$0x0]  }
0x1ca: {  	v18 =	vld [tilespmem:s10+$0x0];
	v5 =	vmax.u32 v5, v8;
	v8 =	vor.u32 $0xF, v11  }
0x1cb: {  	s9 =	sor.u32 s1, s8;
	s15 =	sor.u32 s5, s8;
	v17 =	vld [tilespmem:s14+$0x0];
	v11 =	vand.u32 $0xFFFFFFE0, v14;
	v16 =	vshll.u32 v5, $0x4;
	v12 =	vand.u32 $0xFFFFFFE0, v12  }
0x1cc: {  	s8 =	sor.u32 s1, s17;
	[smem:$0x7E7] =	sst s18;
	s18 =	sor.u32 s1, s25;
	v14 =	vld [tilespmem:s28+$0x0];
	vm3 =	vgt.s32 v5, $0x3EFFFFFF;
	v11 =	vor.u32 $0x10, v11;
	v8 =	vmax.u32 v9, v8  }
0x1cd: {  	s17 =	sor.u32 s5, s17;
	s14 =	sor.u32 s5, s24;
	[dreg:$0x1c] =	wrdreg s18;
	v5 =	vld [tilespmem:s9+$0x0];
	v16 =	vand.u32 $0x1F0, v16;
	v15 =	vand.u32 $0xFFFFFFE0, v15;
	v12 =	vor.u32 $0xF, v12  }
0x1ce: {  	s16 =	sor.u32 s1, s7;
	s18 =	sor.u32 s0, s4;
	v16 =	vsub.s32 v3, v16;
	v10 =	vand.u32 $0xFFFFFFE0, v10;
	v9 =	vand.u32 $0xFFFFFFE0, v13;
	v13 =	vld [tilespmem:s15+$0x0];
	s15 =	sld [smem:$0x7E2]  }
0x1cf: {  	[dreg:$0xa] =	wrdreg s18;
	s21 =	sor.u32 s0, s25;
	s25 =	sor.u32 s1, s31;
	v15 =	vor.u32 $0x10, v15;
	v11 =	vmax.u32 v11, v12;
	v10 =	vor.u32 $0xF, v10  }
0x1d0: {  	v19 =	vld [tilespmem:s8+$0x0];
	[dreg:$0x15] =	wrdreg s25;
	s20 =	sor.u32 s1, s4;
	s4 =	sor.u32 s5, s4;
	v9 =	vor.u32 $0xE, v9;
	v10 =	vmax.u32 v15, v10;
	v15 =	vand.u32 $0xFFFFFFE0, v17  }
0x1d1: {  	s19 =	sor.u32 s0, s22;
	s22 =	simm.s32 $0x19800;
	[dreg:$0x8] =	wrdreg s4;
	v12 =	vand.u32 $0xFFFFFFE0, v14;
	v8 =	vmax.u32 v8, v9;
	v14 =	vld [tilespmem:s15+$0x0];
	v9 =	vor.u32 $0xE, v15  }
0x1d2: {  	s18 =	sor.u32 s0, s24;
	s31 =	sor.u32 s5, s6;
	v12 =	vor.u32 $0xE, v12;
	v9 =	vmax.u32 v10, v9;
	v10 =	vld [tilespmem:s17+$0x0];
	s17 =	sld [smem:$0x7E3]  }
0x1d3: {  	s25 =	sor.u32 s1, s29;
	s23 =	sor.u32 s1, s24;
	s24 =	sld [smem:$0x7E4];
	v5 =	vand.u32 $0xFFFFFFE0, v5;
	v11 =	vmax.u32 v11, v12;
	v12 =	vand.u32 $0xFFFFFFE0, v18;
	[tilespmem:v16+s22+$0x0] =	vst.idx.add.f32.msk vm3, v2  }
0x1d4: {  	s4 =	sor.u32 s1, s6;
	[dreg:$0x4] =	wrdreg s25;
	s25 =	sor.u32 s5, s29;
	v5 =	vor.u32 $0xD, v5;
	v12 =	vor.u32 $0xD, v12;
	v16 =	vld [tilespmem:s12+$0x0];
	v13 =	vand.u32 $0xFFFFFFE0, v13  }
0x1d5: {  	s30 =	sor.u32 s0, s6;
	s28 =	sor.u32 s0, s29;
	s29 =	sld [smem:$0x7E5];
	v5 =	vmax.u32 v8, v5;
	v8 =	vand.u32 $0xFFFFFFE0, v19;
	v13 =	vor.u32 $0xD, v13;
	v15 =	vld [tilespmem:s17+$0x0]  }
0x1d6: {  	s6 =	sor.u32 s5, s7;
	s1 =	sor.u32 s1, s3;
	s5 =	sor.u32 s5, s3;
	v11 =	vmax.u32 v11, v12;
	v9 =	vmax.u32 v9, v13;
	v13 =	vld [tilespmem:s24+$0x0];
	v12 =	vand.u32 $0xFFFFFFE0, v14  }
0x1d7: {  	s9 =	sor.u32 s0, s7;
	s0 =	sor.u32 s0, s3;
	s3 =	sld [smem:$0x7E6];
	v8 =	vor.u32 $0xC, v8;
	v14 =	vld [tilespmem:s2+$0x0];
	v12 =	vor.u32 $0xC, v12  }
0x1d8: {  	s10 =	sld [smem:$0x7E8];
	v5 =	vmax.u32 v5, v8;
	v8 =	vmax.u32 v11, v12;
	v11 =	vld [tilespmem:s29+$0x0]  }
0x1d9: {  	s7 =	sld [smem:$0x7E7];
	v17 =	vld [tilespmem:s13+$0x0];
	v10 =	vand.u32 $0xFFFFFFE0, v10  }
0x1da: {  	v16 =	vand.u32 $0xFFFFFFE0, v16;
	v10 =	vor.u32 $0xC, v10;
	v12 =	vand.u32 $0xFFFFFFE0, v15;
	v15 =	vld [tilespmem:s3+$0x0]  }
0x1db: {  	v9 =	vmax.u32 v9, v10;
	v10 =	vor.u32 $0xB, v16;
	v16 =	vld [tilespmem:s10+$0x0];
	v12 =	vor.u32 $0xB, v12  }
0x1dc: {  	s8 =	rddreg [dreg:$0x1f];
	v13 =	vand.u32 $0xFFFFFFE0, v13;
	v8 =	vmax.u32 v8, v10;
	v5 =	vmax.u32 v5, v12;
	v12 =	vld [tilespmem:s7+$0x0]  }
0x1dd: {  	v14 =	vand.u32 $0xFFFFFFE0, v14;
	v10 =	vor.u32 $0xB, v13;
	v13 =	vld [tilespmem:s8+$0x0];
	v11 =	vand.u32 $0xFFFFFFE0, v11  }
0x1de: {  	s13 =	rddreg [dreg:$0x1c];
	v14 =	vor.u32 $0xA, v14;
	v9 =	vmax.u32 v9, v10;
	v10 =	vor.u32 $0xA, v11;
	v11 =	vld [tilespmem:s19+$0x0]  }
0x1df: {  	s12 =	rddreg [dreg:$0x19];
	v5 =	vmax.u32 v5, v14;
	v14 =	vand.u32 $0xFFFFFFE0, v15;
	v15 =	vand.u32 $0xFFFFFFE0, v17;
	v17 =	vld [tilespmem:s13+$0x0]  }
0x1e0: {  	s17 =	rddreg [dreg:$0x15];
	v8 =	vmax.u32 v8, v10;
	v10 =	vor.u32 $0xA, v14;
	v14 =	vld [tilespmem:s12+$0x0];
	v15 =	vor.u32 $0x9, v15  }
0x1e1: {  	v12 =	vand.u32 $0xFFFFFFE0, v12;
	v5 =	vmax.u32 v5, v15;
	v15 =	vand.u32 $0xFFFFFFE0, v16;
	v16 =	vld [tilespmem:s17+$0x0]  }
0x1e2: {  	s15 =	rddreg [dreg:$0x13];
	v13 =	vand.u32 $0xFFFFFFE0, v13;
	v9 =	vmax.u32 v9, v10;
	v10 =	vor.u32 $0x9, v12;
	v12 =	vld [tilespmem:s21+$0x0]  }
0x1e3: {  	s19 =	rddreg [dreg:$0x10];
	v8 =	vmax.u32 v8, v10;
	v10 =	vor.u32 $0x9, v13;
	v13 =	vld [tilespmem:s15+$0x0];
	v11 =	vand.u32 $0xFFFFFFE0, v11  }
0x1e4: {  	v15 =	vor.u32 $0x8, v15;
	v9 =	vmax.u32 v9, v10;
	v10 =	vor.u32 $0x8, v11;
	v11 =	vld [tilespmem:s19+$0x0]  }
0x1e5: {  	s21 =	rddreg [dreg:$0xd];
	v5 =	vmax.u32 v5, v15;
	v15 =	vand.u32 $0xFFFFFFE0, v17;
	v17 =	vld [tilespmem:s20+$0x0];
	v14 =	vand.u32 $0xFFFFFFE0, v14  }
0x1e6: {  	v8 =	vmax.u32 v8, v10;
	v15 =	vor.u32 $0x7, v15;
	v10 =	vor.u32 $0x8, v14;
	v14 =	vld [tilespmem:s21+$0x0]  }
0x1e7: {  	s24 =	rddreg [dreg:$0xa];
	v5 =	vmax.u32 v5, v15;
	v15 =	vand.u32 $0xFFFFFFE0, v16;
	v16 =	vld [tilespmem:s4+$0x0];
	v12 =	vand.u32 $0xFFFFFFE0, v12  }
0x1e8: {  	s29 =	rddreg [dreg:$0x8];
	v9 =	vmax.u32 v9, v10;
	v10 =	vor.u32 $0x7, v12;
	v12 =	vld [tilespmem:s24+$0x0];
	v13 =	vand.u32 $0xFFFFFFE0, v13  }
0x1e9: {  	v15 =	vor.u32 $0x6, v15;
	v8 =	vmax.u32 v8, v10;
	v10 =	vor.u32 $0x7, v13;
	v13 =	vld [tilespmem:s29+$0x0]  }
0x1ea: {  	v5 =	vmax.u32 v5, v15;
	v11 =	vand.u32 $0xFFFFFFE0, v11;
	v15 =	vand.u32 $0xFFFFFFE0, v17  }
0x1eb: {  	v9 =	vmax.u32 v9, v10;
	v10 =	vor.u32 $0x6, v11;
	v11 =	vld [tilespmem:s30+$0x0];
	v14 =	vand.u32 $0xFFFFFFE0, v14  }
0x1ec: {  	v15 =	vor.u32 $0x5, v15;
	v8 =	vmax.u32 v8, v10;
	v10 =	vor.u32 $0x6, v14;
	v14 =	vld [tilespmem:s31+$0x0];
	s31 =	rddreg [dreg:$0x4]  }
0x1ed: {  	v5 =	vmax.u32 v5, v15;
	v15 =	vand.u32 $0xFFFFFFE0, v16;
	v17 =	vld [tilespmem:s31+$0x0];
	v12 =	vand.u32 $0xFFFFFFE0, v12  }
0x1ee: {  	v9 =	vmax.u32 v9, v10;
	v10 =	vor.u32 $0x5, v12;
	v12 =	vld [tilespmem:s28+$0x0];
	v13 =	vand.u32 $0xFFFFFFE0, v13  }
0x1ef: {  	v15 =	vor.u32 $0x4, v15;
	v8 =	vmax.u32 v8, v10;
	v10 =	vor.u32 $0x5, v13;
	v13 =	vld [tilespmem:s25+$0x0]  }
0x1f0: {  	v7 =	vsub.s32 v3, v7;
	v16 =	vld [tilespmem:s23+$0x0];
	v5 =	vmax.u32 v5, v15;
	v11 =	vand.u32 $0xFFFFFFE0, v11  }
0x1f1: {  	v15 =	vld [tilespmem:s18+$0x0];
	v9 =	vmax.u32 v9, v10;
	v10 =	vor.u32 $0x4, v11;
	v11 =	vand.u32 $0xFFFFFFE0, v14  }
0x1f2: {  	s11 =	sadd.s32 $0x4, s11;
	v8 =	vmax.u32 v8, v10;
	v14 =	vand.u32 $0xFFFFFFE0, v17;
	v10 =	vor.u32 $0x4, v11;
	v17 =	vld [tilespmem:s14+$0x0]  }
0x1f3: {  	p1 =	slt.u32 s11, $0x7C;
	v18 =	vld [tilespmem:s16+$0x0];
	v11 =	vor.u32 $0x3, v14;
	v12 =	vand.u32 $0xFFFFFFE0, v12;
	v14 =	vmax.u32 v9, v10  }
.Ltmp2:
0x1f4: {  	v5 =	vmax.u32 v5, v11;
	v9 =	vor.u32 $0x3, v12;
	v11 =	vld [tilespmem:s9+$0x0];
	v10 =	vand.u32 $0xFFFFFFE0, v13;
	(pc) =	sbr.rel @p1 .LBB2_7-.Ltmp2, $4  }
0x1f5: {  	v12 =	vand.u32 $0xFFFFFFE0, v16;
	v16 =	vmax.u32 v8, v9;
	v8 =	vor.u32 $0x3, v10;
	v9 =	vld [tilespmem:s6+$0x0]  }
0x1f6: {  	v15 =	vand.u32 $0xFFFFFFE0, v15;
	v12 =	vor.u32 $0x2, v12;
	v10 =	vld [tilespmem:s1+$0x0];
	v14 =	vmax.u32 v14, v8  }
0x1f7: {  	v13 =	vmax.u32 v5, v12;
	v5 =	vor.u32 $0x2, v15;
	v8 =	vld [tilespmem:s0+$0x0];
	v17 =	vand.u32 $0xFFFFFFE0, v17  }
0x1f8: {  	s26 =	sadd.s32 $0x40, s26;
	v15 =	vand.u32 $0xFFFFFFE0, v18;
	v12 =	vmax.u32 v16, v5;
	v5 =	vld [tilespmem:s5+$0x0];
	v16 =	vor.u32 $0x2, v17  }
0x1f9: {  	v15 =	vor.u32 $0x1, v15;
	v11 =	vand.u32 $0xFFFFFFE0, v11  }
0x1fa: {  	v14 =	vmax.u32 v14, v16;
	v13 =	vmax.u32 v13, v15;
	v11 =	vor.u32 $0x1, v11  }
0x1fb: {  	v9 =	vand.u32 $0xFFFFFFE0, v9;
	v10 =	vand.u32 $0xFFFFFFE0, v10;
	v11 =	vmax.u32 v12, v11  }
0x1fc: {  	v9 =	vor.u32 $0x1, v9;
	v10 =	vmax.u32 v13, v10;
	v8 =	vand.u32 $0xFFFFFFE0, v8  }
0x1fd: {  	v9 =	vmax.u32 v14, v9;
	v12 =	vshll.u32 v10, $0x4;
	v8 =	vmax.u32 v11, v8  }
0x1fe: {  	v5 =	vand.u32 $0xFFFFFFE0, v5;
	vm3 =	vgt.s32 v10, $0x3EFFFFFF;
	v11 =	vand.u32 $0x1F0, v12  }
0x1ff: {  	v12 =	vshll.u32 v8, $0x4;
	v5 =	vmax.u32 v9, v5;
	vm4 =	vgt.s32 v8, $0x3EFFFFFF  }
0x200: {  	[tilespmem:v4+s22+$0x0] =	vst.idx.add.f32.msk vm2, v2;
	v9 =	vsub.s32 v3, v11;
	v10 =	vand.u32 $0x1F0, v12;
	v11 =	vshll.u32 v5, $0x4  }
0x201: {  	s0 =	sld [smem:$0x7F5];
	[tilespmem:v6+s22+$0x0] =	vst.idx.add.f32.msk vm1, v2;
	vm5 =	vgt.s32 v5, $0x3EFFFFFF;
	v8 =	vsub.s32 v3, v10;
	v10 =	vand.u32 $0x1F0, v11  }
0x202: {  	s1 =	sld [smem:$0x7FA];
	v3 =	vsub.s32 v3, v10;
	_ =	sdelay $0x1  }
0x203: {  	[tilespmem:v7+s22+$0x0] =	vst.idx.add.f32.msk vm0, v2;
	s0 =	sadd.s32 @!p0 $0x4, s0  }
0x204: {  	s18 =	simm.s32 $0x3;
	s2 =	simm.s32 @!p0 $0x4000;
	s1 =	sadd.s32 @!p0 s1, s0;
	[tilespmem:v9+s22+$0x0] =	vst.idx.add.f32.msk vm3, v2  }
0x205: {  	s3 =	simm.s32 @!p0 $0x8800;
	s19 =	simm.s32 $0x0;
	s1 =	sshrl.u32 @!p0 s1, $0x3;
	[tilespmem:v8+s22+$0x0] =	vst.idx.add.f32.msk vm4, v2  }
0x206: {  	s24 =	sand.u32 $0x40, s19;
	s0 =	sshll.u32 @!p0 s0, $0xB;
	s1 =	smul.u32 @!p0 $0x44000, s1;
	[tilespmem:v3+s22+$0x0] =	vst.idx.add.f32.msk vm5, v2  }
0x207: {  	s15 =	sand.u32 $0x780, s19;
	s0 =	sand.u32 @!p0 $0x3800, s0;
	_ =	swait.ge [sflag:s18], $0x8800  }
0x208: {  	s12 =	sor.u32 $0x11000, s15;
	s0 =	sor.u32 @!p0 s0, s1;
	[sflag:s18] =	ssyncset.done $0x0  }
0x209: {  	s14 =	sor.u32 $0x30, s24;
	s0 =	sadd.s32 @!p0 $0x880000, s0;
	[sflag:s18] =	ssyncadd.s32 $0xFFFF7800  }
0x20a: {  	s11 =	sor.u32 $0x11800, s15;
	s0 =	sshrl.u32 @!p0 s0, $0x3;
	s1 =	rddreg [dreg:$0x0]  }
0x20b: {  	s20 =	sor.u32 s14, s12;
	s0 =	sadd.s32 @!p0 s1, s0;
	s1 =	simm.s32 @!p0 $0x800  }
0x20c: {  	[tilespmem:s3], [sflag:$0x2] =	stream.strided.gather @!p0 [hbm4b:s0+s1], $0x8800, s2, s1, $0x38;
	[tilespmem:$0x19B80] =	vst v63  }
0x20d: {  	s8 =	sor.u32 $0x12000, s15;
	s21 =	sor.u32 s14, s11;
	v3 =	vld [tilespmem:s20+$0x0]  }
0x20e: {  	s4 =	sor.u32 $0x12800, s15;
	s23 =	sor.u32 s14, s8;
	v4 =	vld [tilespmem:s21+$0x0]  }
0x20f: {  	s25 =	sor.u32 s14, s4;
	s2 =	sor.u32 $0x13000, s15;
	v5 =	vld [tilespmem:s23+$0x0]  }
0x210: {  	s3 =	sor.u32 $0x13800, s15;
	v6 =	vld [tilespmem:s25+$0x0];
	s26 =	sor.u32 s14, s2  }
0x211: {  	s10 =	sor.u32 $0x14000, s15;
	s28 =	sor.u32 s14, s3;
	v7 =	vld [tilespmem:s26+$0x0]  }
0x212: {  	s9 =	sor.u32 $0x14800, s15;
	s29 =	sor.u32 s14, s10;
	v8 =	vld [tilespmem:s28+$0x0]  }
0x213: {  	s7 =	sor.u32 $0x15000, s15;
	s30 =	sor.u32 s14, s9;
	v9 =	vld [tilespmem:s29+$0x0];
	v3 =	vand.u32 $0xFFFFFFE0, v3;
	v4 =	vand.u32 $0xFFFFFFE0, v4  }
0x214: {  	s6 =	sor.u32 $0x15800, s15;
	s31 =	sor.u32 s14, s7;
	v10 =	vld [tilespmem:s30+$0x0];
	v5 =	vand.u32 $0xFFFFFFE0, v5;
	v3 =	vor.u32 $0x10, v3;
	v4 =	vor.u32 $0xF, v4  }
0x215: {  	s5 =	sor.u32 $0x16000, s15;
	s1 =	sor.u32 s14, s6;
	v3 =	vmax.u32 v3, v4;
	v4 =	vor.u32 $0xE, v5;
	v5 =	vand.u32 $0xFFFFFFE0, v6;
	v6 =	vld [tilespmem:s31+$0x0]  }
0x216: {  	s13 =	sor.u32 $0x16800, s15;
	s16 =	sor.u32 s14, s5;
	v3 =	vmax.u32 v3, v4;
	v4 =	vor.u32 $0xD, v5;
	v5 =	vand.u32 $0xFFFFFFE0, v7;
	v7 =	vld [tilespmem:s1+$0x0]  }
0x217: {  	s0 =	sor.u32 $0x17000, s15;
	v3 =	vmax.u32 v3, v4;
	v4 =	vor.u32 $0xC, v5;
	v5 =	vand.u32 $0xFFFFFFE0, v8;
	v8 =	vld [tilespmem:s16+$0x0];
	s16 =	sor.u32 s14, s13  }
0x218: {  	s17 =	sor.u32 s14, s0;
	s1 =	sor.u32 $0x17800, s15;
	v3 =	vmax.u32 v3, v4;
	v4 =	vor.u32 $0xB, v5;
	v5 =	vand.u32 $0xFFFFFFE0, v9;
	v9 =	vld [tilespmem:s16+$0x0]  }
0x219: {  	s18 =	sor.u32 s14, s1;
	v3 =	vmax.u32 v3, v4;
	v4 =	vor.u32 $0xA, v5;
	v5 =	vand.u32 $0xFFFFFFE0, v10;
	v10 =	vld [tilespmem:s17+$0x0]  }
0x21a: {  	s21 =	sld [smem:$0x7F7];
	s28 =	sor.u32 $0x18000, s15;
	s17 =	sor.u32 s24, s12;
	v3 =	vmax.u32 v3, v4;
	v4 =	vor.u32 $0x9, v5;
	v5 =	vand.u32 $0xFFFFFFE0, v6;
	v6 =	vld [tilespmem:s18+$0x0]  }
0x21b: {  	s23 =	sld [smem:$0x7F4];
	s26 =	sor.u32 $0x18800, s15;
	s19 =	sor.u32 s14, s28;
	v11 =	vld [tilespmem:s17+$0x0]  }
0x21c: {  	s25 =	sor.u32 $0x19000, s15;
	s20 =	sor.u32 s14, s26;
	v3 =	vmax.u32 v3, v4;
	v4 =	vor.u32 $0x8, v5;
	v5 =	vand.u32 $0xFFFFFFE0, v7;
	v7 =	vld [tilespmem:s19+$0x0]  }
0x21d: {  	s14 =	sor.u32 s14, s25;
	v3 =	vmax.u32 v3, v4;
	v4 =	vor.u32 $0x7, v5;
	v5 =	vand.u32 $0xFFFFFFE0, v8;
	v8 =	vld [tilespmem:s20+$0x0]  }
0x21e: {  	s29 =	sor.u32 s24, s11;
	s15 =	ssub.s32 s23, s21;
	s23 =	sor.u32 $0x10, s24;
	v3 =	vmax.u32 v3, v4;
	v4 =	vor.u32 $0x6, v5;
	v5 =	vand.u32 $0xFFFFFFE0, v9;
	v9 =	vld [tilespmem:s14+$0x0]  }
0x21f: {  	s31 =	sor.u32 s23, s12;
	v3 =	vmax.u32 v3, v4;
	v4 =	vor.u32 $0x5, v5;
	v5 =	vand.u32 $0xFFFFFFE0, v10;
	v10 =	vld [tilespmem:s29+$0x0]  }
0x220: {  	s30 =	smul.u32 $0x110, s15;
	s16 =	sor.u32 s23, s11;
	s29 =	sor.u32 $0x20, s24;
	v3 =	vmax.u32 v3, v4;
	v4 =	vor.u32 $0x4, v5;
	v5 =	vand.u32 $0xFFFFFFE0, v6;
	v6 =	vld [tilespmem:s31+$0x0]  }
0x221: {  	s17 =	sor.u32 s24, s8;
	s12 =	sor.u32 s29, s12;
	v3 =	vmax.u32 v3, v4;
	v4 =	vor.u32 $0x3, v5;
	v5 =	vand.u32 $0xFFFFFFE0, v7;
	v7 =	vld [tilespmem:s16+$0x0]  }
0x222: {  	s18 =	sor.u32 s23, s8;
	s14 =	sadd.s32 $0x100, s30;
	s8 =	sor.u32 s29, s8;
	v12 =	vld [tilespmem:s12+$0x0];
	v4 =	vmax.u32 v3, v4;
	v5 =	vor.u32 $0x2, v5;
	v8 =	vand.u32 $0xFFFFFFE0, v8  }
0x223: {  	s11 =	sor.u32 s29, s11;
	v14 =	vld [tilespmem:s8+$0x0];
	v3 =	vor.u32 s14, v1;
	v4 =	vmax.u32 v4, v5;
	v5 =	vor.u32 $0x1, v8  }
0x224: {  	v8 =	vand.u32 $0xFFFFFFE0, v11;
	v11 =	vld [tilespmem:s11+$0x0];
	v4 =	vmax.u32 v4, v5;
	v5 =	vand.u32 $0xFFFFFFE0, v9  }
0x225: {  	v8 =	vor.u32 $0x10, v8;
	v9 =	vand.u32 $0xFFFFFFE0, v10;
	v10 =	vld [tilespmem:s17+$0x0];
	v4 =	vmax.u32 v4, v5  }
0x226: {  	v9 =	vor.u32 $0xF, v9;
	v5 =	vand.u32 $0xFFFFFFE0, v6;
	v6 =	vld [tilespmem:s18+$0x0];
	v13 =	vshll.u32 v4, $0x4  }
0x227: {  	s19 =	sor.u32 s24, s4;
	v7 =	vand.u32 $0xFFFFFFE0, v7;
	vm3 =	vgt.s32 v4, $0x3EFFFFFF;
	v15 =	vor.u32 $0x10, v5  }
0x228: {  	s21 =	sor.u32 s24, s2;
	v4 =	vld [tilespmem:s19+$0x0];
	v12 =	vand.u32 $0xFFFFFFE0, v12;
	v8 =	vmax.u32 v8, v9;
	v14 =	vand.u32 $0xFFFFFFE0, v14  }
0x229: {  	v16 =	vld [tilespmem:s21+$0x0];
	s20 =	sor.u32 s23, s4;
	v13 =	vand.u32 $0x1F0, v13;
	v7 =	vor.u32 $0xF, v7;
	v12 =	vor.u32 $0x10, v12  }
0x22a: {  	s4 =	sor.u32 s29, s4;
	v5 =	vsub.s32 v3, v13;
	v13 =	vld [tilespmem:s20+$0x0];
	v11 =	vand.u32 $0xFFFFFFE0, v11;
	v7 =	vmax.u32 v15, v7  }
0x22b: {  	s30 =	sor.u32 s23, s2;
	v9 =	vand.u32 $0xFFFFFFE0, v10;
	v10 =	vor.u32 $0xF, v11;
	v11 =	vld [tilespmem:s4+$0x0];
	v6 =	vand.u32 $0xFFFFFFE0, v6  }
0x22c: {  	s2 =	sor.u32 s29, s2;
	v10 =	vmax.u32 v12, v10;
	v9 =	vor.u32 $0xE, v9;
	v12 =	vld [tilespmem:s30+$0x0];
	v6 =	vor.u32 $0xE, v6  }
0x22d: {  	s31 =	sor.u32 s24, s3;
	v8 =	vmax.u32 v8, v9;
	v4 =	vand.u32 $0xFFFFFFE0, v4;
	v9 =	vor.u32 $0xE, v14;
	v14 =	vld [tilespmem:s2+$0x0]  }
0x22e: {  	s8 =	sor.u32 s23, s3;
	s3 =	sor.u32 s29, s3;
	v6 =	vmax.u32 v7, v6;
	v9 =	vmax.u32 v10, v9;
	v10 =	vld [tilespmem:s31+$0x0];
	v4 =	vor.u32 $0xD, v4  }
0x22f: {  	v15 =	vld [tilespmem:s3+$0x0];
	v7 =	vand.u32 $0xFFFFFFE0, v13;
	v4 =	vmax.u32 v8, v4;
	v8 =	vand.u32 $0xFFFFFFE0, v16  }
0x230: {  	s11 =	sor.u32 s24, s10;
	v13 =	vld [tilespmem:s8+$0x0];
	v7 =	vor.u32 $0xD, v7;
	v11 =	vand.u32 $0xFFFFFFE0, v11;
	v8 =	vor.u32 $0xC, v8  }
0x231: {  	s12 =	sor.u32 s23, s10;
	v11 =	vor.u32 $0xD, v11;
	v6 =	vmax.u32 v6, v7;
	v7 =	vand.u32 $0xFFFFFFE0, v12;
	v12 =	vld [tilespmem:s11+$0x0]  }
0x232: {  	s14 =	sor.u32 s29, s10;
	v4 =	vmax.u32 v4, v8;
	v8 =	vld [tilespmem:s12+$0x0];
	v9 =	vmax.u32 v9, v11;
	v7 =	vor.u32 $0xC, v7  }
0x233: {  	s15 =	sor.u32 s24, s9;
	v11 =	vld [tilespmem:s14+$0x0];
	v6 =	vmax.u32 v6, v7;
	v7 =	vand.u32 $0xFFFFFFE0, v14;
	v10 =	vand.u32 $0xFFFFFFE0, v10  }
0x234: {  	s16 =	sor.u32 s23, s9;
	v14 =	vld [tilespmem:s15+$0x0];
	v7 =	vor.u32 $0xC, v7;
	v10 =	vor.u32 $0xB, v10  }
0x235: {  	s18 =	sor.u32 s24, s7;
	v13 =	vand.u32 $0xFFFFFFE0, v13;
	v7 =	vmax.u32 v9, v7;
	v4 =	vmax.u32 v4, v10;
	v10 =	vld [tilespmem:s16+$0x0]  }
0x236: {  	s17 =	sor.u32 s29, s9;
	v9 =	vor.u32 $0xB, v13;
	v13 =	vand.u32 $0xFFFFFFE0, v15;
	v15 =	vld [tilespmem:s18+$0x0];
	v12 =	vand.u32 $0xFFFFFFE0, v12  }
0x237: {  	s19 =	sor.u32 s23, s7;
	v6 =	vmax.u32 v6, v9;
	v9 =	vld [tilespmem:s17+$0x0];
	v13 =	vor.u32 $0xB, v13;
	v12 =	vor.u32 $0xA, v12  }
0x238: {  	s21 =	sor.u32 s24, s6;
	v8 =	vand.u32 $0xFFFFFFE0, v8;
	v7 =	vmax.u32 v7, v13;
	v4 =	vmax.u32 v4, v12;
	v12 =	vld [tilespmem:s19+$0x0]  }
0x239: {  	s20 =	sor.u32 s29, s7;
	v8 =	vor.u32 $0xA, v8;
	v11 =	vand.u32 $0xFFFFFFE0, v11;
	v13 =	vand.u32 $0xFFFFFFE0, v14;
	v14 =	vld [tilespmem:s21+$0x0]  }
0x23a: {  	s30 =	sor.u32 s23, s6;
	v6 =	vmax.u32 v6, v8;
	v8 =	vld [tilespmem:s20+$0x0];
	v11 =	vor.u32 $0xA, v11;
	v13 =	vor.u32 $0x9, v13  }
0x23b: {  	s4 =	sor.u32 s24, s5;
	v7 =	vmax.u32 v7, v11;
	v11 =	vld [tilespmem:s30+$0x0];
	v10 =	vand.u32 $0xFFFFFFE0, v10;
	v4 =	vmax.u32 v4, v13  }
0x23c: {  	s31 =	sor.u32 s29, s6;
	v13 =	vand.u32 $0xFFFFFFE0, v15;
	v15 =	vld [tilespmem:s4+$0x0];
	v10 =	vor.u32 $0x9, v10;
	v9 =	vand.u32 $0xFFFFFFE0, v9  }
0x23d: {  	s8 =	sor.u32 s24, s13;
	v13 =	vor.u32 $0x8, v13;
	v6 =	vmax.u32 v6, v10;
	v10 =	vld [tilespmem:s31+$0x0];
	v9 =	vor.u32 $0x9, v9  }
0x23e: {  	s6 =	sor.u32 s23, s5;
	v4 =	vmax.u32 v4, v13;
	v12 =	vand.u32 $0xFFFFFFE0, v12;
	v13 =	vand.u32 $0xFFFFFFE0, v14;
	v14 =	vld [tilespmem:s8+$0x0]  }
0x23f: {  	s7 =	sor.u32 s29, s5;
	v7 =	vmax.u32 v7, v9;
	v8 =	vand.u32 $0xFFFFFFE0, v8;
	v9 =	vor.u32 $0x8, v12;
	v12 =	vld [tilespmem:s6+$0x0]  }
0x240: {  	s11 =	sor.u32 s24, s0;
	v8 =	vor.u32 $0x8, v8;
	v13 =	vor.u32 $0x7, v13;
	v6 =	vmax.u32 v6, v9;
	v9 =	vld [tilespmem:s7+$0x0]  }
0x241: {  	s9 =	sor.u32 s23, s13;
	v11 =	vand.u32 $0xFFFFFFE0, v11;
	v4 =	vmax.u32 v4, v13;
	v13 =	vand.u32 $0xFFFFFFE0, v15;
	v15 =	vld [tilespmem:s11+$0x0]  }
0x242: {  	s10 =	sor.u32 s29, s13;
	v7 =	vmax.u32 v7, v8;
	v8 =	vor.u32 $0x7, v11;
	v11 =	vld [tilespmem:s9+$0x0];
	v13 =	vor.u32 $0x6, v13  }
0x243: {  	s13 =	sor.u32 s24, s1;
	v6 =	vmax.u32 v6, v8;
	v8 =	vld [tilespmem:s10+$0x0];
	v10 =	vand.u32 $0xFFFFFFE0, v10;
	v4 =	vmax.u32 v4, v13  }
0x244: {  	s12 =	sor.u32 s23, s0;
	v10 =	vor.u32 $0x7, v10;
	v13 =	vand.u32 $0xFFFFFFE0, v14;
	v14 =	vld [tilespmem:s13+$0x0];
	v12 =	vand.u32 $0xFFFFFFE0, v12  }
0x245: {  	s15 =	sor.u32 s24, s28;
	v7 =	vmax.u32 v7, v10;
	v13 =	vor.u32 $0x5, v13;
	v10 =	vor.u32 $0x6, v12;
	v12 =	vld [tilespmem:s12+$0x0]  }
0x246: {  	s0 =	sor.u32 s29, s0;
	v9 =	vand.u32 $0xFFFFFFE0, v9;
	v4 =	vmax.u32 v4, v13;
	v13 =	vand.u32 $0xFFFFFFE0, v15;
	v15 =	vld [tilespmem:s15+$0x0]  }
0x247: {  	s14 =	sor.u32 s23, s1;
	v11 =	vand.u32 $0xFFFFFFE0, v11;
	v6 =	vmax.u32 v6, v10;
	v10 =	vld [tilespmem:s0+$0x0];
	v9 =	vor.u32 $0x6, v9  }
0x248: {  	s1 =	sor.u32 s29, s1;
	v8 =	vand.u32 $0xFFFFFFE0, v8;
	v7 =	vmax.u32 v7, v9;
	v9 =	vor.u32 $0x5, v11;
	v11 =	vld [tilespmem:s14+$0x0]  }
0x249: {  	s18 =	sor.u32 s24, s26;
	v13 =	vor.u32 $0x4, v13;
	v8 =	vor.u32 $0x5, v8;
	v6 =	vmax.u32 v6, v9;
	v9 =	vld [tilespmem:s1+$0x0]  }
0x24a: {  	s16 =	sor.u32 s23, s28;
	v4 =	vmax.u32 v4, v13;
	v13 =	vand.u32 $0xFFFFFFE0, v14;
	v14 =	vld [tilespmem:s18+$0x0];
	v12 =	vand.u32 $0xFFFFFFE0, v12  }
0x24b: {  	v7 =	vmax.u32 v7, v8;
	v13 =	vor.u32 $0x3, v13;
	v8 =	vor.u32 $0x4, v12;
	v12 =	vld [tilespmem:s16+$0x0]  }
0x24c: {  	s17 =	sor.u32 s29, s28;
	v4 =	vmax.u32 v4, v13;
	v13 =	vand.u32 $0xFFFFFFE0, v15;
	v10 =	vand.u32 $0xFFFFFFE0, v10  }
0x24d: {  	s19 =	sor.u32 s23, s26;
	v6 =	vmax.u32 v6, v8;
	v8 =	vld [tilespmem:s17+$0x0];
	v10 =	vor.u32 $0x4, v10;
	v11 =	vand.u32 $0xFFFFFFE0, v11  }
0x24e: {  	s21 =	sor.u32 s24, s25;
	v13 =	vor.u32 $0x2, v13;
	v7 =	vmax.u32 v7, v10;
	v10 =	vor.u32 $0x3, v11;
	v11 =	vld [tilespmem:s19+$0x0]  }
0x24f: {  	s20 =	sor.u32 s29, s26;
	v15 =	vld [tilespmem:s21+$0x0];
	v4 =	vmax.u32 v4, v13;
	v9 =	vand.u32 $0xFFFFFFE0, v9;
	v13 =	vand.u32 $0xFFFFFFE0, v14  }
0x250: {  	s23 =	sor.u32 s23, s25;
	s24 =	simm.s32 $0x40;
	v6 =	vmax.u32 v6, v10;
	v10 =	vld [tilespmem:s20+$0x0];
	v9 =	vor.u32 $0x3, v9;
	v12 =	vand.u32 $0xFFFFFFE0, v12  }
0x251: {  	s14 =	sand.u32 $0x780, s24;
	v13 =	vor.u32 $0x1, v13;
	v7 =	vmax.u32 v7, v9;
	v9 =	vor.u32 $0x2, v12;
	v12 =	vld [tilespmem:s23+$0x0];
	s23 =	sand.u32 $0x40, s24  }
0x252: {  	s26 =	sor.u32 s29, s25;
	s11 =	sor.u32 $0x11000, s14;
	v4 =	vmax.u32 v4, v13;
	v8 =	vand.u32 $0xFFFFFFE0, v8;
	s15 =	sor.u32 $0x30, s23  }
0x253: {  	s12 =	sor.u32 $0x11800, s14;
	v6 =	vmax.u32 v6, v9;
	v8 =	vor.u32 $0x2, v8;
	v9 =	vld [tilespmem:s26+$0x0];
	v11 =	vand.u32 $0xFFFFFFE0, v11;
	s28 =	sor.u32 s15, s11  }
0x254: {  	s2 =	sor.u32 $0x12800, s14;
	v13 =	vand.u32 $0xFFFFFFE0, v15;
	v7 =	vmax.u32 v7, v8;
	v8 =	vor.u32 $0x1, v11;
	s29 =	sor.u32 s15, s12;
	v11 =	vld [tilespmem:s28+$0x0]  }
0x255: {  	s4 =	sor.u32 $0x12000, s14;
	v13 =	vmax.u32 v4, v13;
	v10 =	vand.u32 $0xFFFFFFE0, v10;
	s31 =	sor.u32 s15, s2;
	v6 =	vmax.u32 v6, v8;
	v8 =	vld [tilespmem:s29+$0x0]  }
0x256: {  	s10 =	sor.u32 $0x14000, s14;
	vm2 =	vgt.s32 v13, $0x3EFFFFFF;
	s30 =	sor.u32 s15, s4;
	v10 =	vor.u32 $0x1, v10;
	v15 =	vld [tilespmem:s31+$0x0];
	v4 =	vand.u32 $0xFFFFFFE0, v12  }
0x257: {  	s3 =	sor.u32 $0x13000, s14;
	s6 =	sor.u32 s15, s10;
	v7 =	vmax.u32 v7, v10;
	v10 =	vshll.u32 v13, $0x4;
	v12 =	vld [tilespmem:s30+$0x0];
	v14 =	vmax.u32 v6, v4  }
0x258: {  	s8 =	sor.u32 $0x13800, s14;
	s1 =	sor.u32 s15, s3;
	v13 =	vld [tilespmem:s6+$0x0];
	v4 =	vand.u32 $0xFFFFFFE0, v9;
	v6 =	vand.u32 $0x1F0, v10;
	v9 =	vshll.u32 v14, $0x4  }
0x259: {  	s9 =	sor.u32 $0x14800, s14;
	s5 =	sor.u32 s15, s8;
	v10 =	vld [tilespmem:s1+$0x0];
	v16 =	vmax.u32 v7, v4;
	v4 =	vsub.s32 v3, v6;
	vm1 =	vgt.s32 v14, $0x3EFFFFFF  }
0x25a: {  	s7 =	sor.u32 $0x15000, s14;
	s13 =	sor.u32 s15, s9;
	v6 =	vand.u32 $0x1F0, v9;
	v9 =	vld [tilespmem:s5+$0x0];
	v7 =	vshll.u32 v16, $0x4;
	v11 =	vand.u32 $0xFFFFFFE0, v11  }
0x25b: {  	s16 =	sor.u32 s15, s7;
	s6 =	sor.u32 $0x15800, s14;
	v14 =	vld [tilespmem:s13+$0x0];
	vm0 =	vgt.s32 v16, $0x3EFFFFFF;
	v8 =	vand.u32 $0xFFFFFFE0, v8;
	v11 =	vor.u32 $0x10, v11  }
0x25c: {  	s17 =	sor.u32 s15, s6;
	s5 =	sor.u32 $0x16000, s14;
	v16 =	vld [tilespmem:s16+$0x0];
	v8 =	vor.u32 $0xF, v8;
	v7 =	vand.u32 $0x1F0, v7;
	v12 =	vand.u32 $0xFFFFFFE0, v12  }
0x25d: {  	s13 =	sor.u32 $0x16800, s14;
	s18 =	sor.u32 s15, s5;
	v8 =	vmax.u32 v11, v8;
	v11 =	vor.u32 $0xE, v12;
	v12 =	vand.u32 $0xFFFFFFE0, v15;
	v15 =	vld [tilespmem:s17+$0x0]  }
0x25e: {  	s0 =	sor.u32 $0x17000, s14;
	s19 =	sor.u32 s15, s13;
	v10 =	vand.u32 $0xFFFFFFE0, v10;
	v8 =	vmax.u32 v8, v11;
	v11 =	vor.u32 $0xD, v12;
	v12 =	vld [tilespmem:s18+$0x0]  }
0x25f: {  	s20 =	sor.u32 s15, s0;
	s1 =	sor.u32 $0x17800, s14;
	v10 =	vor.u32 $0xC, v10;
	v8 =	vmax.u32 v8, v11;
	v9 =	vand.u32 $0xFFFFFFE0, v9;
	v11 =	vld [tilespmem:s19+$0x0]  }
0x260: {  	s21 =	sor.u32 s15, s1;
	v8 =	vmax.u32 v8, v10;
	v9 =	vor.u32 $0xB, v9;
	v10 =	vand.u32 $0xFFFFFFE0, v13;
	v13 =	vld [tilespmem:s20+$0x0]  }
0x261: {  	s29 =	sor.u32 $0x18000, s14;
	s20 =	sor.u32 s23, s2;
	v8 =	vmax.u32 v8, v9;
	v9 =	vor.u32 $0xA, v10;
	v10 =	vand.u32 $0xFFFFFFE0, v14;
	v14 =	vld [tilespmem:s21+$0x0]  }
0x262: {  	s25 =	sor.u32 $0x18800, s14;
	s24 =	sor.u32 s15, s29;
	v6 =	vsub.s32 v3, v6;
	v7 =	vsub.s32 v3, v7;
	v19 =	vld [tilespmem:s20+$0x0]  }
0x263: {  	s26 =	sor.u32 s15, s25;
	v8 =	vmax.u32 v8, v9;
	v9 =	vor.u32 $0x9, v10;
	v10 =	vand.u32 $0xFFFFFFE0, v16;
	v16 =	vld [tilespmem:s24+$0x0]  }
0x264: {  	s28 =	sor.u32 s23, s11;
	s24 =	sor.u32 $0x19000, s14;
	v8 =	vmax.u32 v8, v9;
	v9 =	vor.u32 $0x8, v10;
	v10 =	vand.u32 $0xFFFFFFE0, v15;
	v15 =	vld [tilespmem:s26+$0x0]  }
0x265: {  	s14 =	sor.u32 s15, s24;
	s26 =	sor.u32 $0x10, s23;
	v8 =	vmax.u32 v8, v9;
	v9 =	vor.u32 $0x7, v10;
	v10 =	vand.u32 $0xFFFFFFE0, v12;
	v12 =	vld [tilespmem:s28+$0x0]  }
0x266: {  	s31 =	sor.u32 s26, s11;
	v8 =	vmax.u32 v8, v9;
	v9 =	vor.u32 $0x6, v10;
	v10 =	vand.u32 $0xFFFFFFE0, v11;
	v11 =	vld [tilespmem:s14+$0x0]  }
0x267: {  	s21 =	sor.u32 s26, s2;
	v17 =	vld [tilespmem:s31+$0x0];
	v8 =	vmax.u32 v8, v9;
	v9 =	vor.u32 $0x5, v10;
	v10 =	vand.u32 $0xFFFFFFE0, v13  }
0x268: {  	s30 =	sor.u32 s23, s12;
	v20 =	vld [tilespmem:s21+$0x0];
	v8 =	vmax.u32 v8, v9;
	v9 =	vor.u32 $0x4, v10;
	v10 =	vand.u32 $0xFFFFFFE0, v14  }
0x269: {  	s28 =	sor.u32 $0x20, s23;
	s16 =	sor.u32 s26, s12;
	v13 =	vld [tilespmem:s30+$0x0];
	v8 =	vmax.u32 v8, v9;
	v9 =	vor.u32 $0x3, v10;
	v10 =	vand.u32 $0xFFFFFFE0, v16  }
0x26a: {  	s11 =	sor.u32 s28, s11;
	v19 =	vand.u32 $0xFFFFFFE0, v19;
	v14 =	vld [tilespmem:s16+$0x0];
	v8 =	vmax.u32 v8, v9;
	v9 =	vor.u32 $0x2, v10  }
0x26b: {  	v16 =	vld [tilespmem:s11+$0x0];
	v10 =	vand.u32 $0xFFFFFFE0, v15;
	v12 =	vand.u32 $0xFFFFFFE0, v12;
	v8 =	vmax.u32 v8, v9  }
0x26c: {  	[tilespmem:v5+s22+$0x0] =	vst.idx.add.f32.msk vm3, v2;
	s17 =	sor.u32 s28, s12;
	v9 =	vor.u32 $0x1, v10;
	v12 =	vor.u32 $0x10, v12;
	v17 =	vand.u32 $0xFFFFFFE0, v17  }
0x26d: {  	s18 =	sor.u32 s23, s4;
	v15 =	vld [tilespmem:s17+$0x0];
	v20 =	vand.u32 $0xFFFFFFE0, v20;
	v8 =	vmax.u32 v8, v9;
	v9 =	vand.u32 $0xFFFFFFE0, v11  }
0x26e: {  	s19 =	sor.u32 s26, s4;
	v10 =	vld [tilespmem:s18+$0x0];
	v11 =	vand.u32 $0xFFFFFFE0, v13;
	v17 =	vor.u32 $0x10, v17;
	v20 =	vor.u32 $0xD, v20  }
0x26f: {  	s4 =	sor.u32 s28, s4;
	v13 =	vld [tilespmem:s19+$0x0];
	v8 =	vmax.u32 v8, v9;
	v9 =	vor.u32 $0xF, v11;
	v14 =	vand.u32 $0xFFFFFFE0, v14  }
0x270: {  	s30 =	sor.u32 s23, s3;
	v11 =	vld [tilespmem:s4+$0x0];
	v18 =	vshll.u32 v8, $0x4;
	vm15 =	vgt.s32 v8, $0x3EFFFFFF;
	v16 =	vand.u32 $0xFFFFFFE0, v16  }
0x271: {  	s31 =	sor.u32 s26, s3;
	v14 =	vor.u32 $0xF, v14;
	v9 =	vmax.u32 v12, v9;
	v12 =	vld [tilespmem:s30+$0x0];
	v18 =	vand.u32 $0x1F0, v18  }
0x272: {  	s2 =	sor.u32 s28, s2;
	v16 =	vor.u32 $0x10, v16;
	v15 =	vand.u32 $0xFFFFFFE0, v15;
	v14 =	vmax.u32 v17, v14;
	v17 =	vld [tilespmem:s31+$0x0]  }
0x273: {  	s15 =	sor.u32 s26, s10;
	v8 =	vsub.s32 v3, v18;
	v18 =	vld [tilespmem:s2+$0x0];
	v10 =	vand.u32 $0xFFFFFFE0, v10;
	v15 =	vor.u32 $0xF, v15  }
0x274: {  	v61 =	vld [tilespmem:s15+$0x0];
	s3 =	sor.u32 s28, s3;
	v13 =	vand.u32 $0xFFFFFFE0, v13;
	v15 =	vmax.u32 v16, v15;
	v10 =	vor.u32 $0xE, v10  }
0x275: {  	s4 =	sor.u32 s23, s8;
	v16 =	vld [tilespmem:s3+$0x0];
	v13 =	vor.u32 $0xE, v13;
	v11 =	vand.u32 $0xFFFFFFE0, v11;
	v9 =	vmax.u32 v9, v10  }
0x276: {  	s11 =	sor.u32 s26, s8;
	v10 =	vld [tilespmem:s4+$0x0];
	v11 =	vor.u32 $0xE, v11;
	v13 =	vmax.u32 v14, v13;
	v12 =	vand.u32 $0xFFFFFFE0, v12  }
0x277: {  	s12 =	sor.u32 s28, s8;
	v14 =	vld [tilespmem:s11+$0x0];
	v11 =	vmax.u32 v15, v11;
	v15 =	vor.u32 $0xD, v19;
	v13 =	vmax.u32 v13, v20  }
0x278: {  	s14 =	sor.u32 s23, s10;
	v19 =	vld [tilespmem:s12+$0x0];
	v17 =	vand.u32 $0xFFFFFFE0, v17;
	v12 =	vor.u32 $0xC, v12;
	v18 =	vand.u32 $0xFFFFFFE0, v18  }
0x279: {  	s17 =	sor.u32 s23, s9;
	v9 =	vmax.u32 v9, v15;
	v15 =	vld [tilespmem:s14+$0x0];
	v17 =	vor.u32 $0xC, v17;
	v18 =	vor.u32 $0xD, v18  }
0x27a: {  	s18 =	sor.u32 s26, s9;
	v9 =	vmax.u32 v9, v12;
	v12 =	vand.u32 $0xFFFFFFE0, v16;
	v16 =	vld [tilespmem:s17+$0x0];
	v13 =	vmax.u32 v13, v17  }
0x27b: {  	s16 =	sor.u32 s28, s10;
	v17 =	vld [tilespmem:s18+$0x0];
	v11 =	vmax.u32 v11, v18;
	v10 =	vand.u32 $0xFFFFFFE0, v10;
	v12 =	vor.u32 $0xC, v12  }
0x27c: {  	s31 =	sor.u32 s23, s6;
	v18 =	vld [tilespmem:s16+$0x0];
	v10 =	vor.u32 $0xB, v10;
	v14 =	vand.u32 $0xFFFFFFE0, v14;
	v11 =	vmax.u32 v11, v12  }
0x27d: {  	s19 =	sor.u32 s28, s9;
	v62 =	vld [tilespmem:s31+$0x0];
	v9 =	vmax.u32 v9, v10;
	v10 =	vor.u32 $0xB, v14;
	v14 =	vand.u32 $0xFFFFFFE0, v19  }
0x27e: {  	s20 =	sor.u32 s23, s7;
	v12 =	vld [tilespmem:s19+$0x0];
	v15 =	vand.u32 $0xFFFFFFE0, v15;
	v10 =	vmax.u32 v13, v10;
	v13 =	vor.u32 $0xB, v14  }
0x27f: {  	s21 =	sor.u32 s26, s7;
	v20 =	vand.u32 $0xFFFFFFE0, v61;
	v19 =	vld [tilespmem:s20+$0x0];
	v15 =	vor.u32 $0xA, v15;
	v11 =	vmax.u32 v11, v13  }
0x280: {  	s12 =	sor.u32 s23, s0;
	v14 =	vld [tilespmem:s21+$0x0];
	v16 =	vand.u32 $0xFFFFFFE0, v16;
	v17 =	vand.u32 $0xFFFFFFE0, v17;
	v9 =	vmax.u32 v9, v15  }
0x281: {  	s30 =	sor.u32 s28, s7;
	v63 =	vld [tilespmem:s12+$0x0];
	v15 =	vor.u32 $0xA, v20;
	v18 =	vand.u32 $0xFFFFFFE0, v18;
	v16 =	vor.u32 $0x9, v16  }
0x282: {  	s3 =	sor.u32 s26, s6;
	v13 =	vld [tilespmem:s30+$0x0];
	v20 =	vand.u32 $0xFFFFFFE0, v62;
	v10 =	vmax.u32 v10, v15;
	v15 =	vor.u32 $0xA, v18  }
0x283: {  	s4 =	sor.u32 s28, s6;
	s6 =	sor.u32 s23, s5;
	v18 =	vld [tilespmem:s3+$0x0];
	v9 =	vmax.u32 v9, v16;
	v16 =	vor.u32 $0x9, v17;
	v12 =	vand.u32 $0xFFFFFFE0, v12  }
0x284: {  	v17 =	vld [tilespmem:s6+$0x0];
	v20 =	vor.u32 $0x7, v20;
	v11 =	vmax.u32 v11, v15;
	v19 =	vand.u32 $0xFFFFFFE0, v19  }
0x285: {  	s7 =	sor.u32 s26, s5;
	v15 =	vld [tilespmem:s4+$0x0];
	v10 =	vmax.u32 v10, v16;
	v12 =	vor.u32 $0x9, v12;
	v14 =	vand.u32 $0xFFFFFFE0, v14  }
0x286: {  	s8 =	sor.u32 s28, s5;
	v16 =	vld [tilespmem:s7+$0x0];
	v19 =	vor.u32 $0x8, v19;
	v11 =	vmax.u32 v11, v12;
	v14 =	vor.u32 $0x8, v14  }
0x287: {  	s9 =	sor.u32 s23, s13;
	v12 =	vld [tilespmem:s8+$0x0];
	v9 =	vmax.u32 v9, v19;
	v13 =	vand.u32 $0xFFFFFFE0, v13;
	v10 =	vmax.u32 v10, v14  }
0x288: {  	s10 =	sor.u32 s26, s13;
	v19 =	vld [tilespmem:s9+$0x0];
	v13 =	vor.u32 $0x8, v13;
	v9 =	vmax.u32 v9, v20;
	v20 =	vand.u32 $0xFFFFFFE0, v63  }
0x289: {  	s11 =	sor.u32 s28, s13;
	v14 =	vld [tilespmem:s10+$0x0];
	v18 =	vand.u32 $0xFFFFFFE0, v18;
	v11 =	vmax.u32 v11, v13;
	v17 =	vand.u32 $0xFFFFFFE0, v17  }
0x28a: {  	s13 =	sor.u32 s26, s0;
	v13 =	vld [tilespmem:s11+$0x0];
	v20 =	vor.u32 $0x4, v20;
	v18 =	vor.u32 $0x7, v18;
	v15 =	vand.u32 $0xFFFFFFE0, v15  }
0x28b: {  	s14 =	sor.u32 s23, s1;
	v17 =	vor.u32 $0x6, v17;
	v16 =	vand.u32 $0xFFFFFFE0, v16;
	v10 =	vmax.u32 v10, v18;
	v18 =	vld [tilespmem:s13+$0x0]  }
0x28c: {  	s0 =	sor.u32 s28, s0;
	v15 =	vor.u32 $0x7, v15;
	v9 =	vmax.u32 v9, v17;
	v16 =	vor.u32 $0x6, v16;
	v17 =	vld [tilespmem:s14+$0x0]  }
0x28d: {  	s15 =	sor.u32 s26, s1;
	v12 =	vand.u32 $0xFFFFFFE0, v12;
	v11 =	vmax.u32 v11, v15;
	v15 =	vld [tilespmem:s0+$0x0];
	v19 =	vand.u32 $0xFFFFFFE0, v19  }
0x28e: {  	v10 =	vmax.u32 v10, v16;
	v12 =	vor.u32 $0x6, v12;
	v16 =	vld [tilespmem:s15+$0x0];
	v14 =	vand.u32 $0xFFFFFFE0, v14  }
0x28f: {  	[tilespmem:v8+s22+$0x0] =	vst.idx.add.f32.msk vm15, v2;
	s16 =	sor.u32 s28, s1;
	v19 =	vor.u32 $0x5, v19;
	v11 =	vmax.u32 v11, v12;
	v14 =	vor.u32 $0x5, v14  }
0x290: {  	s17 =	sor.u32 s23, s29;
	v12 =	vld [tilespmem:s16+$0x0];
	v9 =	vmax.u32 v9, v19;
	v13 =	vand.u32 $0xFFFFFFE0, v13;
	v10 =	vmax.u32 v10, v14  }
0x291: {  	s18 =	sor.u32 s26, s29;
	v19 =	vld [tilespmem:s17+$0x0];
	v13 =	vor.u32 $0x5, v13;
	v20 =	vmax.u32 v9, v20;
	v18 =	vand.u32 $0xFFFFFFE0, v18  }
0x292: {  	s19 =	sor.u32 s28, s29;
	v14 =	vld [tilespmem:s18+$0x0];
	v13 =	vmax.u32 v11, v13;
	v17 =	vand.u32 $0xFFFFFFE0, v17;
	v9 =	vor.u32 $0x4, v18  }
0x293: {  	v21 =	vld [tilespmem:s19+$0x0];
	s20 =	sor.u32 s23, s25;
	v11 =	vand.u32 $0xFFFFFFE0, v15;
	v16 =	vand.u32 $0xFFFFFFE0, v16;
	v18 =	vmax.u32 v10, v9  }
0x294: {  	s21 =	sor.u32 s26, s25;
	v15 =	vld [tilespmem:s20+$0x0];
	v9 =	vor.u32 $0x4, v11;
	v10 =	vor.u32 $0x3, v17;
	v16 =	vor.u32 $0x3, v16  }
0x295: {  	s25 =	sor.u32 s28, s25;
	v11 =	vld [tilespmem:s21+$0x0];
	v12 =	vand.u32 $0xFFFFFFE0, v12;
	v13 =	vmax.u32 v13, v9;
	v17 =	vmax.u32 v20, v10  }
0x296: {  	s29 =	sor.u32 s23, s24;
	v9 =	vld [tilespmem:s25+$0x0];
	v5 =	vand.u32 $0xFFFFFFE0, v19;
	v16 =	vmax.u32 v18, v16;
	v12 =	vor.u32 $0x3, v12  }
0x297: {  	s30 =	sor.u32 s26, s24;
	v10 =	vld [tilespmem:s29+$0x0];
	v5 =	vor.u32 $0x2, v5;
	v8 =	vand.u32 $0xFFFFFFE0, v14;
	v14 =	vmax.u32 v13, v12  }
0x298: {  	s31 =	sor.u32 s28, s24;
	v13 =	vmax.u32 v17, v5;
	v5 =	vor.u32 $0x2, v8;
	v8 =	vld [tilespmem:s30+$0x0];
	v17 =	vand.u32 $0xFFFFFFE0, v21  }
0x299: {  	s24 =	simm.s32 $0x80;
	s11 =	simm.s32 $0x4;
	v15 =	vand.u32 $0xFFFFFFE0, v15;
	v12 =	vmax.u32 v16, v5;
	v16 =	vor.u32 $0x2, v17;
	v5 =	vld [tilespmem:s31+$0x0]  }
.LBB2_9:
0x29a: {  	s1 =	sand.u32 $0x40, s24;
	s3 =	sand.u32 $0x780, s24  }
0x29b: {  	[tilespmem:v4+s22+$0x0] =	vst.idx.add.f32.msk vm2, v2;
	s4 =	sor.u32 $0x11000, s3;
	s2 =	sor.u32 $0x30, s1  }
0x29c: {  	v15 =	vor.u32 $0x1, v15;
	[tilespmem:v6+s22+$0x0] =	vst.idx.add.f32.msk vm1, v2;
	s6 =	sor.u32 $0x11800, s3;
	s7 =	sor.u32 $0x12000, s3;
	s0 =	sor.u32 $0x10, s1  }
0x29d: {  	v14 =	vmax.u32 v14, v16;
	[tilespmem:v7+s22+$0x0] =	vst.idx.add.f32.msk vm0, v2;
	v4 =	vmax.u32 v13, v15;
	s8 =	sor.u32 $0x12800, s3;
	s17 =	sor.u32 $0x13000, s3;
	s12 =	sor.u32 s1, s4;
	v11 =	vand.u32 $0xFFFFFFE0, v11  }
0x29e: {  	s16 =	sor.u32 $0x13800, s3;
	s18 =	sor.u32 $0x14000, s3;
	s9 =	sor.u32 s2, s6;
	v15 =	vld [tilespmem:s12+$0x0];
	v9 =	vand.u32 $0xFFFFFFE0, v9;
	v6 =	vand.u32 $0xFFFFFFE0, v10;
	v11 =	vor.u32 $0x1, v11  }
0x29f: {  	s26 =	sor.u32 $0x14800, s3;
	s31 =	sor.u32 $0x16000, s3;
	s5 =	sor.u32 s2, s4;
	v9 =	vor.u32 $0x1, v9;
	v6 =	vmax.u32 v4, v6;
	v4 =	vand.u32 $0xFFFFFFE0, v8;
	v8 =	vld [tilespmem:s9+$0x0]  }
0x2a0: {  	s20 =	sor.u32 s2, s7;
	s21 =	sor.u32 s2, s8;
	s13 =	sor.u32 s1, s6;
	v10 =	vmax.u32 v12, v11;
	v11 =	vld [tilespmem:s5+$0x0];
	v7 =	vmax.u32 v14, v9;
	v9 =	vshll.u32 v6, $0x4  }
0x2a1: {  	s22 =	sor.u32 s2, s17;
	s19 =	sor.u32 s0, s4;
	s23 =	sor.u32 s2, s16;
	vm2 =	vgt.s32 v6, $0x3EFFFFFF;
	v10 =	vmax.u32 v10, v4;
	v4 =	vand.u32 $0xFFFFFFE0, v5;
	v5 =	vld [tilespmem:s20+$0x0]  }
0x2a2: {  	s25 =	sor.u32 s2, s18;
	s28 =	sor.u32 s2, s26;
	s10 =	sor.u32 s0, s7;
	v14 =	vld [tilespmem:s21+$0x0];
	v9 =	vand.u32 $0x1F0, v9;
	v12 =	vshll.u32 v10, $0x4;
	v13 =	vmax.u32 v7, v4  }
0x2a3: {  	s14 =	sor.u32 s2, s31;
	[smem:$0x7D5] =	sst s10;
	s5 =	sor.u32 $0x20, s1;
	v4 =	vsub.s32 v3, v9;
	vm1 =	vgt.s32 v10, $0x3EFFFFFF;
	v7 =	vand.u32 $0x1F0, v12;
	v12 =	vld [tilespmem:s22+$0x0]  }
0x2a4: {  	s12 =	sor.u32 s0, s16;
	s21 =	sor.u32 s0, s6;
	s20 =	sor.u32 s5, s4;
	v9 =	vshll.u32 v13, $0x4;
	vm0 =	vgt.s32 v13, $0x3EFFFFFF;
	v13 =	vld [tilespmem:s28+$0x0];
	v6 =	vsub.s32 v3, v7  }
0x2a5: {  	s6 =	sor.u32 s5, s6;
	s4 =	sor.u32 $0x16800, s3;
	s22 =	sor.u32 $0x15000, s3;
	v7 =	vand.u32 $0x1F0, v9;
	v9 =	vld [tilespmem:s23+$0x0];
	v8 =	vand.u32 $0xFFFFFFE0, v8;
	v10 =	vand.u32 $0xFFFFFFE0, v11  }
0x2a6: {  	[smem:$0x7D4] =	sst s6;
	s23 =	sor.u32 $0x15800, s3;
	s29 =	sor.u32 s2, s22;
	v11 =	vld [tilespmem:s25+$0x0];
	v8 =	vor.u32 $0xF, v8;
	v10 =	vor.u32 $0x10, v10;
	v5 =	vand.u32 $0xFFFFFFE0, v5  }
0x2a7: {  	s28 =	sor.u32 s1, s7;
	s7 =	sor.u32 s5, s7;
	s30 =	sor.u32 s2, s23;
	v8 =	vmax.u32 v10, v8;
	v5 =	vor.u32 $0xE, v5;
	v10 =	vand.u32 $0xFFFFFFE0, v14;
	v14 =	vld [tilespmem:s29+$0x0]  }
0x2a8: {  	s6 =	sor.u32 $0x17000, s3;
	s15 =	sor.u32 s2, s4;
	[smem:$0x7D6] =	sst s7;
	v5 =	vmax.u32 v8, v5;
	v8 =	vor.u32 $0xD, v10;
	v10 =	vand.u32 $0xFFFFFFE0, v12;
	v12 =	vld [tilespmem:s30+$0x0]  }
0x2a9: {  	s7 =	sor.u32 $0x18800, s3;
	s25 =	sor.u32 s2, s6;
	v5 =	vmax.u32 v5, v8;
	v8 =	vor.u32 $0xC, v10;
	v10 =	vld [tilespmem:s14+$0x0];
	s14 =	sor.u32 s0, s17  }
0x2aa: {  	s29 =	sor.u32 $0x18000, s3;
	v9 =	vand.u32 $0xFFFFFFE0, v9;
	[smem:$0x7D7] =	sst s14;
	s14 =	sor.u32 s1, s16  }
0x2ab: {  	s30 =	sor.u32 $0x17800, s3;
	v5 =	vmax.u32 v5, v8;
	v8 =	vor.u32 $0xB, v9;
	v9 =	vand.u32 $0xFFFFFFE0, v11;
	v11 =	vld [tilespmem:s15+$0x0];
	s16 =	sor.u32 s5, s16;
	[smem:$0x7D8] =	sst s14  }
0x2ac: {  	s3 =	sor.u32 $0x19000, s3;
	v5 =	vmax.u32 v5, v8;
	v8 =	vor.u32 $0xA, v9;
	v9 =	vand.u32 $0xFFFFFFE0, v13;
	v13 =	vld [tilespmem:s25+$0x0];
	s25 =	sor.u32 s2, s30;
	[smem:$0x7D9] =	sst s16  }
0x2ad: {  	s16 =	sor.u32 s2, s3;
	s14 =	sor.u32 s0, s18;
	v5 =	vmax.u32 v5, v8;
	v8 =	vor.u32 $0x9, v9;
	v9 =	vand.u32 $0xFFFFFFE0, v14;
	v14 =	vld [tilespmem:s25+$0x0];
	s25 =	sor.u32 s2, s29  }
0x2ae: {  	[smem:$0x7DA] =	sst s14;
	s14 =	sor.u32 s5, s22;
	v5 =	vmax.u32 v5, v8;
	v8 =	vor.u32 $0x8, v9;
	v9 =	vand.u32 $0xFFFFFFE0, v12;
	v12 =	vld [tilespmem:s25+$0x0];
	s25 =	sor.u32 s2, s7  }
0x2af: {  	s2 =	sor.u32 s1, s18;
	s18 =	sor.u32 s5, s18;
	[dreg:$0x1a] =	wrdreg s14  }
0x2b0: {  	s14 =	sor.u32 s5, s31;
	v5 =	vmax.u32 v5, v8;
	v8 =	vor.u32 $0x7, v9;
	v9 =	vand.u32 $0xFFFFFFE0, v10;
	[smem:$0x7DB] =	sst s18  }
0x2b1: {  	v10 =	vld [tilespmem:s25+$0x0];
	[dreg:$0xe] =	wrdreg s14;
	v5 =	vmax.u32 v5, v8;
	v8 =	vor.u32 $0x6, v9;
	v9 =	vand.u32 $0xFFFFFFE0, v11  }
0x2b2: {  	s18 =	sor.u32 s0, s26;
	s14 =	sld [smem:$0x7D6];
	v11 =	vld [tilespmem:s16+$0x0];
	v5 =	vmax.u32 v5, v8;
	v8 =	vor.u32 $0x5, v9;
	v9 =	vand.u32 $0xFFFFFFE0, v13  }
0x2b3: {  	[smem:$0x7DC] =	sst s18;
	v13 =	vld [tilespmem:s13+$0x0];
	v5 =	vmax.u32 v5, v8;
	v8 =	vor.u32 $0x4, v9;
	v9 =	vand.u32 $0xFFFFFFE0, v14  }
0x2b4: {  	s18 =	sor.u32 s1, s23;
	v5 =	vmax.u32 v5, v8;
	v8 =	vor.u32 $0x3, v9;
	v9 =	vand.u32 $0xFFFFFFE0, v12;
	v12 =	vld [tilespmem:s21+$0x0];
	s21 =	sor.u32 s0, s23;
	s23 =	sor.u32 s5, s23  }
0x2b5: {  	s25 =	sor.u32 s5, s26;
	[dreg:$0x14] =	wrdreg s23  }
0x2b6: {  	s13 =	sor.u32 s1, s26;
	s26 =	sor.u32 s1, s22;
	v14 =	vld [tilespmem:s19+$0x0];
	v5 =	vmax.u32 v5, v8;
	v8 =	vor.u32 $0x2, v9;
	v9 =	vand.u32 $0xFFFFFFE0, v10;
	s23 =	sld [smem:$0x7D4]  }
0x2b7: {  	[smem:$0x7DE] =	sst s26;
	s26 =	sor.u32 s0, s31;
	v10 =	vand.u32 $0xFFFFFFE0, v15;
	v15 =	vld [tilespmem:s20+$0x0];
	v5 =	vmax.u32 v5, v8;
	v8 =	vor.u32 $0x1, v9  }
0x2b8: {  	[dreg:$0x11] =	wrdreg s26;
	v5 =	vmax.u32 v5, v8;
	v8 =	vand.u32 $0xFFFFFFE0, v11;
	v11 =	vand.u32 $0xFFFFFFE0, v13;
	v13 =	vld [tilespmem:s28+$0x0]  }
0x2b9: {  	s10 =	sor.u32 s0, s8;
	s26 =	sld [smem:$0x7D5];
	v9 =	vor.u32 $0x10, v10;
	v10 =	vld [tilespmem:s23+$0x0]  }
0x2ba: {  	v18 =	vld [tilespmem:s10+$0x0];
	v5 =	vmax.u32 v5, v8;
	v8 =	vor.u32 $0xF, v11  }
0x2bb: {  	v17 =	vld [tilespmem:s14+$0x0];
	v11 =	vand.u32 $0xFFFFFFE0, v14;
	v16 =	vshll.u32 v5, $0x4;
	v12 =	vand.u32 $0xFFFFFFE0, v12  }
0x2bc: {  	s9 =	sor.u32 s1, s8;
	s15 =	sor.u32 s5, s8;
	[smem:$0x7DD] =	sst s25;
	v14 =	vld [tilespmem:s26+$0x0];
	vm3 =	vgt.s32 v5, $0x3EFFFFFF;
	v11 =	vor.u32 $0x10, v11;
	v8 =	vmax.u32 v9, v8  }
0x2bd: {  	s8 =	sor.u32 s1, s17;
	s17 =	sor.u32 s5, s17;
	[dreg:$0x1d] =	wrdreg s18;
	v5 =	vld [tilespmem:s9+$0x0];
	v16 =	vand.u32 $0x1F0, v16;
	v15 =	vand.u32 $0xFFFFFFE0, v15;
	v12 =	vor.u32 $0xF, v12  }
0x2be: {  	s25 =	sor.u32 s1, s31;
	s16 =	sor.u32 s1, s7;
	v16 =	vsub.s32 v3, v16;
	v9 =	vand.u32 $0xFFFFFFE0, v13;
	v13 =	vld [tilespmem:s15+$0x0];
	s15 =	sld [smem:$0x7D7];
	v10 =	vand.u32 $0xFFFFFFE0, v10  }
0x2bf: {  	[dreg:$0x16] =	wrdreg s25;
	s18 =	sor.u32 s0, s4;
	s25 =	sor.u32 s1, s30;
	v15 =	vor.u32 $0x10, v15;
	v11 =	vmax.u32 v11, v12;
	v10 =	vor.u32 $0xF, v10  }
0x2c0: {  	v19 =	vld [tilespmem:s8+$0x0];
	s19 =	sor.u32 s0, s22;
	s22 =	simm.s32 $0x19800;
	[dreg:$0xb] =	wrdreg s18;
	v9 =	vor.u32 $0xE, v9;
	v10 =	vmax.u32 v15, v10;
	v15 =	vand.u32 $0xFFFFFFE0, v17  }
0x2c1: {  	s31 =	sor.u32 s5, s6;
	[dreg:$0x5] =	wrdreg s25;
	s18 =	sor.u32 s0, s29;
	v12 =	vand.u32 $0xFFFFFFE0, v14;
	v8 =	vmax.u32 v8, v9;
	v14 =	vld [tilespmem:s15+$0x0];
	v9 =	vor.u32 $0xE, v15  }
0x2c2: {  	s14 =	sor.u32 s5, s29;
	s20 =	sor.u32 s1, s4;
	v12 =	vor.u32 $0xE, v12;
	v9 =	vmax.u32 v10, v9;
	v10 =	vld [tilespmem:s17+$0x0];
	s17 =	sld [smem:$0x7D8]  }
0x2c3: {  	s4 =	sor.u32 s5, s4;
	s23 =	sor.u32 s1, s29;
	s29 =	sld [smem:$0x7D9];
	v5 =	vand.u32 $0xFFFFFFE0, v5;
	v11 =	vmax.u32 v11, v12;
	v12 =	vand.u32 $0xFFFFFFE0, v18;
	[tilespmem:v16+s22+$0x0] =	vst.idx.add.f32.msk vm3, v2  }
0x2c4: {  	s25 =	sor.u32 s5, s30;
	[dreg:$0x9] =	wrdreg s4;
	s4 =	sor.u32 s1, s6;
	v5 =	vor.u32 $0xD, v5;
	v12 =	vor.u32 $0xD, v12;
	v16 =	vld [tilespmem:s12+$0x0];
	v13 =	vand.u32 $0xFFFFFFE0, v13  }
0x2c5: {  	s28 =	sor.u32 s0, s6;
	s26 =	sor.u32 s0, s30;
	s30 =	sld [smem:$0x7DA];
	v5 =	vmax.u32 v8, v5;
	v8 =	vand.u32 $0xFFFFFFE0, v19;
	v13 =	vor.u32 $0xD, v13;
	v15 =	vld [tilespmem:s17+$0x0]  }
0x2c6: {  	s6 =	sor.u32 s5, s7;
	s5 =	sor.u32 s5, s3;
	s1 =	sor.u32 s1, s3;
	v11 =	vmax.u32 v11, v12;
	v9 =	vmax.u32 v9, v13;
	v13 =	vld [tilespmem:s29+$0x0];
	v12 =	vand.u32 $0xFFFFFFE0, v14  }
0x2c7: {  	s9 =	sor.u32 s0, s7;
	s0 =	sor.u32 s0, s3;
	s3 =	sld [smem:$0x7DB];
	v8 =	vor.u32 $0xC, v8;
	v14 =	vld [tilespmem:s2+$0x0];
	v12 =	vor.u32 $0xC, v12  }
0x2c8: {  	s10 =	sld [smem:$0x7DE];
	v5 =	vmax.u32 v5, v8;
	v8 =	vmax.u32 v11, v12;
	v11 =	vld [tilespmem:s30+$0x0]  }
0x2c9: {  	s7 =	sld [smem:$0x7DC];
	v17 =	vld [tilespmem:s13+$0x0];
	v10 =	vand.u32 $0xFFFFFFE0, v10  }
0x2ca: {  	s8 =	sld [smem:$0x7DD];
	v16 =	vand.u32 $0xFFFFFFE0, v16;
	v10 =	vor.u32 $0xC, v10;
	v12 =	vand.u32 $0xFFFFFFE0, v15;
	v15 =	vld [tilespmem:s3+$0x0]  }
0x2cb: {  	v9 =	vmax.u32 v9, v10;
	v10 =	vor.u32 $0xB, v16;
	v16 =	vld [tilespmem:s10+$0x0];
	v12 =	vor.u32 $0xB, v12  }
0x2cc: {  	v13 =	vand.u32 $0xFFFFFFE0, v13;
	v14 =	vand.u32 $0xFFFFFFE0, v14;
	v5 =	vmax.u32 v5, v12;
	v12 =	vld [tilespmem:s7+$0x0]  }
0x2cd: {  	v8 =	vmax.u32 v8, v10;
	v10 =	vor.u32 $0xB, v13;
	v13 =	vld [tilespmem:s8+$0x0];
	v11 =	vand.u32 $0xFFFFFFE0, v11  }
0x2ce: {  	s13 =	rddreg [dreg:$0x1d];
	v14 =	vor.u32 $0xA, v14;
	v9 =	vmax.u32 v9, v10;
	v10 =	vor.u32 $0xA, v11;
	v11 =	vld [tilespmem:s19+$0x0]  }
0x2cf: {  	s12 =	rddreg [dreg:$0x1a];
	v5 =	vmax.u32 v5, v14;
	v14 =	vand.u32 $0xFFFFFFE0, v15;
	v15 =	vand.u32 $0xFFFFFFE0, v17;
	v17 =	vld [tilespmem:s13+$0x0]  }
0x2d0: {  	s17 =	rddreg [dreg:$0x16];
	v8 =	vmax.u32 v8, v10;
	v10 =	vor.u32 $0xA, v14;
	v14 =	vld [tilespmem:s12+$0x0];
	v15 =	vor.u32 $0x9, v15  }
0x2d1: {  	v12 =	vand.u32 $0xFFFFFFE0, v12;
	v5 =	vmax.u32 v5, v15;
	v15 =	vand.u32 $0xFFFFFFE0, v16;
	v16 =	vld [tilespmem:s17+$0x0]  }
0x2d2: {  	s15 =	rddreg [dreg:$0x14];
	v13 =	vand.u32 $0xFFFFFFE0, v13;
	v9 =	vmax.u32 v9, v10;
	v10 =	vor.u32 $0x9, v12;
	v12 =	vld [tilespmem:s21+$0x0]  }
0x2d3: {  	s19 =	rddreg [dreg:$0x11];
	v11 =	vand.u32 $0xFFFFFFE0, v11;
	v8 =	vmax.u32 v8, v10;
	v10 =	vor.u32 $0x9, v13;
	v13 =	vld [tilespmem:s15+$0x0]  }
0x2d4: {  	v15 =	vor.u32 $0x8, v15;
	v9 =	vmax.u32 v9, v10;
	v10 =	vor.u32 $0x8, v11;
	v11 =	vld [tilespmem:s19+$0x0]  }
0x2d5: {  	s21 =	rddreg [dreg:$0xe];
	v5 =	vmax.u32 v5, v15;
	v15 =	vand.u32 $0xFFFFFFE0, v17;
	v17 =	vld [tilespmem:s20+$0x0];
	v14 =	vand.u32 $0xFFFFFFE0, v14  }
0x2d6: {  	v8 =	vmax.u32 v8, v10;
	v15 =	vor.u32 $0x7, v15;
	v10 =	vor.u32 $0x8, v14;
	v14 =	vld [tilespmem:s21+$0x0]  }
0x2d7: {  	s29 =	rddreg [dreg:$0xb];
	v5 =	vmax.u32 v5, v15;
	v15 =	vand.u32 $0xFFFFFFE0, v16;
	v16 =	vld [tilespmem:s4+$0x0];
	v12 =	vand.u32 $0xFFFFFFE0, v12  }
0x2d8: {  	s30 =	rddreg [dreg:$0x9];
	v9 =	vmax.u32 v9, v10;
	v10 =	vor.u32 $0x7, v12;
	v12 =	vld [tilespmem:s29+$0x0];
	v13 =	vand.u32 $0xFFFFFFE0, v13  }
0x2d9: {  	v15 =	vor.u32 $0x6, v15;
	v8 =	vmax.u32 v8, v10;
	v10 =	vor.u32 $0x7, v13;
	v13 =	vld [tilespmem:s30+$0x0]  }
0x2da: {  	v5 =	vmax.u32 v5, v15;
	v11 =	vand.u32 $0xFFFFFFE0, v11;
	v15 =	vand.u32 $0xFFFFFFE0, v17  }
0x2db: {  	v9 =	vmax.u32 v9, v10;
	v10 =	vor.u32 $0x6, v11;
	v11 =	vld [tilespmem:s28+$0x0];
	v14 =	vand.u32 $0xFFFFFFE0, v14  }
0x2dc: {  	v15 =	vor.u32 $0x5, v15;
	v8 =	vmax.u32 v8, v10;
	v10 =	vor.u32 $0x6, v14;
	v14 =	vld [tilespmem:s31+$0x0];
	s31 =	rddreg [dreg:$0x5]  }
0x2dd: {  	v5 =	vmax.u32 v5, v15;
	v15 =	vand.u32 $0xFFFFFFE0, v16;
	v17 =	vld [tilespmem:s31+$0x0];
	v12 =	vand.u32 $0xFFFFFFE0, v12  }
0x2de: {  	v9 =	vmax.u32 v9, v10;
	v10 =	vor.u32 $0x5, v12;
	v12 =	vld [tilespmem:s26+$0x0];
	v13 =	vand.u32 $0xFFFFFFE0, v13  }
0x2df: {  	v15 =	vor.u32 $0x4, v15;
	v8 =	vmax.u32 v8, v10;
	v10 =	vor.u32 $0x5, v13;
	v13 =	vld [tilespmem:s25+$0x0]  }
0x2e0: {  	v7 =	vsub.s32 v3, v7;
	v16 =	vld [tilespmem:s23+$0x0];
	v5 =	vmax.u32 v5, v15;
	v11 =	vand.u32 $0xFFFFFFE0, v11  }
0x2e1: {  	v15 =	vld [tilespmem:s18+$0x0];
	v9 =	vmax.u32 v9, v10;
	v10 =	vor.u32 $0x4, v11;
	v11 =	vand.u32 $0xFFFFFFE0, v14  }
0x2e2: {  	s11 =	sadd.s32 $0x4, s11;
	v8 =	vmax.u32 v8, v10;
	v14 =	vand.u32 $0xFFFFFFE0, v17;
	v10 =	vor.u32 $0x4, v11;
	v17 =	vld [tilespmem:s14+$0x0]  }
0x2e3: {  	p0 =	slt.u32 s11, $0x7C;
	v18 =	vld [tilespmem:s16+$0x0];
	v11 =	vor.u32 $0x3, v14;
	v12 =	vand.u32 $0xFFFFFFE0, v12;
	v14 =	vmax.u32 v9, v10  }
.Ltmp3:
0x2e4: {  	v5 =	vmax.u32 v5, v11;
	v9 =	vor.u32 $0x3, v12;
	v11 =	vld [tilespmem:s9+$0x0];
	v10 =	vand.u32 $0xFFFFFFE0, v13;
	(pc) =	sbr.rel @p0 .LBB2_9-.Ltmp3, $4  }
0x2e5: {  	v12 =	vand.u32 $0xFFFFFFE0, v16;
	v16 =	vmax.u32 v8, v9;
	v8 =	vor.u32 $0x3, v10;
	v9 =	vld [tilespmem:s6+$0x0]  }
0x2e6: {  	v15 =	vand.u32 $0xFFFFFFE0, v15;
	v12 =	vor.u32 $0x2, v12;
	v10 =	vld [tilespmem:s1+$0x0];
	v14 =	vmax.u32 v14, v8  }
0x2e7: {  	v13 =	vmax.u32 v5, v12;
	v5 =	vor.u32 $0x2, v15;
	v8 =	vld [tilespmem:s0+$0x0];
	v17 =	vand.u32 $0xFFFFFFE0, v17  }
0x2e8: {  	s24 =	sadd.s32 $0x40, s24;
	v15 =	vand.u32 $0xFFFFFFE0, v18;
	v12 =	vmax.u32 v16, v5;
	v5 =	vld [tilespmem:s5+$0x0];
	v16 =	vor.u32 $0x2, v17  }
0x2e9: {  	_ = 	snop  }
0x2ea: {  	v15 =	vor.u32 $0x1, v15  }
0x2eb: {  	v13 =	vmax.u32 v13, v15;
	v10 =	vand.u32 $0xFFFFFFE0, v10  }
0x2ec: {  	v10 =	vmax.u32 v13, v10  }
0x2ed: {  	v56 =	vshll.u32 v10, $0x4  }
0x2ee: {  	vm3 =	vgt.s32 v10, $0x3EFFFFFF;
	v57 =	vand.u32 $0x1F0, v56  }
0x2ef: {  	v59 =	vsub.s32 v3, v57;
	_ =	sdelay $0x1  }
0x2f0: {  	[tilespmem:v4+s22+$0x0] =	vst.idx.add.f32.msk vm2, v2  }
0x2f1: {  	v11 =	vand.u32 $0xFFFFFFE0, v11;
	[tilespmem:v6+s22+$0x0] =	vst.idx.add.f32.msk vm1, v2  }
0x2f2: {  	v14 =	vmax.u32 v14, v16;
	[tilespmem:v7+s22+$0x0] =	vst.idx.add.f32.msk vm0, v2;
	v11 =	vor.u32 $0x1, v11;
	v9 =	vand.u32 $0xFFFFFFE0, v9  }
0x2f3: {  	v11 =	vmax.u32 v12, v11;
	v9 =	vor.u32 $0x1, v9;
	v8 =	vand.u32 $0xFFFFFFE0, v8;
	[tilespmem:v59+s22+$0x0] =	vst.idx.add.f32.msk vm3, v2  }
0x2f4: {  	v9 =	vmax.u32 v14, v9;
	v8 =	vmax.u32 v11, v8;
	v5 =	vand.u32 $0xFFFFFFE0, v5;
	s0 =	sld [smem:$0x7F3]  }
0x2f5: {  	v58 =	vshll.u32 v8, $0x4;
	v5 =	vmax.u32 v9, v5  }
0x2f6: {  	vm4 =	vgt.s32 v8, $0x3EFFFFFF;
	v60 =	vand.u32 $0x1F0, v58;
	v61 =	vshll.u32 v5, $0x4  }
0x2f7: {  	vm5 =	vgt.s32 v5, $0x3EFFFFFF;
	v62 =	vsub.s32 v3, v60;
	v63 =	vand.u32 $0x1F0, v61;
	s0 =	sadd.s32 $0x1, s0  }
0x2f8: {  	v3 =	vsub.s32 v3, v63;
	p0 =	sne.s32 s0, $0x8  }
.Ltmp4:
0x2f9: {  	_ = 	snop;
	(pc) =	sbr.rel @p0 .LBB2_4-.Ltmp4, $3  }
0x2fa: {  	_ =	sdelay $0x1  }
0x2fb: {  	[tilespmem:v62+s22+$0x0] =	vst.idx.add.f32.msk vm4, v2  }
0x2fc: {  	[tilespmem:v3+s22+$0x0] =	vst.idx.add.f32.msk vm5, v2  }
0x2fd: {  	s0 =	sld [smem:$0x7FC];
	_ =	sdelay $0x1  }
0x2fe: {  	s7 =	simm.s32 $0x0;
	s1 =	simm.s32 $0x4  }
0x2ff: {  	[hbm4b:s0+s7] =	stream.linear.scatter [tilespmem:s22], [sflag:$0x4], $0x330, $0x38;
	[tilespmem:$0x19B80] =	vst v63  }
0x300: {  	_ =	swait.ge [sflag:s1], $0x330  }
0x301: {  	s2 =	sld [smem:$0x7F6]  }
0x302: {  	s31 =	sld [smem:$0x7FD];
	_ =	sdelay $0x1  }
0x303: {  	s2 =	sadd.s32 $0x1, s2  }
0x304: {  	p0 =	sne.s32 s2, s31  }
.Ltmp5:
0x305: {  	_ = 	snop;
	(pc) =	sbr.rel @p0 .LBB2_1-.Ltmp5, $3  }
0x306: {  	_ =	sdelay $0x1  }
0x307: {  	[sflag:s1] =	ssyncset.done $0x0  }
0x308: {  	[sflag:s1] =	ssyncadd.s32 $0xFFFFFCD0  }
0x309: {  	_ =	sfence.sel $0x180000  }
0x30a: {  	[bflag:$0x0] =	sbarrier.arrive $0xFFFF  }
0x30b: {  	_ =	strace $0x90000047  }
0x30c: {  	s0 =	stileid.u32;
	[bflag:$0x2] =	sbarrier.arrive $0xFFFF  }
0x30d: {  	p0 =	sne.s32 s0, $0x0;
	s0 =	rddreg [dreg:$0x2]  }
0x30e: {  	s0 =	sadd.s32 @!p0 $0x100000, s0  }
0x30f: {  	[sflag:s0] =	ssyncadd.tile.s32 @!p0 $0x1;
	_ =	shalt  }
.Lfunc_end2:
_tile_overlayer_lowered:
.L_overlay_start_2:
0x310: {  	(tag) =	ssettag $0x2  }
0x311: {  	s0 =	rddreg [dreg:$0x0];
	s2 =	stileid.u32  }
0x312: {  	s1 =	rddreg [dreg:$0x1];
	p0 =	sne.s32 s2, $0x0  }
0x313: {  	s3 =	rddreg [dreg:$0x2];
	[bflag:$0x3] =	sbarrier.arrive $0xFFFF;
	s2 =	simm.s32 @!p0 $0x1C04  }
0x314: {  	[timem:s3], [sflag:s2] =	dma.local @!p0 [hbm:s0], s1  }
0x315: {  	s0 =	simm.s32 @!p0 $0x4  }
0x316: {  	_ =	swait.ge @!p0 [sflag:s0], s1  }
0x317: {  	s1 =	ssub.s32 @!p0 $0x0, s1;
	[sflag:s0] =	ssyncset.done @!p0 $0x0  }
0x318: {  	[sflag:s0] =	ssyncadd.s32 @!p0 s1  }
0x319: {  	[bflag:$0x3] =	sbarrier.arrive $0xFFFF  }
0x31a: {  	_ =	shalt  }

</sc_bundles>
